<compile_context>
chip_gen: v7x
topology: tpu7x:2x2x1
jax: 0.10.2.dev20260603
libtpu: 0.0.44.dev20260713+nightly
codegen_flags: <defaults>
</compile_context>

<pallas_src>
import functools

import jax
import jax.numpy as jnp
from jax import lax
from jax.experimental import pallas as pl
from jax.experimental.pallas import tpu as pltpu
from jax.experimental.pallas import tpu_sc as plsc

_NUM_NODES = 16384
_NUM_CATS = 64
_NUM_VARS = 100
_BATCH = 1024

_LANES = 16
_NC = 2
_NS = 16
_NW = _NC * _NS
_NPW = _NUM_NODES // _NW
_NPAIR = 16
_OB = 8
_DWORDS = _NUM_VARS * _BATCH // 2
_HB = _BATCH // 2
_NPAIRS = _NPW // _NPAIR
_LPW = _NPW * _NUM_CATS


def _prep_body(p_ref, d_ref, lp_ref, drep_ref):
    lp_ref[...] = jnp.log(p_ref[...])
    d = d_ref[...]
    packed = d[:, :_HB] | (d[:, _HB:] << 16)
    drep_ref[...] = jnp.broadcast_to(
        packed.reshape(_DWORDS // 128, 128)[None], (_NW, _DWORDS // 128, 128))


def _sc_gather(lp, drep, vids):
    mesh = plsc.VectorSubcoreMesh(core_axis_name="c", subcore_axis_name="s")

    @functools.partial(
        pl.kernel,
        mesh=mesh,
        out_type=jax.ShapeDtypeStruct((_NUM_NODES, _BATCH), jnp.float32),
        compiler_params=pltpu.CompilerParams(needs_layout_passes=False,
                                             use_tc_tiling_on_sc=True),
        scratch_types=[
            pltpu.VMEM((_DWORDS,), jnp.int32),
            pltpu.VMEM((_NPW,), jnp.int32),
            pltpu.VMEM((_LPW,), jnp.float32),
            pltpu.VMEM((_OB, _BATCH), jnp.float32),
            pltpu.VMEM((_OB, _BATCH), jnp.float32),
            pltpu.SemaphoreType.DMA,
            pltpu.SemaphoreType.DMA,
            pltpu.SemaphoreType.DMA,
        ],
    )
    def k(lp_hbm, drep_hbm, vids_hbm, out_hbm, data_v, vids_v, lp_v,
          out_a, out_b, sem_a, sem_b, sem_in):
        wid = lax.axis_index("s") * _NC + lax.axis_index("c")
        nbase = wid * _NPW
        cps = [
            pltpu.async_copy(drep_hbm.at[pl.ds(wid * _DWORDS, _DWORDS)],
                             data_v, sem_in),
            pltpu.async_copy(lp_hbm.at[pl.ds(nbase * _NUM_CATS, _LPW)],
                             lp_v, sem_in),
            pltpu.async_copy(vids_hbm.at[pl.ds(nbase, _NPW)], vids_v, sem_in),
        ]
        for cp in cps:
            cp.wait()
        bufs = (out_a, out_b)
        sems = (sem_a, sem_b)

        def pair_body(p, _):
            vg = vids_v[pl.ds(p * _NPAIR, _NPAIR)]
            for half in range(2):
                buf = bufs[half]
                sem = sems[half]

                @pl.when(p > 0)
                def _(buf=buf, sem=sem):
                    pltpu.make_async_copy(
                        out_hbm.at[pl.ds(0, _OB)], buf, sem).wait()

                for kk in range(_OB):
                    i = half * _OB + kk
                    dbase = vg[i] * _HB
                    lpbase = jnp.full(
                        (_LANES,), (p * _NPAIR + i) * _NUM_CATS, jnp.int32)

                    @plsc.parallel_loop(0, _HB // _LANES, unroll=16)
                    def j_body(j, dbase=dbase, lpbase=lpbase, kk=kk, buf=buf):
                        w = data_v[pl.ds(dbase + j * _LANES, _LANES)]
                        lo = w & 0xFFFF
                        hi = w >> 16
                        va = plsc.load_gather(lp_v, [lpbase + lo])
                        vb = plsc.load_gather(lp_v, [lpbase + hi])
                        buf[kk, pl.ds(j * _LANES, _LANES)] = va
                        buf[kk, pl.ds(_HB + j * _LANES, _LANES)] = vb

                pltpu.async_copy(
                    buf,
                    out_hbm.at[pl.ds(nbase + p * _NPAIR + half * _OB, _OB)],
                    sem)
            return 0

        lax.fori_loop(0, _NPAIRS, pair_body, 0)
        for half in range(2):
            pltpu.make_async_copy(
                out_hbm.at[pl.ds(0, _OB)], bufs[half], sems[half]).wait()

    return k(lp, drep, vids)


def kernel(data, vids, params):
    data = data.astype(jnp.int32)
    vids = vids.astype(jnp.int32)
    lp, drep = pl.pallas_call(
        _prep_body,
        out_shape=[
            jax.ShapeDtypeStruct((8192, 128), jnp.float32),
            jax.ShapeDtypeStruct((_NW, _DWORDS // 128, 128), jnp.int32),
        ],
    )(params.reshape(8192, 128), data)
    return _sc_gather(lp.reshape(-1), drep.reshape(-1), vids)

# --- scband reference (transcript-rebuilt; emitter-appended) ---
"""Pipeline reference for scband-input-layer-14989435863704 (READ-ONLY COPY).

The authoritative reference and input builder live on the scoring server;
editing this copy changes nothing except your own understanding.
"""

import jax, jax.numpy as jnp
import numpy as np

NUM_NODES = 16384
NUM_CATS = 64
NUM_VARS = 100
BATCH = 1024

def setup_inputs(seed: int = 0) -> dict:
    key = jax.random.key(seed)
    k1, k2, k3 = jax.random.split(key, 3)
    # data[v, b]: observed categorical value of variable v in batch element b
    data = jax.random.randint(k1, (NUM_VARS, BATCH), 0, NUM_CATS, dtype=jnp.int64)
    # vids[n]: which variable each input-distribution node is defined on
    vids = jax.random.randint(k2, (NUM_NODES,), 0, NUM_VARS, dtype=jnp.int64)
    # flat categorical parameter table; node n owns params[n*NUM_CATS : (n+1)*NUM_CATS]
    params = jax.random.uniform(k3, (NUM_NODES * NUM_CATS,), dtype=jnp.float32, minval=0.01, maxval=1.0)
    return {"data": data, "vids": vids, "params": params}

def reference(data, vids, params):
    # Faithful translation of InputLayer.forward for a categorical input layer:
    # the triton _mars_kernel computes, for each node n and batch b,
    #   node_mars[node_offset + n, b] = log( params[s_pids[n] + data[vids[n], b]] )
    # where s_pids[n] = param_range start for node n (contiguous layout: n * num_cats)
    # and inc_pids = num_parameters per node (NUM_CATS).
    s_pids = (jnp.arange(NUM_NODES, dtype=jnp.int64) * NUM_CATS)  # [N]
    vals = jnp.take(data, vids, axis=0)                            # gather: [N, B]
    pidx = s_pids[:, None] + vals                                  # [N, B] flat param ids
    mars = jnp.log(jnp.take(params, pidx))                         # gather + log: [N, B]
    return mars

if __name__ == "__main__":
    import jax
    _d = setup_inputs()
    print(jax.jit(kernel)(*tuple(_d.values())))

</pallas_src>

<mosaic_0001>
#map = affine_map<(d0, d1) -> (0)>
#map1 = affine_map<(d0, d1) -> (0, 0)>
module attributes {stable_mosaic.version = 14 : i64} {
  func.func @k(%arg0: i32, %arg1: i32, %arg2: memref<1048576xf32, #tpu.memory_space<hbm>>, %arg3: memref<1638400xi32, #tpu.memory_space<hbm>>, %arg4: memref<16384xi32, #tpu.memory_space<hbm>>, %arg5: memref<16384x1024xf32, #tpu.memory_space<hbm>>, %arg6: memref<51200xi32, #tpu.memory_space<vmem>>, %arg7: memref<512xi32, #tpu.memory_space<vmem>>, %arg8: memref<32768xf32, #tpu.memory_space<vmem>>, %arg9: memref<8x1024xf32, #tpu.memory_space<vmem>>, %arg10: memref<8x1024xf32, #tpu.memory_space<vmem>>, %arg11: memref<!tpu.dma_semaphore, #tpu.memory_space<semaphore_mem>>, %arg12: memref<!tpu.dma_semaphore, #tpu.memory_space<semaphore_mem>>, %arg13: memref<!tpu.dma_semaphore, #tpu.memory_space<semaphore_mem>>) attributes {dimension_semantics = [#tpu.dimension_semantics<core_parallel>, #tpu.dimension_semantics<subcore_parallel>], iteration_bounds = array<i64: 2, 16>, scalar_prefetch = 0 : i64, scratch_operands = 8 : i64, tpu.core_type = #tpu.core_type<sc_vector_subcore>, window_params = [{transform_indices = #map}, {transform_indices = #map}, {transform_indices = #map}, {transform_indices = #map1}]} {
    %mul3A = arith.constant 2 : i32
    %mul3A_0 = arith.muli %arg1, %mul3A : i32
    %add3A = arith.addi %mul3A_0, %arg0 : i32
    %mul3A_1 = arith.constant 512 : i32
    %mul3A_2 = arith.muli %add3A, %mul3A_1 : i32
    %mul3A_3 = arith.constant 51200 : i32
    %mul3A_4 = arith.muli %add3A, %mul3A_3 : i32
    %dma_start3A = tpu.memref_slice %arg3[%mul3A_4] : memref<1638400xi32, #tpu.memory_space<hbm>> -> memref<51200xi32, #tpu.memory_space<hbm>>
    %dma_start3A_5 = tpu.memref_slice %arg3[%mul3A_4] : memref<1638400xi32, #tpu.memory_space<hbm>> -> memref<51200xi32, #tpu.memory_space<hbm>>
    tpu.enqueue_dma source(%dma_start3A_5 : memref<51200xi32, #tpu.memory_space<hbm>>) target(%arg6 : memref<51200xi32, #tpu.memory_space<vmem>>) target_semaphore(%arg13 : memref<!tpu.dma_semaphore, #tpu.memory_space<semaphore_mem>>)
    %mul3A_6 = arith.constant 64 : i32
    %mul3A_7 = arith.muli %mul3A_2, %mul3A_6 : i32
    %dma_start3A_8 = tpu.memref_slice %arg2[%mul3A_7] : memref<1048576xf32, #tpu.memory_space<hbm>> -> memref<32768xf32, #tpu.memory_space<hbm>>
    %dma_start3A_9 = tpu.memref_slice %arg2[%mul3A_7] : memref<1048576xf32, #tpu.memory_space<hbm>> -> memref<32768xf32, #tpu.memory_space<hbm>>
    tpu.enqueue_dma source(%dma_start3A_9 : memref<32768xf32, #tpu.memory_space<hbm>>) target(%arg8 : memref<32768xf32, #tpu.memory_space<vmem>>) target_semaphore(%arg13 : memref<!tpu.dma_semaphore, #tpu.memory_space<semaphore_mem>>)
    %dma_start3A_10 = tpu.memref_slice %arg4[%mul3A_2] : memref<16384xi32, #tpu.memory_space<hbm>> -> memref<512xi32, #tpu.memory_space<hbm>>
    %dma_start3A_11 = tpu.memref_slice %arg4[%mul3A_2] : memref<16384xi32, #tpu.memory_space<hbm>> -> memref<512xi32, #tpu.memory_space<hbm>>
    tpu.enqueue_dma source(%dma_start3A_11 : memref<512xi32, #tpu.memory_space<hbm>>) target(%arg7 : memref<512xi32, #tpu.memory_space<vmem>>) target_semaphore(%arg13 : memref<!tpu.dma_semaphore, #tpu.memory_space<semaphore_mem>>)
    %dma_wait3A = tpu.memref_slice %arg3[%mul3A_4] : memref<1638400xi32, #tpu.memory_space<hbm>> -> memref<51200xi32, #tpu.memory_space<hbm>>
    %dma_wait3A_12 = tpu.memref_slice %arg3[%mul3A_4] : memref<1638400xi32, #tpu.memory_space<hbm>> -> memref<51200xi32, #tpu.memory_space<hbm>>
    tpu.wait_dma2 semaphore(%arg13 : memref<!tpu.dma_semaphore, #tpu.memory_space<semaphore_mem>>) src(%dma_wait3A_12 : memref<51200xi32, #tpu.memory_space<hbm>>) dst(%arg6 : memref<51200xi32, #tpu.memory_space<vmem>>)
    %dma_wait3A_13 = tpu.memref_slice %arg2[%mul3A_7] : memref<1048576xf32, #tpu.memory_space<hbm>> -> memref<32768xf32, #tpu.memory_space<hbm>>
    %dma_wait3A_14 = tpu.memref_slice %arg2[%mul3A_7] : memref<1048576xf32, #tpu.memory_space<hbm>> -> memref<32768xf32, #tpu.memory_space<hbm>>
    tpu.wait_dma2 semaphore(%arg13 : memref<!tpu.dma_semaphore, #tpu.memory_space<semaphore_mem>>) src(%dma_wait3A_14 : memref<32768xf32, #tpu.memory_space<hbm>>) dst(%arg8 : memref<32768xf32, #tpu.memory_space<vmem>>)
    %dma_wait3A_15 = tpu.memref_slice %arg4[%mul3A_2] : memref<16384xi32, #tpu.memory_space<hbm>> -> memref<512xi32, #tpu.memory_space<hbm>>
    %dma_wait3A_16 = tpu.memref_slice %arg4[%mul3A_2] : memref<16384xi32, #tpu.memory_space<hbm>> -> memref<512xi32, #tpu.memory_space<hbm>>
    tpu.wait_dma2 semaphore(%arg13 : memref<!tpu.dma_semaphore, #tpu.memory_space<semaphore_mem>>) src(%dma_wait3A_16 : memref<512xi32, #tpu.memory_space<hbm>>) dst(%arg7 : memref<512xi32, #tpu.memory_space<vmem>>)
    %scan3A = arith.constant 0 : i32
    %scan3A_17 = arith.constant 0 : i32
    %scan3A_18 = arith.constant 32 : i32
    %scan3A_19 = arith.addi %scan3A_17, %scan3A_18 : i32
    %scan3A_20 = arith.constant 1 : i32
    %scan3A_21 = scf.for %scan3A_35 = %scan3A_17 to %scan3A_19 step %scan3A_20 iter_args(%scan3A_36 = %scan3A) -> (i32)  : i32 {
      %mul3A_37 = arith.constant 16 : i32
      %mul3A_38 = arith.muli %scan3A_35, %mul3A_37 : i32
      %get3A = arith.index_cast %mul3A_38 : i32 to index
      %get3A_39 = tpu.vector_load %arg7[%get3A] {strides = array<i32>} : memref<512xi32, #tpu.memory_space<vmem>>, vector<16xi32>,
      %gt3A = arith.constant 0 : i32
      %gt3A_40 = arith.cmpi sgt, %scan3A_35, %gt3A : i32
      %convert_element_type3A = arith.extui %gt3A_40 : i1 to i32
      %cond3A = arith.constant 0 : i32
      %cond3A_41 = arith.cmpi ne, %convert_element_type3A, %cond3A : i32
      scf.if %cond3A_41 {
        %dma_wait3A_286 = arith.constant 0 : i32
        %dma_wait3A_287 = arith.constant 0 : i32
        %dma_wait3A_288 = tpu.memref_slice %arg5[%dma_wait3A_286, %dma_wait3A_287] : memref<16384x1024xf32, #tpu.memory_space<hbm>> -> memref<8x1024xf32, #tpu.memory_space<hbm>>
        %dma_wait3A_289 = arith.constant 0 : i32
        %dma_wait3A_290 = arith.constant 0 : i32
        %dma_wait3A_291 = tpu.memref_slice %arg5[%dma_wait3A_289, %dma_wait3A_290] : memref<16384x1024xf32, #tpu.memory_space<hbm>> -> memref<8x1024xf32, #tpu.memory_space<hbm>>
        tpu.wait_dma2 semaphore(%arg11 : memref<!tpu.dma_semaphore, #tpu.memory_space<semaphore_mem>>) src(%dma_wait3A_291 : memref<8x1024xf32, #tpu.memory_space<hbm>>) dst(%arg9 : memref<8x1024xf32, #tpu.memory_space<vmem>>)
      } else {
      }
      %slice3A = vector.extract_strided_slice %get3A_39 {offsets = [0], sizes = [1], strides = [1]} : vector<16xi32> to vector<1xi32>
      %squeeze3A = vector.extract %slice3A[0] : i32 from vector<1xi32>
      %mul3A_42 = arith.constant 512 : i32
      %mul3A_43 = arith.muli %squeeze3A, %mul3A_42 : i32
      %mul3A_44 = arith.constant 16 : i32
      %mul3A_45 = arith.muli %scan3A_35, %mul3A_44 : i32
      %add3A_46 = arith.constant 0 : i32
      %add3A_47 = arith.addi %mul3A_45, %add3A_46 : i32
      %mul3A_48 = arith.constant 64 : i32
      %mul3A_49 = arith.muli %add3A_47, %mul3A_48 : i32
      %broadcast_in_dim3A = vector.broadcast %mul3A_49 : i32 to vector<16xi32>
      %parallel_loop3A = arith.constant 0 : i32
      %parallel_loop3A_50 = arith.constant 32 : i32
      %parallel_loop3A_51 = arith.constant 1 : i32
      scf.for %parallel_loop3A_286 = %parallel_loop3A to %parallel_loop3A_50 step %parallel_loop3A_51  : i32 {
        %parallel_loop3A_287 = arith.constant 16 : i32
        %parallel_loop3A_288 = arith.muli %parallel_loop3A_286, %parallel_loop3A_287 : i32
        %parallel_loop3A_289 = arith.addi %mul3A_43, %parallel_loop3A_288 : i32
        %parallel_loop3A_290 = arith.index_cast %parallel_loop3A_289 : i32 to index
        %parallel_loop3A_291 = tpu.vector_load %arg6[%parallel_loop3A_290] {strides = array<i32>} : memref<51200xi32, #tpu.memory_space<vmem>>, vector<16xi32>,
        %parallel_loop3A_292 = arith.constant 65535 : i32
        %parallel_loop3A_293 = vector.broadcast %parallel_loop3A_292 : i32 to vector<16xi32>
        %parallel_loop3A_294 = arith.andi %parallel_loop3A_291, %parallel_loop3A_293 : vector<16xi32>
        %parallel_loop3A_295 = arith.constant 16 : i32
        %parallel_loop3A_296 = vector.broadcast %parallel_loop3A_295 : i32 to vector<16xi32>
        %parallel_loop3A_297 = arith.shrsi %parallel_loop3A_291, %parallel_loop3A_296 : vector<16xi32>
        %parallel_loop3A_298 = arith.addi %broadcast_in_dim3A, %parallel_loop3A_294 : vector<16xi32>
        %parallel_loop3A_299 = tpu.vector_load_idx %arg8[%parallel_loop3A_298] : memref<32768xf32, #tpu.memory_space<vmem>>[vector<16xi32>], vector<16xf32>,
        %parallel_loop3A_300 = arith.addi %broadcast_in_dim3A, %parallel_loop3A_297 : vector<16xi32>
        %parallel_loop3A_301 = tpu.vector_load_idx %arg8[%parallel_loop3A_300] : memref<32768xf32, #tpu.memory_space<vmem>>[vector<16xi32>], vector<16xf32>,
        %parallel_loop3A_302 = arith.constant 16 : i32
        %parallel_loop3A_303 = arith.muli %parallel_loop3A_286, %parallel_loop3A_302 : i32
        %parallel_loop3A_304 = arith.constant 0 : i32
        %parallel_loop3A_305 = arith.index_cast %parallel_loop3A_304 : i32 to index
        %parallel_loop3A_306 = arith.index_cast %parallel_loop3A_303 : i32 to index
        %parallel_loop3A_307 = tpu.vector_load %arg9[%parallel_loop3A_305, %parallel_loop3A_306] {strides = array<i32>} : memref<8x1024xf32, #tpu.memory_space<vmem>>, vector<16xf32>,
        tpu.vector_store %arg9[%parallel_loop3A_305, %parallel_loop3A_306], %parallel_loop3A_299 {strides = array<i32>} : memref<8x1024xf32, #tpu.memory_space<vmem>>, vector<16xf32>,
        %parallel_loop3A_308 = arith.constant 16 : i32
        %parallel_loop3A_309 = arith.muli %parallel_loop3A_286, %parallel_loop3A_308 : i32
        %parallel_loop3A_310 = arith.constant 512 : i32
        %parallel_loop3A_311 = arith.addi %parallel_loop3A_310, %parallel_loop3A_309 : i32
        %parallel_loop3A_312 = arith.constant 0 : i32
        %parallel_loop3A_313 = arith.index_cast %parallel_loop3A_312 : i32 to index
        %parallel_loop3A_314 = arith.index_cast %parallel_loop3A_311 : i32 to index
        %parallel_loop3A_315 = tpu.vector_load %arg9[%parallel_loop3A_313, %parallel_loop3A_314] {strides = array<i32>} : memref<8x1024xf32, #tpu.memory_space<vmem>>, vector<16xf32>,
        tpu.vector_store %arg9[%parallel_loop3A_313, %parallel_loop3A_314], %parallel_loop3A_301 {strides = array<i32>} : memref<8x1024xf32, #tpu.memory_space<vmem>>, vector<16xf32>,
      } {sc.loop_unroll_factor = 16 : i64, sc.parallel_access}
      %slice3A_52 = vector.extract_strided_slice %get3A_39 {offsets = [1], sizes = [1], strides = [1]} : vector<16xi32> to vector<1xi32>
      %squeeze3A_53 = vector.extract %slice3A_52[0] : i32 from vector<1xi32>
      %mul3A_54 = arith.constant 512 : i32
      %mul3A_55 = arith.muli %squeeze3A_53, %mul3A_54 : i32
      %mul3A_56 = arith.constant 16 : i32
      %mul3A_57 = arith.muli %scan3A_35, %mul3A_56 : i32
      %add3A_58 = arith.constant 1 : i32
      %add3A_59 = arith.addi %mul3A_57, %add3A_58 : i32
      %mul3A_60 = arith.constant 64 : i32
      %mul3A_61 = arith.muli %add3A_59, %mul3A_60 : i32
      %broadcast_in_dim3A_62 = vector.broadcast %mul3A_61 : i32 to vector<16xi32>
      %parallel_loop3A_63 = arith.constant 0 : i32
      %parallel_loop3A_64 = arith.constant 32 : i32
      %parallel_loop3A_65 = arith.constant 1 : i32
      scf.for %parallel_loop3A_286 = %parallel_loop3A_63 to %parallel_loop3A_64 step %parallel_loop3A_65  : i32 {
        %parallel_loop3A_287 = arith.constant 16 : i32
        %parallel_loop3A_288 = arith.muli %parallel_loop3A_286, %parallel_loop3A_287 : i32
        %parallel_loop3A_289 = arith.addi %mul3A_55, %parallel_loop3A_288 : i32
        %parallel_loop3A_290 = arith.index_cast %parallel_loop3A_289 : i32 to index
        %parallel_loop3A_291 = tpu.vector_load %arg6[%parallel_loop3A_290] {strides = array<i32>} : memref<51200xi32, #tpu.memory_space<vmem>>, vector<16xi32>,
        %parallel_loop3A_292 = arith.constant 65535 : i32
        %parallel_loop3A_293 = vector.broadcast %parallel_loop3A_292 : i32 to vector<16xi32>
        %parallel_loop3A_294 = arith.andi %parallel_loop3A_291, %parallel_loop3A_293 : vector<16xi32>
        %parallel_loop3A_295 = arith.constant 16 : i32
        %parallel_loop3A_296 = vector.broadcast %parallel_loop3A_295 : i32 to vector<16xi32>
        %parallel_loop3A_297 = arith.shrsi %parallel_loop3A_291, %parallel_loop3A_296 : vector<16xi32>
        %parallel_loop3A_298 = arith.addi %broadcast_in_dim3A_62, %parallel_loop3A_294 : vector<16xi32>
        %parallel_loop3A_299 = tpu.vector_load_idx %arg8[%parallel_loop3A_298] : memref<32768xf32, #tpu.memory_space<vmem>>[vector<16xi32>], vector<16xf32>,
        %parallel_loop3A_300 = arith.addi %broadcast_in_dim3A_62, %parallel_loop3A_297 : vector<16xi32>
        %parallel_loop3A_301 = tpu.vector_load_idx %arg8[%parallel_loop3A_300] : memref<32768xf32, #tpu.memory_space<vmem>>[vector<16xi32>], vector<16xf32>,
        %parallel_loop3A_302 = arith.constant 16 : i32
        %parallel_loop3A_303 = arith.muli %parallel_loop3A_286, %parallel_loop3A_302 : i32
        %parallel_loop3A_304 = arith.constant 1 : i32
        %parallel_loop3A_305 = arith.index_cast %parallel_loop3A_304 : i32 to index
        %parallel_loop3A_306 = arith.index_cast %parallel_loop3A_303 : i32 to index
        %parallel_loop3A_307 = tpu.vector_load %arg9[%parallel_loop3A_305, %parallel_loop3A_306] {strides = array<i32>} : memref<8x1024xf32, #tpu.memory_space<vmem>>, vector<16xf32>,
        tpu.vector_store %arg9[%parallel_loop3A_305, %parallel_loop3A_306], %parallel_loop3A_299 {strides = array<i32>} : memref<8x1024xf32, #tpu.memory_space<vmem>>, vector<16xf32>,
        %parallel_loop3A_308 = arith.constant 16 : i32
        %parallel_loop3A_309 = arith.muli %parallel_loop3A_286, %parallel_loop3A_308 : i32
        %parallel_loop3A_310 = arith.constant 512 : i32
        %parallel_loop3A_311 = arith.addi %parallel_loop3A_310, %parallel_loop3A_309 : i32
        %parallel_loop3A_312 = arith.constant 1 : i32
        %parallel_loop3A_313 = arith.index_cast %parallel_loop3A_312 : i32 to index
        %parallel_loop3A_314 = arith.index_cast %parallel_loop3A_311 : i32 to index
        %parallel_loop3A_315 = tpu.vector_load %arg9[%parallel_loop3A_313, %parallel_loop3A_314] {strides = array<i32>} : memref<8x1024xf32, #tpu.memory_space<vmem>>, vector<16xf32>,
        tpu.vector_store %arg9[%parallel_loop3A_313, %parallel_loop3A_314], %parallel_loop3A_301 {strides = array<i32>} : memref<8x1024xf32, #tpu.memory_space<vmem>>, vector<16xf32>,
      } {sc.loop_unroll_factor = 16 : i64, sc.parallel_access}
      %slice3A_66 = vector.extract_strided_slice %get3A_39 {offsets = [2], sizes = [1], strides = [1]} : vector<16xi32> to vector<1xi32>
      %squeeze3A_67 = vector.extract %slice3A_66[0] : i32 from vector<1xi32>
      %mul3A_68 = arith.constant 512 : i32
      %mul3A_69 = arith.muli %squeeze3A_67, %mul3A_68 : i32
      %mul3A_70 = arith.constant 16 : i32
      %mul3A_71 = arith.muli %scan3A_35, %mul3A_70 : i32
      %add3A_72 = arith.constant 2 : i32
      %add3A_73 = arith.addi %mul3A_71, %add3A_72 : i32
      %mul3A_74 = arith.constant 64 : i32
      %mul3A_75 = arith.muli %add3A_73, %mul3A_74 : i32
      %broadcast_in_dim3A_76 = vector.broadcast %mul3A_75 : i32 to vector<16xi32>
      %parallel_loop3A_77 = arith.constant 0 : i32
      %parallel_loop3A_78 = arith.constant 32 : i32
      %parallel_loop3A_79 = arith.constant 1 : i32
      scf.for %parallel_loop3A_286 = %parallel_loop3A_77 to %parallel_loop3A_78 step %parallel_loop3A_79  : i32 {
        %parallel_loop3A_287 = arith.constant 16 : i32
        %parallel_loop3A_288 = arith.muli %parallel_loop3A_286, %parallel_loop3A_287 : i32
        %parallel_loop3A_289 = arith.addi %mul3A_69, %parallel_loop3A_288 : i32
        %parallel_loop3A_290 = arith.index_cast %parallel_loop3A_289 : i32 to index
        %parallel_loop3A_291 = tpu.vector_load %arg6[%parallel_loop3A_290] {strides = array<i32>} : memref<51200xi32, #tpu.memory_space<vmem>>, vector<16xi32>,
        %parallel_loop3A_292 = arith.constant 65535 : i32
        %parallel_loop3A_293 = vector.broadcast %parallel_loop3A_292 : i32 to vector<16xi32>
        %parallel_loop3A_294 = arith.andi %parallel_loop3A_291, %parallel_loop3A_293 : vector<16xi32>
        %parallel_loop3A_295 = arith.constant 16 : i32
        %parallel_loop3A_296 = vector.broadcast %parallel_loop3A_295 : i32 to vector<16xi32>
        %parallel_loop3A_297 = arith.shrsi %parallel_loop3A_291, %parallel_loop3A_296 : vector<16xi32>
        %parallel_loop3A_298 = arith.addi %broadcast_in_dim3A_76, %parallel_loop3A_294 : vector<16xi32>
        %parallel_loop3A_299 = tpu.vector_load_idx %arg8[%parallel_loop3A_298] : memref<32768xf32, #tpu.memory_space<vmem>>[vector<16xi32>], vector<16xf32>,
        %parallel_loop3A_300 = arith.addi %broadcast_in_dim3A_76, %parallel_loop3A_297 : vector<16xi32>
        %parallel_loop3A_301 = tpu.vector_load_idx %arg8[%parallel_loop3A_300] : memref<32768xf32, #tpu.memory_space<vmem>>[vector<16xi32>], vector<16xf32>,
        %parallel_loop3A_302 = arith.constant 16 : i32
        %parallel_loop3A_303 = arith.muli %parallel_loop3A_286, %parallel_loop3A_302 : i32
        %parallel_loop3A_304 = arith.constant 2 : i32
        %parallel_loop3A_305 = arith.index_cast %parallel_loop3A_304 : i32 to index
        %parallel_loop3A_306 = arith.index_cast %parallel_loop3A_303 : i32 to index
        %parallel_loop3A_307 = tpu.vector_load %arg9[%parallel_loop3A_305, %parallel_loop3A_306] {strides = array<i32>} : memref<8x1024xf32, #tpu.memory_space<vmem>>, vector<16xf32>,
        tpu.vector_store %arg9[%parallel_loop3A_305, %parallel_loop3A_306], %parallel_loop3A_299 {strides = array<i32>} : memref<8x1024xf32, #tpu.memory_space<vmem>>, vector<16xf32>,
        %parallel_loop3A_308 = arith.constant 16 : i32
        %parallel_loop3A_309 = arith.muli %parallel_loop3A_286, %parallel_loop3A_308 : i32
        %parallel_loop3A_310 = arith.constant 512 : i32
        %parallel_loop3A_311 = arith.addi %parallel_loop3A_310, %parallel_loop3A_309 : i32
        %parallel_loop3A_312 = arith.constant 2 : i32
        %parallel_loop3A_313 = arith.index_cast %parallel_loop3A_312 : i32 to index
        %parallel_loop3A_314 = arith.index_cast %parallel_loop3A_311 : i32 to index
        %parallel_loop3A_315 = tpu.vector_load %arg9[%parallel_loop3A_313, %parallel_loop3A_314] {strides = array<i32>} : memref<8x1024xf32, #tpu.memory_space<vmem>>, vector<16xf32>,
        tpu.vector_store %arg9[%parallel_loop3A_313, %parallel_loop3A_314], %parallel_loop3A_301 {strides = array<i32>} : memref<8x1024xf32, #tpu.memory_space<vmem>>, vector<16xf32>,
      } {sc.loop_unroll_factor = 16 : i64, sc.parallel_access}
      %slice3A_80 = vector.extract_strided_slice %get3A_39 {offsets = [3], sizes = [1], strides = [1]} : vector<16xi32> to vector<1xi32>
      %squeeze3A_81 = vector.extract %slice3A_80[0] : i32 from vector<1xi32>
      %mul3A_82 = arith.constant 512 : i32
      %mul3A_83 = arith.muli %squeeze3A_81, %mul3A_82 : i32
      %mul3A_84 = arith.constant 16 : i32
      %mul3A_85 = arith.muli %scan3A_35, %mul3A_84 : i32
      %add3A_86 = arith.constant 3 : i32
      %add3A_87 = arith.addi %mul3A_85, %add3A_86 : i32
      %mul3A_88 = arith.constant 64 : i32
      %mul3A_89 = arith.muli %add3A_87, %mul3A_88 : i32
      %broadcast_in_dim3A_90 = vector.broadcast %mul3A_89 : i32 to vector<16xi32>
      %parallel_loop3A_91 = arith.constant 0 : i32
      %parallel_loop3A_92 = arith.constant 32 : i32
      %parallel_loop3A_93 = arith.constant 1 : i32
      scf.for %parallel_loop3A_286 = %parallel_loop3A_91 to %parallel_loop3A_92 step %parallel_loop3A_93  : i32 {
        %parallel_loop3A_287 = arith.constant 16 : i32
        %parallel_loop3A_288 = arith.muli %parallel_loop3A_286, %parallel_loop3A_287 : i32
        %parallel_loop3A_289 = arith.addi %mul3A_83, %parallel_loop3A_288 : i32
        %parallel_loop3A_290 = arith.index_cast %parallel_loop3A_289 : i32 to index
        %parallel_loop3A_291 = tpu.vector_load %arg6[%parallel_loop3A_290] {strides = array<i32>} : memref<51200xi32, #tpu.memory_space<vmem>>, vector<16xi32>,
        %parallel_loop3A_292 = arith.constant 65535 : i32
        %parallel_loop3A_293 = vector.broadcast %parallel_loop3A_292 : i32 to vector<16xi32>
        %parallel_loop3A_294 = arith.andi %parallel_loop3A_291, %parallel_loop3A_293 : vector<16xi32>
        %parallel_loop3A_295 = arith.constant 16 : i32
        %parallel_loop3A_296 = vector.broadcast %parallel_loop3A_295 : i32 to vector<16xi32>
        %parallel_loop3A_297 = arith.shrsi %parallel_loop3A_291, %parallel_loop3A_296 : vector<16xi32>
        %parallel_loop3A_298 = arith.addi %broadcast_in_dim3A_90, %parallel_loop3A_294 : vector<16xi32>
        %parallel_loop3A_299 = tpu.vector_load_idx %arg8[%parallel_loop3A_298] : memref<32768xf32, #tpu.memory_space<vmem>>[vector<16xi32>], vector<16xf32>,
        %parallel_loop3A_300 = arith.addi %broadcast_in_dim3A_90, %parallel_loop3A_297 : vector<16xi32>
        %parallel_loop3A_301 = tpu.vector_load_idx %arg8[%parallel_loop3A_300] : memref<32768xf32, #tpu.memory_space<vmem>>[vector<16xi32>], vector<16xf32>,
        %parallel_loop3A_302 = arith.constant 16 : i32
        %parallel_loop3A_303 = arith.muli %parallel_loop3A_286, %parallel_loop3A_302 : i32
        %parallel_loop3A_304 = arith.constant 3 : i32
        %parallel_loop3A_305 = arith.index_cast %parallel_loop3A_304 : i32 to index
        %parallel_loop3A_306 = arith.index_cast %parallel_loop3A_303 : i32 to index
        %parallel_loop3A_307 = tpu.vector_load %arg9[%parallel_loop3A_305, %parallel_loop3A_306] {strides = array<i32>} : memref<8x1024xf32, #tpu.memory_space<vmem>>, vector<16xf32>,
        tpu.vector_store %arg9[%parallel_loop3A_305, %parallel_loop3A_306], %parallel_loop3A_299 {strides = array<i32>} : memref<8x1024xf32, #tpu.memory_space<vmem>>, vector<16xf32>,
        %parallel_loop3A_308 = arith.constant 16 : i32
        %parallel_loop3A_309 = arith.muli %parallel_loop3A_286, %parallel_loop3A_308 : i32
        %parallel_loop3A_310 = arith.constant 512 : i32
        %parallel_loop3A_311 = arith.addi %parallel_loop3A_310, %parallel_loop3A_309 : i32
        %parallel_loop3A_312 = arith.constant 3 : i32
        %parallel_loop3A_313 = arith.index_cast %parallel_loop3A_312 : i32 to index
        %parallel_loop3A_314 = arith.index_cast %parallel_loop3A_311 : i32 to index
        %parallel_loop3A_315 = tpu.vector_load %arg9[%parallel_loop3A_313, %parallel_loop3A_314] {strides = array<i32>} : memref<8x1024xf32, #tpu.memory_space<vmem>>, vector<16xf32>,
        tpu.vector_store %arg9[%parallel_loop3A_313, %parallel_loop3A_314], %parallel_loop3A_301 {strides = array<i32>} : memref<8x1024xf32, #tpu.memory_space<vmem>>, vector<16xf32>,
      } {sc.loop_unroll_factor = 16 : i64, sc.parallel_access}
      %slice3A_94 = vector.extract_strided_slice %get3A_39 {offsets = [4], sizes = [1], strides = [1]} : vector<16xi32> to vector<1xi32>
      %squeeze3A_95 = vector.extract %slice3A_94[0] : i32 from vector<1xi32>
      %mul3A_96 = arith.constant 512 : i32
      %mul3A_97 = arith.muli %squeeze3A_95, %mul3A_96 : i32
      %mul3A_98 = arith.constant 16 : i32
      %mul3A_99 = arith.muli %scan3A_35, %mul3A_98 : i32
      %add3A_100 = arith.constant 4 : i32
      %add3A_101 = arith.addi %mul3A_99, %add3A_100 : i32
      %mul3A_102 = arith.constant 64 : i32
      %mul3A_103 = arith.muli %add3A_101, %mul3A_102 : i32
      %broadcast_in_dim3A_104 = vector.broadcast %mul3A_103 : i32 to vector<16xi32>
      %parallel_loop3A_105 = arith.constant 0 : i32
      %parallel_loop3A_106 = arith.constant 32 : i32
      %parallel_loop3A_107 = arith.constant 1 : i32
      scf.for %parallel_loop3A_286 = %parallel_loop3A_105 to %parallel_loop3A_106 step %parallel_loop3A_107  : i32 {
        %parallel_loop3A_287 = arith.constant 16 : i32
        %parallel_loop3A_288 = arith.muli %parallel_loop3A_286, %parallel_loop3A_287 : i32
        %parallel_loop3A_289 = arith.addi %mul3A_97, %parallel_loop3A_288 : i32
        %parallel_loop3A_290 = arith.index_cast %parallel_loop3A_289 : i32 to index
        %parallel_loop3A_291 = tpu.vector_load %arg6[%parallel_loop3A_290] {strides = array<i32>} : memref<51200xi32, #tpu.memory_space<vmem>>, vector<16xi32>,
        %parallel_loop3A_292 = arith.constant 65535 : i32
        %parallel_loop3A_293 = vector.broadcast %parallel_loop3A_292 : i32 to vector<16xi32>
        %parallel_loop3A_294 = arith.andi %parallel_loop3A_291, %parallel_loop3A_293 : vector<16xi32>
        %parallel_loop3A_295 = arith.constant 16 : i32
        %parallel_loop3A_296 = vector.broadcast %parallel_loop3A_295 : i32 to vector<16xi32>
        %parallel_loop3A_297 = arith.shrsi %parallel_loop3A_291, %parallel_loop3A_296 : vector<16xi32>
        %parallel_loop3A_298 = arith.addi %broadcast_in_dim3A_104, %parallel_loop3A_294 : vector<16xi32>
        %parallel_loop3A_299 = tpu.vector_load_idx %arg8[%parallel_loop3A_298] : memref<32768xf32, #tpu.memory_space<vmem>>[vector<16xi32>], vector<16xf32>,
        %parallel_loop3A_300 = arith.addi %broadcast_in_dim3A_104, %parallel_loop3A_297 : vector<16xi32>
        %parallel_loop3A_301 = tpu.vector_load_idx %arg8[%parallel_loop3A_300] : memref<32768xf32, #tpu.memory_space<vmem>>[vector<16xi32>], vector<16xf32>,
        %parallel_loop3A_302 = arith.constant 16 : i32
        %parallel_loop3A_303 = arith.muli %parallel_loop3A_286, %parallel_loop3A_302 : i32
        %parallel_loop3A_304 = arith.constant 4 : i32
        %parallel_loop3A_305 = arith.index_cast %parallel_loop3A_304 : i32 to index
        %parallel_loop3A_306 = arith.index_cast %parallel_loop3A_303 : i32 to index
        %parallel_loop3A_307 = tpu.vector_load %arg9[%parallel_loop3A_305, %parallel_loop3A_306] {strides = array<i32>} : memref<8x1024xf32, #tpu.memory_space<vmem>>, vector<16xf32>,
        tpu.vector_store %arg9[%parallel_loop3A_305, %parallel_loop3A_306], %parallel_loop3A_299 {strides = array<i32>} : memref<8x1024xf32, #tpu.memory_space<vmem>>, vector<16xf32>,
        %parallel_loop3A_308 = arith.constant 16 : i32
        %parallel_loop3A_309 = arith.muli %parallel_loop3A_286, %parallel_loop3A_308 : i32
        %parallel_loop3A_310 = arith.constant 512 : i32
        %parallel_loop3A_311 = arith.addi %parallel_loop3A_310, %parallel_loop3A_309 : i32
        %parallel_loop3A_312 = arith.constant 4 : i32
        %parallel_loop3A_313 = arith.index_cast %parallel_loop3A_312 : i32 to index
        %parallel_loop3A_314 = arith.index_cast %parallel_loop3A_311 : i32 to index
        %parallel_loop3A_315 = tpu.vector_load %arg9[%parallel_loop3A_313, %parallel_loop3A_314] {strides = array<i32>} : memref<8x1024xf32, #tpu.memory_space<vmem>>, vector<16xf32>,
        tpu.vector_store %arg9[%parallel_loop3A_313, %parallel_loop3A_314], %parallel_loop3A_301 {strides = array<i32>} : memref<8x1024xf32, #tpu.memory_space<vmem>>, vector<16xf32>,
      } {sc.loop_unroll_factor = 16 : i64, sc.parallel_access}
      %slice3A_108 = vector.extract_strided_slice %get3A_39 {offsets = [5], sizes = [1], strides = [1]} : vector<16xi32> to vector<1xi32>
      %squeeze3A_109 = vector.extract %slice3A_108[0] : i32 from vector<1xi32>
      %mul3A_110 = arith.constant 512 : i32
      %mul3A_111 = arith.muli %squeeze3A_109, %mul3A_110 : i32
      %mul3A_112 = arith.constant 16 : i32
      %mul3A_113 = arith.muli %scan3A_35, %mul3A_112 : i32
      %add3A_114 = arith.constant 5 : i32
      %add3A_115 = arith.addi %mul3A_113, %add3A_114 : i32
      %mul3A_116 = arith.constant 64 : i32
      %mul3A_117 = arith.muli %add3A_115, %mul3A_116 : i32
      %broadcast_in_dim3A_118 = vector.broadcast %mul3A_117 : i32 to vector<16xi32>
      %parallel_loop3A_119 = arith.constant 0 : i32
      %parallel_loop3A_120 = arith.constant 32 : i32
      %parallel_loop3A_121 = arith.constant 1 : i32
      scf.for %parallel_loop3A_286 = %parallel_loop3A_119 to %parallel_loop3A_120 step %parallel_loop3A_121  : i32 {
        %parallel_loop3A_287 = arith.constant 16 : i32
        %parallel_loop3A_288 = arith.muli %parallel_loop3A_286, %parallel_loop3A_287 : i32
        %parallel_loop3A_289 = arith.addi %mul3A_111, %parallel_loop3A_288 : i32
        %parallel_loop3A_290 = arith.index_cast %parallel_loop3A_289 : i32 to index
        %parallel_loop3A_291 = tpu.vector_load %arg6[%parallel_loop3A_290] {strides = array<i32>} : memref<51200xi32, #tpu.memory_space<vmem>>, vector<16xi32>,
        %parallel_loop3A_292 = arith.constant 65535 : i32
        %parallel_loop3A_293 = vector.broadcast %parallel_loop3A_292 : i32 to vector<16xi32>
        %parallel_loop3A_294 = arith.andi %parallel_loop3A_291, %parallel_loop3A_293 : vector<16xi32>
        %parallel_loop3A_295 = arith.constant 16 : i32
        %parallel_loop3A_296 = vector.broadcast %parallel_loop3A_295 : i32 to vector<16xi32>
        %parallel_loop3A_297 = arith.shrsi %parallel_loop3A_291, %parallel_loop3A_296 : vector<16xi32>
        %parallel_loop3A_298 = arith.addi %broadcast_in_dim3A_118, %parallel_loop3A_294 : vector<16xi32>
        %parallel_loop3A_299 = tpu.vector_load_idx %arg8[%parallel_loop3A_298] : memref<32768xf32, #tpu.memory_space<vmem>>[vector<16xi32>], vector<16xf32>,
        %parallel_loop3A_300 = arith.addi %broadcast_in_dim3A_118, %parallel_loop3A_297 : vector<16xi32>
        %parallel_loop3A_301 = tpu.vector_load_idx %arg8[%parallel_loop3A_300] : memref<32768xf32, #tpu.memory_space<vmem>>[vector<16xi32>], vector<16xf32>,
        %parallel_loop3A_302 = arith.constant 16 : i32
        %parallel_loop3A_303 = arith.muli %parallel_loop3A_286, %parallel_loop3A_302 : i32
        %parallel_loop3A_304 = arith.constant 5 : i32
        %parallel_loop3A_305 = arith.index_cast %parallel_loop3A_304 : i32 to index
        %parallel_loop3A_306 = arith.index_cast %parallel_loop3A_303 : i32 to index
        %parallel_loop3A_307 = tpu.vector_load %arg9[%parallel_loop3A_305, %parallel_loop3A_306] {strides = array<i32>} : memref<8x1024xf32, #tpu.memory_space<vmem>>, vector<16xf32>,
        tpu.vector_store %arg9[%parallel_loop3A_305, %parallel_loop3A_306], %parallel_loop3A_299 {strides = array<i32>} : memref<8x1024xf32, #tpu.memory_space<vmem>>, vector<16xf32>,
        %parallel_loop3A_308 = arith.constant 16 : i32
        %parallel_loop3A_309 = arith.muli %parallel_loop3A_286, %parallel_loop3A_308 : i32
        %parallel_loop3A_310 = arith.constant 512 : i32
        %parallel_loop3A_311 = arith.addi %parallel_loop3A_310, %parallel_loop3A_309 : i32
        %parallel_loop3A_312 = arith.constant 5 : i32
        %parallel_loop3A_313 = arith.index_cast %parallel_loop3A_312 : i32 to index
        %parallel_loop3A_314 = arith.index_cast %parallel_loop3A_311 : i32 to index
        %parallel_loop3A_315 = tpu.vector_load %arg9[%parallel_loop3A_313, %parallel_loop3A_314] {strides = array<i32>} : memref<8x1024xf32, #tpu.memory_space<vmem>>, vector<16xf32>,
        tpu.vector_store %arg9[%parallel_loop3A_313, %parallel_loop3A_314], %parallel_loop3A_301 {strides = array<i32>} : memref<8x1024xf32, #tpu.memory_space<vmem>>, vector<16xf32>,
      } {sc.loop_unroll_factor = 16 : i64, sc.parallel_access}
      %slice3A_122 = vector.extract_strided_slice %get3A_39 {offsets = [6], sizes = [1], strides = [1]} : vector<16xi32> to vector<1xi32>
      %squeeze3A_123 = vector.extract %slice3A_122[0] : i32 from vector<1xi32>
      %mul3A_124 = arith.constant 512 : i32
      %mul3A_125 = arith.muli %squeeze3A_123, %mul3A_124 : i32
      %mul3A_126 = arith.constant 16 : i32
      %mul3A_127 = arith.muli %scan3A_35, %mul3A_126 : i32
      %add3A_128 = arith.constant 6 : i32
      %add3A_129 = arith.addi %mul3A_127, %add3A_128 : i32
      %mul3A_130 = arith.constant 64 : i32
      %mul3A_131 = arith.muli %add3A_129, %mul3A_130 : i32
      %broadcast_in_dim3A_132 = vector.broadcast %mul3A_131 : i32 to vector<16xi32>
      %parallel_loop3A_133 = arith.constant 0 : i32
      %parallel_loop3A_134 = arith.constant 32 : i32
      %parallel_loop3A_135 = arith.constant 1 : i32
      scf.for %parallel_loop3A_286 = %parallel_loop3A_133 to %parallel_loop3A_134 step %parallel_loop3A_135  : i32 {
        %parallel_loop3A_287 = arith.constant 16 : i32
        %parallel_loop3A_288 = arith.muli %parallel_loop3A_286, %parallel_loop3A_287 : i32
        %parallel_loop3A_289 = arith.addi %mul3A_125, %parallel_loop3A_288 : i32
        %parallel_loop3A_290 = arith.index_cast %parallel_loop3A_289 : i32 to index
        %parallel_loop3A_291 = tpu.vector_load %arg6[%parallel_loop3A_290] {strides = array<i32>} : memref<51200xi32, #tpu.memory_space<vmem>>, vector<16xi32>,
        %parallel_loop3A_292 = arith.constant 65535 : i32
        %parallel_loop3A_293 = vector.broadcast %parallel_loop3A_292 : i32 to vector<16xi32>
        %parallel_loop3A_294 = arith.andi %parallel_loop3A_291, %parallel_loop3A_293 : vector<16xi32>
        %parallel_loop3A_295 = arith.constant 16 : i32
        %parallel_loop3A_296 = vector.broadcast %parallel_loop3A_295 : i32 to vector<16xi32>
        %parallel_loop3A_297 = arith.shrsi %parallel_loop3A_291, %parallel_loop3A_296 : vector<16xi32>
        %parallel_loop3A_298 = arith.addi %broadcast_in_dim3A_132, %parallel_loop3A_294 : vector<16xi32>
        %parallel_loop3A_299 = tpu.vector_load_idx %arg8[%parallel_loop3A_298] : memref<32768xf32, #tpu.memory_space<vmem>>[vector<16xi32>], vector<16xf32>,
        %parallel_loop3A_300 = arith.addi %broadcast_in_dim3A_132, %parallel_loop3A_297 : vector<16xi32>
        %parallel_loop3A_301 = tpu.vector_load_idx %arg8[%parallel_loop3A_300] : memref<32768xf32, #tpu.memory_space<vmem>>[vector<16xi32>], vector<16xf32>,
        %parallel_loop3A_302 = arith.constant 16 : i32
        %parallel_loop3A_303 = arith.muli %parallel_loop3A_286, %parallel_loop3A_302 : i32
        %parallel_loop3A_304 = arith.constant 6 : i32
        %parallel_loop3A_305 = arith.index_cast %parallel_loop3A_304 : i32 to index
        %parallel_loop3A_306 = arith.index_cast %parallel_loop3A_303 : i32 to index
        %parallel_loop3A_307 = tpu.vector_load %arg9[%parallel_loop3A_305, %parallel_loop3A_306] {strides = array<i32>} : memref<8x1024xf32, #tpu.memory_space<vmem>>, vector<16xf32>,
        tpu.vector_store %arg9[%parallel_loop3A_305, %parallel_loop3A_306], %parallel_loop3A_299 {strides = array<i32>} : memref<8x1024xf32, #tpu.memory_space<vmem>>, vector<16xf32>,
        %parallel_loop3A_308 = arith.constant 16 : i32
        %parallel_loop3A_309 = arith.muli %parallel_loop3A_286, %parallel_loop3A_308 : i32
        %parallel_loop3A_310 = arith.constant 512 : i32
        %parallel_loop3A_311 = arith.addi %parallel_loop3A_310, %parallel_loop3A_309 : i32
        %parallel_loop3A_312 = arith.constant 6 : i32
        %parallel_loop3A_313 = arith.index_cast %parallel_loop3A_312 : i32 to index
        %parallel_loop3A_314 = arith.index_cast %parallel_loop3A_311 : i32 to index
        %parallel_loop3A_315 = tpu.vector_load %arg9[%parallel_loop3A_313, %parallel_loop3A_314] {strides = array<i32>} : memref<8x1024xf32, #tpu.memory_space<vmem>>, vector<16xf32>,
        tpu.vector_store %arg9[%parallel_loop3A_313, %parallel_loop3A_314], %parallel_loop3A_301 {strides = array<i32>} : memref<8x1024xf32, #tpu.memory_space<vmem>>, vector<16xf32>,
      } {sc.loop_unroll_factor = 16 : i64, sc.parallel_access}
      %slice3A_136 = vector.extract_strided_slice %get3A_39 {offsets = [7], sizes = [1], strides = [1]} : vector<16xi32> to vector<1xi32>
      %squeeze3A_137 = vector.extract %slice3A_136[0] : i32 from vector<1xi32>
      %mul3A_138 = arith.constant 512 : i32
      %mul3A_139 = arith.muli %squeeze3A_137, %mul3A_138 : i32
      %mul3A_140 = arith.constant 16 : i32
      %mul3A_141 = arith.muli %scan3A_35, %mul3A_140 : i32
      %add3A_142 = arith.constant 7 : i32
      %add3A_143 = arith.addi %mul3A_141, %add3A_142 : i32
      %mul3A_144 = arith.constant 64 : i32
      %mul3A_145 = arith.muli %add3A_143, %mul3A_144 : i32
      %broadcast_in_dim3A_146 = vector.broadcast %mul3A_145 : i32 to vector<16xi32>
      %parallel_loop3A_147 = arith.constant 0 : i32
      %parallel_loop3A_148 = arith.constant 32 : i32
      %parallel_loop3A_149 = arith.constant 1 : i32
      scf.for %parallel_loop3A_286 = %parallel_loop3A_147 to %parallel_loop3A_148 step %parallel_loop3A_149  : i32 {
        %parallel_loop3A_287 = arith.constant 16 : i32
        %parallel_loop3A_288 = arith.muli %parallel_loop3A_286, %parallel_loop3A_287 : i32
        %parallel_loop3A_289 = arith.addi %mul3A_139, %parallel_loop3A_288 : i32
        %parallel_loop3A_290 = arith.index_cast %parallel_loop3A_289 : i32 to index
        %parallel_loop3A_291 = tpu.vector_load %arg6[%parallel_loop3A_290] {strides = array<i32>} : memref<51200xi32, #tpu.memory_space<vmem>>, vector<16xi32>,
        %parallel_loop3A_292 = arith.constant 65535 : i32
        %parallel_loop3A_293 = vector.broadcast %parallel_loop3A_292 : i32 to vector<16xi32>
        %parallel_loop3A_294 = arith.andi %parallel_loop3A_291, %parallel_loop3A_293 : vector<16xi32>
        %parallel_loop3A_295 = arith.constant 16 : i32
        %parallel_loop3A_296 = vector.broadcast %parallel_loop3A_295 : i32 to vector<16xi32>
        %parallel_loop3A_297 = arith.shrsi %parallel_loop3A_291, %parallel_loop3A_296 : vector<16xi32>
        %parallel_loop3A_298 = arith.addi %broadcast_in_dim3A_146, %parallel_loop3A_294 : vector<16xi32>
        %parallel_loop3A_299 = tpu.vector_load_idx %arg8[%parallel_loop3A_298] : memref<32768xf32, #tpu.memory_space<vmem>>[vector<16xi32>], vector<16xf32>,
        %parallel_loop3A_300 = arith.addi %broadcast_in_dim3A_146, %parallel_loop3A_297 : vector<16xi32>
        %parallel_loop3A_301 = tpu.vector_load_idx %arg8[%parallel_loop3A_300] : memref<32768xf32, #tpu.memory_space<vmem>>[vector<16xi32>], vector<16xf32>,
        %parallel_loop3A_302 = arith.constant 16 : i32
        %parallel_loop3A_303 = arith.muli %parallel_loop3A_286, %parallel_loop3A_302 : i32
        %parallel_loop3A_304 = arith.constant 7 : i32
        %parallel_loop3A_305 = arith.index_cast %parallel_loop3A_304 : i32 to index
        %parallel_loop3A_306 = arith.index_cast %parallel_loop3A_303 : i32 to index
        %parallel_loop3A_307 = tpu.vector_load %arg9[%parallel_loop3A_305, %parallel_loop3A_306] {strides = array<i32>} : memref<8x1024xf32, #tpu.memory_space<vmem>>, vector<16xf32>,
        tpu.vector_store %arg9[%parallel_loop3A_305, %parallel_loop3A_306], %parallel_loop3A_299 {strides = array<i32>} : memref<8x1024xf32, #tpu.memory_space<vmem>>, vector<16xf32>,
        %parallel_loop3A_308 = arith.constant 16 : i32
        %parallel_loop3A_309 = arith.muli %parallel_loop3A_286, %parallel_loop3A_308 : i32
        %parallel_loop3A_310 = arith.constant 512 : i32
        %parallel_loop3A_311 = arith.addi %parallel_loop3A_310, %parallel_loop3A_309 : i32
        %parallel_loop3A_312 = arith.constant 7 : i32
        %parallel_loop3A_313 = arith.index_cast %parallel_loop3A_312 : i32 to index
        %parallel_loop3A_314 = arith.index_cast %parallel_loop3A_311 : i32 to index
        %parallel_loop3A_315 = tpu.vector_load %arg9[%parallel_loop3A_313, %parallel_loop3A_314] {strides = array<i32>} : memref<8x1024xf32, #tpu.memory_space<vmem>>, vector<16xf32>,
        tpu.vector_store %arg9[%parallel_loop3A_313, %parallel_loop3A_314], %parallel_loop3A_301 {strides = array<i32>} : memref<8x1024xf32, #tpu.memory_space<vmem>>, vector<16xf32>,
      } {sc.loop_unroll_factor = 16 : i64, sc.parallel_access}
      %mul3A_150 = arith.constant 16 : i32
      %mul3A_151 = arith.muli %scan3A_35, %mul3A_150 : i32
      %add3A_152 = arith.addi %mul3A_2, %mul3A_151 : i32
      %add3A_153 = arith.constant 0 : i32
      %add3A_154 = arith.addi %add3A_152, %add3A_153 : i32
      %dma_start3A_155 = arith.constant 0 : i32
      %dma_start3A_156 = tpu.memref_slice %arg5[%add3A_154, %dma_start3A_155] : memref<16384x1024xf32, #tpu.memory_space<hbm>> -> memref<8x1024xf32, #tpu.memory_space<hbm>>
      %dma_start3A_157 = arith.constant 0 : i32
      %dma_start3A_158 = tpu.memref_slice %arg5[%add3A_154, %dma_start3A_157] : memref<16384x1024xf32, #tpu.memory_space<hbm>> -> memref<8x1024xf32, #tpu.memory_space<hbm>>
      tpu.enqueue_dma source(%arg9 : memref<8x1024xf32, #tpu.memory_space<vmem>>) target(%dma_start3A_158 : memref<8x1024xf32, #tpu.memory_space<hbm>>) target_semaphore(%arg11 : memref<!tpu.dma_semaphore, #tpu.memory_space<semaphore_mem>>)
      %gt3A_159 = arith.constant 0 : i32
      %gt3A_160 = arith.cmpi sgt, %scan3A_35, %gt3A_159 : i32
      %convert_element_type3A_161 = arith.extui %gt3A_160 : i1 to i32
      %cond3A_162 = arith.constant 0 : i32
      %cond3A_163 = arith.cmpi ne, %convert_element_type3A_161, %cond3A_162 : i32
      scf.if %cond3A_163 {
        %dma_wait3A_286 = arith.constant 0 : i32
        %dma_wait3A_287 = arith.constant 0 : i32
        %dma_wait3A_288 = tpu.memref_slice %arg5[%dma_wait3A_286, %dma_wait3A_287] : memref<16384x1024xf32, #tpu.memory_space<hbm>> -> memref<8x1024xf32, #tpu.memory_space<hbm>>
        %dma_wait3A_289 = arith.constant 0 : i32
        %dma_wait3A_290 = arith.constant 0 : i32
        %dma_wait3A_291 = tpu.memref_slice %arg5[%dma_wait3A_289, %dma_wait3A_290] : memref<16384x1024xf32, #tpu.memory_space<hbm>> -> memref<8x1024xf32, #tpu.memory_space<hbm>>
        tpu.wait_dma2 semaphore(%arg12 : memref<!tpu.dma_semaphore, #tpu.memory_space<semaphore_mem>>) src(%dma_wait3A_291 : memref<8x1024xf32, #tpu.memory_space<hbm>>) dst(%arg10 : memref<8x1024xf32, #tpu.memory_space<vmem>>)
      } else {
      }
      %slice3A_164 = vector.extract_strided_slice %get3A_39 {offsets = [8], sizes = [1], strides = [1]} : vector<16xi32> to vector<1xi32>
      %squeeze3A_165 = vector.extract %slice3A_164[0] : i32 from vector<1xi32>
      %mul3A_166 = arith.constant 512 : i32
      %mul3A_167 = arith.muli %squeeze3A_165, %mul3A_166 : i32
      %mul3A_168 = arith.constant 16 : i32
      %mul3A_169 = arith.muli %scan3A_35, %mul3A_168 : i32
      %add3A_170 = arith.constant 8 : i32
      %add3A_171 = arith.addi %mul3A_169, %add3A_170 : i32
      %mul3A_172 = arith.constant 64 : i32
      %mul3A_173 = arith.muli %add3A_171, %mul3A_172 : i32
      %broadcast_in_dim3A_174 = vector.broadcast %mul3A_173 : i32 to vector<16xi32>
      %parallel_loop3A_175 = arith.constant 0 : i32
      %parallel_loop3A_176 = arith.constant 32 : i32
      %parallel_loop3A_177 = arith.constant 1 : i32
      scf.for %parallel_loop3A_286 = %parallel_loop3A_175 to %parallel_loop3A_176 step %parallel_loop3A_177  : i32 {
        %parallel_loop3A_287 = arith.constant 16 : i32
        %parallel_loop3A_288 = arith.muli %parallel_loop3A_286, %parallel_loop3A_287 : i32
        %parallel_loop3A_289 = arith.addi %mul3A_167, %parallel_loop3A_288 : i32
        %parallel_loop3A_290 = arith.index_cast %parallel_loop3A_289 : i32 to index
        %parallel_loop3A_291 = tpu.vector_load %arg6[%parallel_loop3A_290] {strides = array<i32>} : memref<51200xi32, #tpu.memory_space<vmem>>, vector<16xi32>,
        %parallel_loop3A_292 = arith.constant 65535 : i32
        %parallel_loop3A_293 = vector.broadcast %parallel_loop3A_292 : i32 to vector<16xi32>
        %parallel_loop3A_294 = arith.andi %parallel_loop3A_291, %parallel_loop3A_293 : vector<16xi32>
        %parallel_loop3A_295 = arith.constant 16 : i32
        %parallel_loop3A_296 = vector.broadcast %parallel_loop3A_295 : i32 to vector<16xi32>
        %parallel_loop3A_297 = arith.shrsi %parallel_loop3A_291, %parallel_loop3A_296 : vector<16xi32>
        %parallel_loop3A_298 = arith.addi %broadcast_in_dim3A_174, %parallel_loop3A_294 : vector<16xi32>
        %parallel_loop3A_299 = tpu.vector_load_idx %arg8[%parallel_loop3A_298] : memref<32768xf32, #tpu.memory_space<vmem>>[vector<16xi32>], vector<16xf32>,
        %parallel_loop3A_300 = arith.addi %broadcast_in_dim3A_174, %parallel_loop3A_297 : vector<16xi32>
        %parallel_loop3A_301 = tpu.vector_load_idx %arg8[%parallel_loop3A_300] : memref<32768xf32, #tpu.memory_space<vmem>>[vector<16xi32>], vector<16xf32>,
        %parallel_loop3A_302 = arith.constant 16 : i32
        %parallel_loop3A_303 = arith.muli %parallel_loop3A_286, %parallel_loop3A_302 : i32
        %parallel_loop3A_304 = arith.constant 0 : i32
        %parallel_loop3A_305 = arith.index_cast %parallel_loop3A_304 : i32 to index
        %parallel_loop3A_306 = arith.index_cast %parallel_loop3A_303 : i32 to index
        %parallel_loop3A_307 = tpu.vector_load %arg10[%parallel_loop3A_305, %parallel_loop3A_306] {strides = array<i32>} : memref<8x1024xf32, #tpu.memory_space<vmem>>, vector<16xf32>,
        tpu.vector_store %arg10[%parallel_loop3A_305, %parallel_loop3A_306], %parallel_loop3A_299 {strides = array<i32>} : memref<8x1024xf32, #tpu.memory_space<vmem>>, vector<16xf32>,
        %parallel_loop3A_308 = arith.constant 16 : i32
        %parallel_loop3A_309 = arith.muli %parallel_loop3A_286, %parallel_loop3A_308 : i32
        %parallel_loop3A_310 = arith.constant 512 : i32
        %parallel_loop3A_311 = arith.addi %parallel_loop3A_310, %parallel_loop3A_309 : i32
        %parallel_loop3A_312 = arith.constant 0 : i32
        %parallel_loop3A_313 = arith.index_cast %parallel_loop3A_312 : i32 to index
        %parallel_loop3A_314 = arith.index_cast %parallel_loop3A_311 : i32 to index
        %parallel_loop3A_315 = tpu.vector_load %arg10[%parallel_loop3A_313, %parallel_loop3A_314] {strides = array<i32>} : memref<8x1024xf32, #tpu.memory_space<vmem>>, vector<16xf32>,
        tpu.vector_store %arg10[%parallel_loop3A_313, %parallel_loop3A_314], %parallel_loop3A_301 {strides = array<i32>} : memref<8x1024xf32, #tpu.memory_space<vmem>>, vector<16xf32>,
      } {sc.loop_unroll_factor = 16 : i64, sc.parallel_access}
      %slice3A_178 = vector.extract_strided_slice %get3A_39 {offsets = [9], sizes = [1], strides = [1]} : vector<16xi32> to vector<1xi32>
      %squeeze3A_179 = vector.extract %slice3A_178[0] : i32 from vector<1xi32>
      %mul3A_180 = arith.constant 512 : i32
      %mul3A_181 = arith.muli %squeeze3A_179, %mul3A_180 : i32
      %mul3A_182 = arith.constant 16 : i32
      %mul3A_183 = arith.muli %scan3A_35, %mul3A_182 : i32
      %add3A_184 = arith.constant 9 : i32
      %add3A_185 = arith.addi %mul3A_183, %add3A_184 : i32
      %mul3A_186 = arith.constant 64 : i32
      %mul3A_187 = arith.muli %add3A_185, %mul3A_186 : i32
      %broadcast_in_dim3A_188 = vector.broadcast %mul3A_187 : i32 to vector<16xi32>
      %parallel_loop3A_189 = arith.constant 0 : i32
      %parallel_loop3A_190 = arith.constant 32 : i32
      %parallel_loop3A_191 = arith.constant 1 : i32
      scf.for %parallel_loop3A_286 = %parallel_loop3A_189 to %parallel_loop3A_190 step %parallel_loop3A_191  : i32 {
        %parallel_loop3A_287 = arith.constant 16 : i32
        %parallel_loop3A_288 = arith.muli %parallel_loop3A_286, %parallel_loop3A_287 : i32
        %parallel_loop3A_289 = arith.addi %mul3A_181, %parallel_loop3A_288 : i32
        %parallel_loop3A_290 = arith.index_cast %parallel_loop3A_289 : i32 to index
        %parallel_loop3A_291 = tpu.vector_load %arg6[%parallel_loop3A_290] {strides = array<i32>} : memref<51200xi32, #tpu.memory_space<vmem>>, vector<16xi32>,
        %parallel_loop3A_292 = arith.constant 65535 : i32
        %parallel_loop3A_293 = vector.broadcast %parallel_loop3A_292 : i32 to vector<16xi32>
        %parallel_loop3A_294 = arith.andi %parallel_loop3A_291, %parallel_loop3A_293 : vector<16xi32>
        %parallel_loop3A_295 = arith.constant 16 : i32
        %parallel_loop3A_296 = vector.broadcast %parallel_loop3A_295 : i32 to vector<16xi32>
        %parallel_loop3A_297 = arith.shrsi %parallel_loop3A_291, %parallel_loop3A_296 : vector<16xi32>
        %parallel_loop3A_298 = arith.addi %broadcast_in_dim3A_188, %parallel_loop3A_294 : vector<16xi32>
        %parallel_loop3A_299 = tpu.vector_load_idx %arg8[%parallel_loop3A_298] : memref<32768xf32, #tpu.memory_space<vmem>>[vector<16xi32>], vector<16xf32>,
        %parallel_loop3A_300 = arith.addi %broadcast_in_dim3A_188, %parallel_loop3A_297 : vector<16xi32>
        %parallel_loop3A_301 = tpu.vector_load_idx %arg8[%parallel_loop3A_300] : memref<32768xf32, #tpu.memory_space<vmem>>[vector<16xi32>], vector<16xf32>,
        %parallel_loop3A_302 = arith.constant 16 : i32
        %parallel_loop3A_303 = arith.muli %parallel_loop3A_286, %parallel_loop3A_302 : i32
        %parallel_loop3A_304 = arith.constant 1 : i32
        %parallel_loop3A_305 = arith.index_cast %parallel_loop3A_304 : i32 to index
        %parallel_loop3A_306 = arith.index_cast %parallel_loop3A_303 : i32 to index
        %parallel_loop3A_307 = tpu.vector_load %arg10[%parallel_loop3A_305, %parallel_loop3A_306] {strides = array<i32>} : memref<8x1024xf32, #tpu.memory_space<vmem>>, vector<16xf32>,
        tpu.vector_store %arg10[%parallel_loop3A_305, %parallel_loop3A_306], %parallel_loop3A_299 {strides = array<i32>} : memref<8x1024xf32, #tpu.memory_space<vmem>>, vector<16xf32>,
        %parallel_loop3A_308 = arith.constant 16 : i32
        %parallel_loop3A_309 = arith.muli %parallel_loop3A_286, %parallel_loop3A_308 : i32
        %parallel_loop3A_310 = arith.constant 512 : i32
        %parallel_loop3A_311 = arith.addi %parallel_loop3A_310, %parallel_loop3A_309 : i32
        %parallel_loop3A_312 = arith.constant 1 : i32
        %parallel_loop3A_313 = arith.index_cast %parallel_loop3A_312 : i32 to index
        %parallel_loop3A_314 = arith.index_cast %parallel_loop3A_311 : i32 to index
        %parallel_loop3A_315 = tpu.vector_load %arg10[%parallel_loop3A_313, %parallel_loop3A_314] {strides = array<i32>} : memref<8x1024xf32, #tpu.memory_space<vmem>>, vector<16xf32>,
        tpu.vector_store %arg10[%parallel_loop3A_313, %parallel_loop3A_314], %parallel_loop3A_301 {strides = array<i32>} : memref<8x1024xf32, #tpu.memory_space<vmem>>, vector<16xf32>,
      } {sc.loop_unroll_factor = 16 : i64, sc.parallel_access}
      %slice3A_192 = vector.extract_strided_slice %get3A_39 {offsets = [10], sizes = [1], strides = [1]} : vector<16xi32> to vector<1xi32>
      %squeeze3A_193 = vector.extract %slice3A_192[0] : i32 from vector<1xi32>
      %mul3A_194 = arith.constant 512 : i32
      %mul3A_195 = arith.muli %squeeze3A_193, %mul3A_194 : i32
      %mul3A_196 = arith.constant 16 : i32
      %mul3A_197 = arith.muli %scan3A_35, %mul3A_196 : i32
      %add3A_198 = arith.constant 10 : i32
      %add3A_199 = arith.addi %mul3A_197, %add3A_198 : i32
      %mul3A_200 = arith.constant 64 : i32
      %mul3A_201 = arith.muli %add3A_199, %mul3A_200 : i32
      %broadcast_in_dim3A_202 = vector.broadcast %mul3A_201 : i32 to vector<16xi32>
      %parallel_loop3A_203 = arith.constant 0 : i32
      %parallel_loop3A_204 = arith.constant 32 : i32
      %parallel_loop3A_205 = arith.constant 1 : i32
      scf.for %parallel_loop3A_286 = %parallel_loop3A_203 to %parallel_loop3A_204 step %parallel_loop3A_205  : i32 {
        %parallel_loop3A_287 = arith.constant 16 : i32
        %parallel_loop3A_288 = arith.muli %parallel_loop3A_286, %parallel_loop3A_287 : i32
        %parallel_loop3A_289 = arith.addi %mul3A_195, %parallel_loop3A_288 : i32
        %parallel_loop3A_290 = arith.index_cast %parallel_loop3A_289 : i32 to index
        %parallel_loop3A_291 = tpu.vector_load %arg6[%parallel_loop3A_290] {strides = array<i32>} : memref<51200xi32, #tpu.memory_space<vmem>>, vector<16xi32>,
        %parallel_loop3A_292 = arith.constant 65535 : i32
        %parallel_loop3A_293 = vector.broadcast %parallel_loop3A_292 : i32 to vector<16xi32>
        %parallel_loop3A_294 = arith.andi %parallel_loop3A_291, %parallel_loop3A_293 : vector<16xi32>
        %parallel_loop3A_295 = arith.constant 16 : i32
        %parallel_loop3A_296 = vector.broadcast %parallel_loop3A_295 : i32 to vector<16xi32>
        %parallel_loop3A_297 = arith.shrsi %parallel_loop3A_291, %parallel_loop3A_296 : vector<16xi32>
        %parallel_loop3A_298 = arith.addi %broadcast_in_dim3A_202, %parallel_loop3A_294 : vector<16xi32>
        %parallel_loop3A_299 = tpu.vector_load_idx %arg8[%parallel_loop3A_298] : memref<32768xf32, #tpu.memory_space<vmem>>[vector<16xi32>], vector<16xf32>,
        %parallel_loop3A_300 = arith.addi %broadcast_in_dim3A_202, %parallel_loop3A_297 : vector<16xi32>
        %parallel_loop3A_301 = tpu.vector_load_idx %arg8[%parallel_loop3A_300] : memref<32768xf32, #tpu.memory_space<vmem>>[vector<16xi32>], vector<16xf32>,
        %parallel_loop3A_302 = arith.constant 16 : i32
        %parallel_loop3A_303 = arith.muli %parallel_loop3A_286, %parallel_loop3A_302 : i32
        %parallel_loop3A_304 = arith.constant 2 : i32
        %parallel_loop3A_305 = arith.index_cast %parallel_loop3A_304 : i32 to index
        %parallel_loop3A_306 = arith.index_cast %parallel_loop3A_303 : i32 to index
        %parallel_loop3A_307 = tpu.vector_load %arg10[%parallel_loop3A_305, %parallel_loop3A_306] {strides = array<i32>} : memref<8x1024xf32, #tpu.memory_space<vmem>>, vector<16xf32>,
        tpu.vector_store %arg10[%parallel_loop3A_305, %parallel_loop3A_306], %parallel_loop3A_299 {strides = array<i32>} : memref<8x1024xf32, #tpu.memory_space<vmem>>, vector<16xf32>,
        %parallel_loop3A_308 = arith.constant 16 : i32
        %parallel_loop3A_309 = arith.muli %parallel_loop3A_286, %parallel_loop3A_308 : i32
        %parallel_loop3A_310 = arith.constant 512 : i32
        %parallel_loop3A_311 = arith.addi %parallel_loop3A_310, %parallel_loop3A_309 : i32
        %parallel_loop3A_312 = arith.constant 2 : i32
        %parallel_loop3A_313 = arith.index_cast %parallel_loop3A_312 : i32 to index
        %parallel_loop3A_314 = arith.index_cast %parallel_loop3A_311 : i32 to index
        %parallel_loop3A_315 = tpu.vector_load %arg10[%parallel_loop3A_313, %parallel_loop3A_314] {strides = array<i32>} : memref<8x1024xf32, #tpu.memory_space<vmem>>, vector<16xf32>,
        tpu.vector_store %arg10[%parallel_loop3A_313, %parallel_loop3A_314], %parallel_loop3A_301 {strides = array<i32>} : memref<8x1024xf32, #tpu.memory_space<vmem>>, vector<16xf32>,
      } {sc.loop_unroll_factor = 16 : i64, sc.parallel_access}
      %slice3A_206 = vector.extract_strided_slice %get3A_39 {offsets = [11], sizes = [1], strides = [1]} : vector<16xi32> to vector<1xi32>
      %squeeze3A_207 = vector.extract %slice3A_206[0] : i32 from vector<1xi32>
      %mul3A_208 = arith.constant 512 : i32
      %mul3A_209 = arith.muli %squeeze3A_207, %mul3A_208 : i32
      %mul3A_210 = arith.constant 16 : i32
      %mul3A_211 = arith.muli %scan3A_35, %mul3A_210 : i32
      %add3A_212 = arith.constant 11 : i32
      %add3A_213 = arith.addi %mul3A_211, %add3A_212 : i32
      %mul3A_214 = arith.constant 64 : i32
      %mul3A_215 = arith.muli %add3A_213, %mul3A_214 : i32
      %broadcast_in_dim3A_216 = vector.broadcast %mul3A_215 : i32 to vector<16xi32>
      %parallel_loop3A_217 = arith.constant 0 : i32
      %parallel_loop3A_218 = arith.constant 32 : i32
      %parallel_loop3A_219 = arith.constant 1 : i32
      scf.for %parallel_loop3A_286 = %parallel_loop3A_217 to %parallel_loop3A_218 step %parallel_loop3A_219  : i32 {
        %parallel_loop3A_287 = arith.constant 16 : i32
        %parallel_loop3A_288 = arith.muli %parallel_loop3A_286, %parallel_loop3A_287 : i32
        %parallel_loop3A_289 = arith.addi %mul3A_209, %parallel_loop3A_288 : i32
        %parallel_loop3A_290 = arith.index_cast %parallel_loop3A_289 : i32 to index
        %parallel_loop3A_291 = tpu.vector_load %arg6[%parallel_loop3A_290] {strides = array<i32>} : memref<51200xi32, #tpu.memory_space<vmem>>, vector<16xi32>,
        %parallel_loop3A_292 = arith.constant 65535 : i32
        %parallel_loop3A_293 = vector.broadcast %parallel_loop3A_292 : i32 to vector<16xi32>
        %parallel_loop3A_294 = arith.andi %parallel_loop3A_291, %parallel_loop3A_293 : vector<16xi32>
        %parallel_loop3A_295 = arith.constant 16 : i32
        %parallel_loop3A_296 = vector.broadcast %parallel_loop3A_295 : i32 to vector<16xi32>
        %parallel_loop3A_297 = arith.shrsi %parallel_loop3A_291, %parallel_loop3A_296 : vector<16xi32>
        %parallel_loop3A_298 = arith.addi %broadcast_in_dim3A_216, %parallel_loop3A_294 : vector<16xi32>
        %parallel_loop3A_299 = tpu.vector_load_idx %arg8[%parallel_loop3A_298] : memref<32768xf32, #tpu.memory_space<vmem>>[vector<16xi32>], vector<16xf32>,
        %parallel_loop3A_300 = arith.addi %broadcast_in_dim3A_216, %parallel_loop3A_297 : vector<16xi32>
        %parallel_loop3A_301 = tpu.vector_load_idx %arg8[%parallel_loop3A_300] : memref<32768xf32, #tpu.memory_space<vmem>>[vector<16xi32>], vector<16xf32>,
        %parallel_loop3A_302 = arith.constant 16 : i32
        %parallel_loop3A_303 = arith.muli %parallel_loop3A_286, %parallel_loop3A_302 : i32
        %parallel_loop3A_304 = arith.constant 3 : i32
        %parallel_loop3A_305 = arith.index_cast %parallel_loop3A_304 : i32 to index
        %parallel_loop3A_306 = arith.index_cast %parallel_loop3A_303 : i32 to index
        %parallel_loop3A_307 = tpu.vector_load %arg10[%parallel_loop3A_305, %parallel_loop3A_306] {strides = array<i32>} : memref<8x1024xf32, #tpu.memory_space<vmem>>, vector<16xf32>,
        tpu.vector_store %arg10[%parallel_loop3A_305, %parallel_loop3A_306], %parallel_loop3A_299 {strides = array<i32>} : memref<8x1024xf32, #tpu.memory_space<vmem>>, vector<16xf32>,
        %parallel_loop3A_308 = arith.constant 16 : i32
        %parallel_loop3A_309 = arith.muli %parallel_loop3A_286, %parallel_loop3A_308 : i32
        %parallel_loop3A_310 = arith.constant 512 : i32
        %parallel_loop3A_311 = arith.addi %parallel_loop3A_310, %parallel_loop3A_309 : i32
        %parallel_loop3A_312 = arith.constant 3 : i32
        %parallel_loop3A_313 = arith.index_cast %parallel_loop3A_312 : i32 to index
        %parallel_loop3A_314 = arith.index_cast %parallel_loop3A_311 : i32 to index
        %parallel_loop3A_315 = tpu.vector_load %arg10[%parallel_loop3A_313, %parallel_loop3A_314] {strides = array<i32>} : memref<8x1024xf32, #tpu.memory_space<vmem>>, vector<16xf32>,
        tpu.vector_store %arg10[%parallel_loop3A_313, %parallel_loop3A_314], %parallel_loop3A_301 {strides = array<i32>} : memref<8x1024xf32, #tpu.memory_space<vmem>>, vector<16xf32>,
      } {sc.loop_unroll_factor = 16 : i64, sc.parallel_access}
      %slice3A_220 = vector.extract_strided_slice %get3A_39 {offsets = [12], sizes = [1], strides = [1]} : vector<16xi32> to vector<1xi32>
      %squeeze3A_221 = vector.extract %slice3A_220[0] : i32 from vector<1xi32>
      %mul3A_222 = arith.constant 512 : i32
      %mul3A_223 = arith.muli %squeeze3A_221, %mul3A_222 : i32
      %mul3A_224 = arith.constant 16 : i32
      %mul3A_225 = arith.muli %scan3A_35, %mul3A_224 : i32
      %add3A_226 = arith.constant 12 : i32
      %add3A_227 = arith.addi %mul3A_225, %add3A_226 : i32
      %mul3A_228 = arith.constant 64 : i32
      %mul3A_229 = arith.muli %add3A_227, %mul3A_228 : i32
      %broadcast_in_dim3A_230 = vector.broadcast %mul3A_229 : i32 to vector<16xi32>
      %parallel_loop3A_231 = arith.constant 0 : i32
      %parallel_loop3A_232 = arith.constant 32 : i32
      %parallel_loop3A_233 = arith.constant 1 : i32
      scf.for %parallel_loop3A_286 = %parallel_loop3A_231 to %parallel_loop3A_232 step %parallel_loop3A_233  : i32 {
        %parallel_loop3A_287 = arith.constant 16 : i32
        %parallel_loop3A_288 = arith.muli %parallel_loop3A_286, %parallel_loop3A_287 : i32
        %parallel_loop3A_289 = arith.addi %mul3A_223, %parallel_loop3A_288 : i32
        %parallel_loop3A_290 = arith.index_cast %parallel_loop3A_289 : i32 to index
        %parallel_loop3A_291 = tpu.vector_load %arg6[%parallel_loop3A_290] {strides = array<i32>} : memref<51200xi32, #tpu.memory_space<vmem>>, vector<16xi32>,
        %parallel_loop3A_292 = arith.constant 65535 : i32
        %parallel_loop3A_293 = vector.broadcast %parallel_loop3A_292 : i32 to vector<16xi32>
        %parallel_loop3A_294 = arith.andi %parallel_loop3A_291, %parallel_loop3A_293 : vector<16xi32>
        %parallel_loop3A_295 = arith.constant 16 : i32
        %parallel_loop3A_296 = vector.broadcast %parallel_loop3A_295 : i32 to vector<16xi32>
        %parallel_loop3A_297 = arith.shrsi %parallel_loop3A_291, %parallel_loop3A_296 : vector<16xi32>
        %parallel_loop3A_298 = arith.addi %broadcast_in_dim3A_230, %parallel_loop3A_294 : vector<16xi32>
        %parallel_loop3A_299 = tpu.vector_load_idx %arg8[%parallel_loop3A_298] : memref<32768xf32, #tpu.memory_space<vmem>>[vector<16xi32>], vector<16xf32>,
        %parallel_loop3A_300 = arith.addi %broadcast_in_dim3A_230, %parallel_loop3A_297 : vector<16xi32>
        %parallel_loop3A_301 = tpu.vector_load_idx %arg8[%parallel_loop3A_300] : memref<32768xf32, #tpu.memory_space<vmem>>[vector<16xi32>], vector<16xf32>,
        %parallel_loop3A_302 = arith.constant 16 : i32
        %parallel_loop3A_303 = arith.muli %parallel_loop3A_286, %parallel_loop3A_302 : i32
        %parallel_loop3A_304 = arith.constant 4 : i32
        %parallel_loop3A_305 = arith.index_cast %parallel_loop3A_304 : i32 to index
        %parallel_loop3A_306 = arith.index_cast %parallel_loop3A_303 : i32 to index
        %parallel_loop3A_307 = tpu.vector_load %arg10[%parallel_loop3A_305, %parallel_loop3A_306] {strides = array<i32>} : memref<8x1024xf32, #tpu.memory_space<vmem>>, vector<16xf32>,
        tpu.vector_store %arg10[%parallel_loop3A_305, %parallel_loop3A_306], %parallel_loop3A_299 {strides = array<i32>} : memref<8x1024xf32, #tpu.memory_space<vmem>>, vector<16xf32>,
        %parallel_loop3A_308 = arith.constant 16 : i32
        %parallel_loop3A_309 = arith.muli %parallel_loop3A_286, %parallel_loop3A_308 : i32
        %parallel_loop3A_310 = arith.constant 512 : i32
        %parallel_loop3A_311 = arith.addi %parallel_loop3A_310, %parallel_loop3A_309 : i32
        %parallel_loop3A_312 = arith.constant 4 : i32
        %parallel_loop3A_313 = arith.index_cast %parallel_loop3A_312 : i32 to index
        %parallel_loop3A_314 = arith.index_cast %parallel_loop3A_311 : i32 to index
        %parallel_loop3A_315 = tpu.vector_load %arg10[%parallel_loop3A_313, %parallel_loop3A_314] {strides = array<i32>} : memref<8x1024xf32, #tpu.memory_space<vmem>>, vector<16xf32>,
        tpu.vector_store %arg10[%parallel_loop3A_313, %parallel_loop3A_314], %parallel_loop3A_301 {strides = array<i32>} : memref<8x1024xf32, #tpu.memory_space<vmem>>, vector<16xf32>,
      } {sc.loop_unroll_factor = 16 : i64, sc.parallel_access}
      %slice3A_234 = vector.extract_strided_slice %get3A_39 {offsets = [13], sizes = [1], strides = [1]} : vector<16xi32> to vector<1xi32>
      %squeeze3A_235 = vector.extract %slice3A_234[0] : i32 from vector<1xi32>
      %mul3A_236 = arith.constant 512 : i32
      %mul3A_237 = arith.muli %squeeze3A_235, %mul3A_236 : i32
      %mul3A_238 = arith.constant 16 : i32
      %mul3A_239 = arith.muli %scan3A_35, %mul3A_238 : i32
      %add3A_240 = arith.constant 13 : i32
      %add3A_241 = arith.addi %mul3A_239, %add3A_240 : i32
      %mul3A_242 = arith.constant 64 : i32
      %mul3A_243 = arith.muli %add3A_241, %mul3A_242 : i32
      %broadcast_in_dim3A_244 = vector.broadcast %mul3A_243 : i32 to vector<16xi32>
      %parallel_loop3A_245 = arith.constant 0 : i32
      %parallel_loop3A_246 = arith.constant 32 : i32
      %parallel_loop3A_247 = arith.constant 1 : i32
      scf.for %parallel_loop3A_286 = %parallel_loop3A_245 to %parallel_loop3A_246 step %parallel_loop3A_247  : i32 {
        %parallel_loop3A_287 = arith.constant 16 : i32
        %parallel_loop3A_288 = arith.muli %parallel_loop3A_286, %parallel_loop3A_287 : i32
        %parallel_loop3A_289 = arith.addi %mul3A_237, %parallel_loop3A_288 : i32
        %parallel_loop3A_290 = arith.index_cast %parallel_loop3A_289 : i32 to index
        %parallel_loop3A_291 = tpu.vector_load %arg6[%parallel_loop3A_290] {strides = array<i32>} : memref<51200xi32, #tpu.memory_space<vmem>>, vector<16xi32>,
        %parallel_loop3A_292 = arith.constant 65535 : i32
        %parallel_loop3A_293 = vector.broadcast %parallel_loop3A_292 : i32 to vector<16xi32>
        %parallel_loop3A_294 = arith.andi %parallel_loop3A_291, %parallel_loop3A_293 : vector<16xi32>
        %parallel_loop3A_295 = arith.constant 16 : i32
        %parallel_loop3A_296 = vector.broadcast %parallel_loop3A_295 : i32 to vector<16xi32>
        %parallel_loop3A_297 = arith.shrsi %parallel_loop3A_291, %parallel_loop3A_296 : vector<16xi32>
        %parallel_loop3A_298 = arith.addi %broadcast_in_dim3A_244, %parallel_loop3A_294 : vector<16xi32>
        %parallel_loop3A_299 = tpu.vector_load_idx %arg8[%parallel_loop3A_298] : memref<32768xf32, #tpu.memory_space<vmem>>[vector<16xi32>], vector<16xf32>,
        %parallel_loop3A_300 = arith.addi %broadcast_in_dim3A_244, %parallel_loop3A_297 : vector<16xi32>
        %parallel_loop3A_301 = tpu.vector_load_idx %arg8[%parallel_loop3A_300] : memref<32768xf32, #tpu.memory_space<vmem>>[vector<16xi32>], vector<16xf32>,
        %parallel_loop3A_302 = arith.constant 16 : i32
        %parallel_loop3A_303 = arith.muli %parallel_loop3A_286, %parallel_loop3A_302 : i32
        %parallel_loop3A_304 = arith.constant 5 : i32
        %parallel_loop3A_305 = arith.index_cast %parallel_loop3A_304 : i32 to index
        %parallel_loop3A_306 = arith.index_cast %parallel_loop3A_303 : i32 to index
        %parallel_loop3A_307 = tpu.vector_load %arg10[%parallel_loop3A_305, %parallel_loop3A_306] {strides = array<i32>} : memref<8x1024xf32, #tpu.memory_space<vmem>>, vector<16xf32>,
        tpu.vector_store %arg10[%parallel_loop3A_305, %parallel_loop3A_306], %parallel_loop3A_299 {strides = array<i32>} : memref<8x1024xf32, #tpu.memory_space<vmem>>, vector<16xf32>,
        %parallel_loop3A_308 = arith.constant 16 : i32
        %parallel_loop3A_309 = arith.muli %parallel_loop3A_286, %parallel_loop3A_308 : i32
        %parallel_loop3A_310 = arith.constant 512 : i32
        %parallel_loop3A_311 = arith.addi %parallel_loop3A_310, %parallel_loop3A_309 : i32
        %parallel_loop3A_312 = arith.constant 5 : i32
        %parallel_loop3A_313 = arith.index_cast %parallel_loop3A_312 : i32 to index
        %parallel_loop3A_314 = arith.index_cast %parallel_loop3A_311 : i32 to index
        %parallel_loop3A_315 = tpu.vector_load %arg10[%parallel_loop3A_313, %parallel_loop3A_314] {strides = array<i32>} : memref<8x1024xf32, #tpu.memory_space<vmem>>, vector<16xf32>,
        tpu.vector_store %arg10[%parallel_loop3A_313, %parallel_loop3A_314], %parallel_loop3A_301 {strides = array<i32>} : memref<8x1024xf32, #tpu.memory_space<vmem>>, vector<16xf32>,
      } {sc.loop_unroll_factor = 16 : i64, sc.parallel_access}
      %slice3A_248 = vector.extract_strided_slice %get3A_39 {offsets = [14], sizes = [1], strides = [1]} : vector<16xi32> to vector<1xi32>
      %squeeze3A_249 = vector.extract %slice3A_248[0] : i32 from vector<1xi32>
      %mul3A_250 = arith.constant 512 : i32
      %mul3A_251 = arith.muli %squeeze3A_249, %mul3A_250 : i32
      %mul3A_252 = arith.constant 16 : i32
      %mul3A_253 = arith.muli %scan3A_35, %mul3A_252 : i32
      %add3A_254 = arith.constant 14 : i32
      %add3A_255 = arith.addi %mul3A_253, %add3A_254 : i32
      %mul3A_256 = arith.constant 64 : i32
      %mul3A_257 = arith.muli %add3A_255, %mul3A_256 : i32
      %broadcast_in_dim3A_258 = vector.broadcast %mul3A_257 : i32 to vector<16xi32>
      %parallel_loop3A_259 = arith.constant 0 : i32
      %parallel_loop3A_260 = arith.constant 32 : i32
      %parallel_loop3A_261 = arith.constant 1 : i32
      scf.for %parallel_loop3A_286 = %parallel_loop3A_259 to %parallel_loop3A_260 step %parallel_loop3A_261  : i32 {
        %parallel_loop3A_287 = arith.constant 16 : i32
        %parallel_loop3A_288 = arith.muli %parallel_loop3A_286, %parallel_loop3A_287 : i32
        %parallel_loop3A_289 = arith.addi %mul3A_251, %parallel_loop3A_288 : i32
        %parallel_loop3A_290 = arith.index_cast %parallel_loop3A_289 : i32 to index
        %parallel_loop3A_291 = tpu.vector_load %arg6[%parallel_loop3A_290] {strides = array<i32>} : memref<51200xi32, #tpu.memory_space<vmem>>, vector<16xi32>,
        %parallel_loop3A_292 = arith.constant 65535 : i32
        %parallel_loop3A_293 = vector.broadcast %parallel_loop3A_292 : i32 to vector<16xi32>
        %parallel_loop3A_294 = arith.andi %parallel_loop3A_291, %parallel_loop3A_293 : vector<16xi32>
        %parallel_loop3A_295 = arith.constant 16 : i32
        %parallel_loop3A_296 = vector.broadcast %parallel_loop3A_295 : i32 to vector<16xi32>
        %parallel_loop3A_297 = arith.shrsi %parallel_loop3A_291, %parallel_loop3A_296 : vector<16xi32>
        %parallel_loop3A_298 = arith.addi %broadcast_in_dim3A_258, %parallel_loop3A_294 : vector<16xi32>
        %parallel_loop3A_299 = tpu.vector_load_idx %arg8[%parallel_loop3A_298] : memref<32768xf32, #tpu.memory_space<vmem>>[vector<16xi32>], vector<16xf32>,
        %parallel_loop3A_300 = arith.addi %broadcast_in_dim3A_258, %parallel_loop3A_297 : vector<16xi32>
        %parallel_loop3A_301 = tpu.vector_load_idx %arg8[%parallel_loop3A_300] : memref<32768xf32, #tpu.memory_space<vmem>>[vector<16xi32>], vector<16xf32>,
        %parallel_loop3A_302 = arith.constant 16 : i32
        %parallel_loop3A_303 = arith.muli %parallel_loop3A_286, %parallel_loop3A_302 : i32
        %parallel_loop3A_304 = arith.constant 6 : i32
        %parallel_loop3A_305 = arith.index_cast %parallel_loop3A_304 : i32 to index
        %parallel_loop3A_306 = arith.index_cast %parallel_loop3A_303 : i32 to index
        %parallel_loop3A_307 = tpu.vector_load %arg10[%parallel_loop3A_305, %parallel_loop3A_306] {strides = array<i32>} : memref<8x1024xf32, #tpu.memory_space<vmem>>, vector<16xf32>,
        tpu.vector_store %arg10[%parallel_loop3A_305, %parallel_loop3A_306], %parallel_loop3A_299 {strides = array<i32>} : memref<8x1024xf32, #tpu.memory_space<vmem>>, vector<16xf32>,
        %parallel_loop3A_308 = arith.constant 16 : i32
        %parallel_loop3A_309 = arith.muli %parallel_loop3A_286, %parallel_loop3A_308 : i32
        %parallel_loop3A_310 = arith.constant 512 : i32
        %parallel_loop3A_311 = arith.addi %parallel_loop3A_310, %parallel_loop3A_309 : i32
        %parallel_loop3A_312 = arith.constant 6 : i32
        %parallel_loop3A_313 = arith.index_cast %parallel_loop3A_312 : i32 to index
        %parallel_loop3A_314 = arith.index_cast %parallel_loop3A_311 : i32 to index
        %parallel_loop3A_315 = tpu.vector_load %arg10[%parallel_loop3A_313, %parallel_loop3A_314] {strides = array<i32>} : memref<8x1024xf32, #tpu.memory_space<vmem>>, vector<16xf32>,
        tpu.vector_store %arg10[%parallel_loop3A_313, %parallel_loop3A_314], %parallel_loop3A_301 {strides = array<i32>} : memref<8x1024xf32, #tpu.memory_space<vmem>>, vector<16xf32>,
      } {sc.loop_unroll_factor = 16 : i64, sc.parallel_access}
      %slice3A_262 = vector.extract_strided_slice %get3A_39 {offsets = [15], sizes = [1], strides = [1]} : vector<16xi32> to vector<1xi32>
      %squeeze3A_263 = vector.extract %slice3A_262[0] : i32 from vector<1xi32>
      %mul3A_264 = arith.constant 512 : i32
      %mul3A_265 = arith.muli %squeeze3A_263, %mul3A_264 : i32
      %mul3A_266 = arith.constant 16 : i32
      %mul3A_267 = arith.muli %scan3A_35, %mul3A_266 : i32
      %add3A_268 = arith.constant 15 : i32
      %add3A_269 = arith.addi %mul3A_267, %add3A_268 : i32
      %mul3A_270 = arith.constant 64 : i32
      %mul3A_271 = arith.muli %add3A_269, %mul3A_270 : i32
      %broadcast_in_dim3A_272 = vector.broadcast %mul3A_271 : i32 to vector<16xi32>
      %parallel_loop3A_273 = arith.constant 0 : i32
      %parallel_loop3A_274 = arith.constant 32 : i32
      %parallel_loop3A_275 = arith.constant 1 : i32
      scf.for %parallel_loop3A_286 = %parallel_loop3A_273 to %parallel_loop3A_274 step %parallel_loop3A_275  : i32 {
        %parallel_loop3A_287 = arith.constant 16 : i32
        %parallel_loop3A_288 = arith.muli %parallel_loop3A_286, %parallel_loop3A_287 : i32
        %parallel_loop3A_289 = arith.addi %mul3A_265, %parallel_loop3A_288 : i32
        %parallel_loop3A_290 = arith.index_cast %parallel_loop3A_289 : i32 to index
        %parallel_loop3A_291 = tpu.vector_load %arg6[%parallel_loop3A_290] {strides = array<i32>} : memref<51200xi32, #tpu.memory_space<vmem>>, vector<16xi32>,
        %parallel_loop3A_292 = arith.constant 65535 : i32
        %parallel_loop3A_293 = vector.broadcast %parallel_loop3A_292 : i32 to vector<16xi32>
        %parallel_loop3A_294 = arith.andi %parallel_loop3A_291, %parallel_loop3A_293 : vector<16xi32>
        %parallel_loop3A_295 = arith.constant 16 : i32
        %parallel_loop3A_296 = vector.broadcast %parallel_loop3A_295 : i32 to vector<16xi32>
        %parallel_loop3A_297 = arith.shrsi %parallel_loop3A_291, %parallel_loop3A_296 : vector<16xi32>
        %parallel_loop3A_298 = arith.addi %broadcast_in_dim3A_272, %parallel_loop3A_294 : vector<16xi32>
        %parallel_loop3A_299 = tpu.vector_load_idx %arg8[%parallel_loop3A_298] : memref<32768xf32, #tpu.memory_space<vmem>>[vector<16xi32>], vector<16xf32>,
        %parallel_loop3A_300 = arith.addi %broadcast_in_dim3A_272, %parallel_loop3A_297 : vector<16xi32>
        %parallel_loop3A_301 = tpu.vector_load_idx %arg8[%parallel_loop3A_300] : memref<32768xf32, #tpu.memory_space<vmem>>[vector<16xi32>], vector<16xf32>,
        %parallel_loop3A_302 = arith.constant 16 : i32
        %parallel_loop3A_303 = arith.muli %parallel_loop3A_286, %parallel_loop3A_302 : i32
        %parallel_loop3A_304 = arith.constant 7 : i32
        %parallel_loop3A_305 = arith.index_cast %parallel_loop3A_304 : i32 to index
        %parallel_loop3A_306 = arith.index_cast %parallel_loop3A_303 : i32 to index
        %parallel_loop3A_307 = tpu.vector_load %arg10[%parallel_loop3A_305, %parallel_loop3A_306] {strides = array<i32>} : memref<8x1024xf32, #tpu.memory_space<vmem>>, vector<16xf32>,
        tpu.vector_store %arg10[%parallel_loop3A_305, %parallel_loop3A_306], %parallel_loop3A_299 {strides = array<i32>} : memref<8x1024xf32, #tpu.memory_space<vmem>>, vector<16xf32>,
        %parallel_loop3A_308 = arith.constant 16 : i32
        %parallel_loop3A_309 = arith.muli %parallel_loop3A_286, %parallel_loop3A_308 : i32
        %parallel_loop3A_310 = arith.constant 512 : i32
        %parallel_loop3A_311 = arith.addi %parallel_loop3A_310, %parallel_loop3A_309 : i32
        %parallel_loop3A_312 = arith.constant 7 : i32
        %parallel_loop3A_313 = arith.index_cast %parallel_loop3A_312 : i32 to index
        %parallel_loop3A_314 = arith.index_cast %parallel_loop3A_311 : i32 to index
        %parallel_loop3A_315 = tpu.vector_load %arg10[%parallel_loop3A_313, %parallel_loop3A_314] {strides = array<i32>} : memref<8x1024xf32, #tpu.memory_space<vmem>>, vector<16xf32>,
        tpu.vector_store %arg10[%parallel_loop3A_313, %parallel_loop3A_314], %parallel_loop3A_301 {strides = array<i32>} : memref<8x1024xf32, #tpu.memory_space<vmem>>, vector<16xf32>,
      } {sc.loop_unroll_factor = 16 : i64, sc.parallel_access}
      %mul3A_276 = arith.constant 16 : i32
      %mul3A_277 = arith.muli %scan3A_35, %mul3A_276 : i32
      %add3A_278 = arith.addi %mul3A_2, %mul3A_277 : i32
      %add3A_279 = arith.constant 8 : i32
      %add3A_280 = arith.addi %add3A_278, %add3A_279 : i32
      %dma_start3A_281 = arith.constant 0 : i32
      %dma_start3A_282 = tpu.memref_slice %arg5[%add3A_280, %dma_start3A_281] : memref<16384x1024xf32, #tpu.memory_space<hbm>> -> memref<8x1024xf32, #tpu.memory_space<hbm>>
      %dma_start3A_283 = arith.constant 0 : i32
      %dma_start3A_284 = tpu.memref_slice %arg5[%add3A_280, %dma_start3A_283] : memref<16384x1024xf32, #tpu.memory_space<hbm>> -> memref<8x1024xf32, #tpu.memory_space<hbm>>
      tpu.enqueue_dma source(%arg10 : memref<8x1024xf32, #tpu.memory_space<vmem>>) target(%dma_start3A_284 : memref<8x1024xf32, #tpu.memory_space<hbm>>) target_semaphore(%arg12 : memref<!tpu.dma_semaphore, #tpu.memory_space<semaphore_mem>>)
      %scan3A_285 = arith.constant 0 : i32
      scf.yield %scan3A_285 : i32
    }
    %scan3A_22 = arith.constant 32 : i32
    %dma_wait3A_23 = arith.constant 0 : i32
    %dma_wait3A_24 = arith.constant 0 : i32
    %dma_wait3A_25 = tpu.memref_slice %arg5[%dma_wait3A_23, %dma_wait3A_24] : memref<16384x1024xf32, #tpu.memory_space<hbm>> -> memref<8x1024xf32, #tpu.memory_space<hbm>>
    %dma_wait3A_26 = arith.constant 0 : i32
    %dma_wait3A_27 = arith.constant 0 : i32
    %dma_wait3A_28 = tpu.memref_slice %arg5[%dma_wait3A_26, %dma_wait3A_27] : memref<16384x1024xf32, #tpu.memory_space<hbm>> -> memref<8x1024xf32, #tpu.memory_space<hbm>>
    tpu.wait_dma2 semaphore(%arg11 : memref<!tpu.dma_semaphore, #tpu.memory_space<semaphore_mem>>) src(%dma_wait3A_28 : memref<8x1024xf32, #tpu.memory_space<hbm>>) dst(%arg9 : memref<8x1024xf32, #tpu.memory_space<vmem>>)
    %dma_wait3A_29 = arith.constant 0 : i32
    %dma_wait3A_30 = arith.constant 0 : i32
    %dma_wait3A_31 = tpu.memref_slice %arg5[%dma_wait3A_29, %dma_wait3A_30] : memref<16384x1024xf32, #tpu.memory_space<hbm>> -> memref<8x1024xf32, #tpu.memory_space<hbm>>
    %dma_wait3A_32 = arith.constant 0 : i32
    %dma_wait3A_33 = arith.constant 0 : i32
    %dma_wait3A_34 = tpu.memref_slice %arg5[%dma_wait3A_32, %dma_wait3A_33] : memref<16384x1024xf32, #tpu.memory_space<hbm>> -> memref<8x1024xf32, #tpu.memory_space<hbm>>
    tpu.wait_dma2 semaphore(%arg12 : memref<!tpu.dma_semaphore, #tpu.memory_space<semaphore_mem>>) src(%dma_wait3A_34 : memref<8x1024xf32, #tpu.memory_space<hbm>>) dst(%arg10 : memref<8x1024xf32, #tpu.memory_space<vmem>>)
    return
  }
}

module attributes {stable_mosaic.version = 14 : i64} {
  func.func @_prep_body(%arg0: memref<8192x128xf32, #tpu.memory_space<vmem>>, %arg1: memref<100x1024xi32, #tpu.memory_space<vmem>>, %arg2: memref<8192x128xf32, #tpu.memory_space<vmem>>, %arg3: memref<32x400x128xi32, #tpu.memory_space<vmem>>) attributes {dimension_semantics = [], scalar_prefetch = 0 : i64, scratch_operands = 0 : i64, tpu.core_type = #tpu.core_type<tc>} {
    %get3A = arith.constant 0 : index
    %get3A_0 = arith.constant 0 : index
    %get3A_1 = vector.load %arg0[%get3A, %get3A_0] : memref<8192x128xf32, #tpu.memory_space<vmem>>, vector<8192x128xf32>
    %log3A = math.log %get3A_1 : vector<8192x128xf32>
    %swap3A = arith.constant 0 : index
    %swap3A_2 = arith.constant 0 : index
    %swap3A_3 = vector.load %arg2[%swap3A, %swap3A_2] : memref<8192x128xf32, #tpu.memory_space<vmem>>, vector<8192x128xf32>
    tpu.vector_store %arg2[%swap3A, %swap3A_2], %log3A {strides = array<i32>} : memref<8192x128xf32, #tpu.memory_space<vmem>>, vector<8192x128xf32>,
    %get3A_4 = arith.constant 0 : index
    %get3A_5 = arith.constant 0 : index
    %get3A_6 = vector.load %arg1[%get3A_4, %get3A_5] : memref<100x1024xi32, #tpu.memory_space<vmem>>, vector<100x1024xi32>
    %slice3A = vector.extract_strided_slice %get3A_6 {offsets = [0, 0], sizes = [100, 512], strides = [1, 1]} : vector<100x1024xi32> to vector<100x512xi32>
    %slice3A_7 = vector.extract_strided_slice %get3A_6 {offsets = [0, 512], sizes = [100, 512], strides = [1, 1]} : vector<100x1024xi32> to vector<100x512xi32>
    %shift_left3A = arith.constant 16 : i32
    %shift_left3A_8 = vector.broadcast %shift_left3A : i32 to vector<100x512xi32>
    %shift_left3A_9 = arith.shli %slice3A_7, %shift_left3A_8 : vector<100x512xi32>
    %or3A = arith.ori %slice3A, %shift_left3A_9 : vector<100x512xi32>
    %reshape3A = vector.shape_cast %or3A : vector<100x512xi32> to vector<400x128xi32>
    %broadcast_in_dim3A = vector.shape_cast %reshape3A : vector<400x128xi32> to vector<1x400x128xi32>
    %broadcast_in_dim3A_10 = vector.shape_cast %broadcast_in_dim3A : vector<1x400x128xi32> to vector<1x400x128xi32>
    %broadcast_in_dim3A_11 = vector.broadcast %broadcast_in_dim3A_10 : vector<1x400x128xi32> to vector<32x400x128xi32>
    %swap3A_12 = arith.constant 0 : index
    %swap3A_13 = arith.constant 0 : index
    %swap3A_14 = arith.constant 0 : index
    %swap3A_15 = vector.load %arg3[%swap3A_12, %swap3A_13, %swap3A_14] : memref<32x400x128xi32, #tpu.memory_space<vmem>>, vector<32x400x128xi32>
    tpu.vector_store %arg3[%swap3A_12, %swap3A_13, %swap3A_14], %broadcast_in_dim3A_11 {strides = array<i32>} : memref<32x400x128xi32, #tpu.memory_space<vmem>>, vector<32x400x128xi32>,
    return
  }
}

</mosaic_0001>

<sc_bundles>
// kernel: kernel.4.cloned.1.call-start
scs
__scs_entry_jumppad:
0x0: {  	(pc) =	sbr.rel $0x88, $3  }
0x1: {  	(tag) =	ssettag $0x0;
	lr =	simm.s32 $0x1  }
0x2: {  	[smem:$0x3F9E] =	sst lr;
	_ =	strace $0xD0000000  }
0x3: {  	_ = 	snop  }
0x4: {  	_ = 	snop  }
0x5: {  	_ = 	snop  }
0x6: {  	_ = 	snop  }
0x7: {  	_ = 	snop  }
__scs_overlays_trampoline_lowered:
0x8: {  	[smem:$0x3FAD] =	sst s0  }
0x9: {  	[smem:$0x3FAE] =	sst s1  }
0xa: {  	[smem:$0x3FAF] =	sst s2  }
0xb: {  	[smem:$0x3FB0] =	sst s3  }
0xc: {  	[smem:$0x3FB1] =	sst s4  }
0xd: {  	[smem:$0x3FB2] =	sst s5  }
0xe: {  	[smem:$0x3FB3] =	sst s6  }
0xf: {  	[smem:$0x3FB4] =	sst s7  }
0x10: {  	[smem:$0x3FB5] =	sst s8  }
0x11: {  	[smem:$0x3FB6] =	sst s9;
	s0 =	simm.s32 @!p0 $0x0  }
0x12: {  	s1 =	sld [smem:$0x3F9C];
	s0 =	simm.s32 @p0 $0x1  }
0x13: {  	[smem:$0x3FB7] =	sst s0;
	s0 =	simm.s32 @!p1 $0x0  }
0x14: {  	s2 =	sld [smem:$0x3F9B];
	s0 =	simm.s32 @p1 $0x1  }
0x15: {  	[smem:$0x3FB8] =	sst s0;
	s0 =	simm.s32 @!p2 $0x0  }
0x16: {  	s3 =	sld [smem:$0x3FDB];
	s0 =	simm.s32 @p2 $0x1  }
0x17: {  	s4 =	simm.s32 $0x1BF5;
	[smem:$0x3FBA] =	sst s0  }
0x18: {  	s0 =	sld [smem:$0x3F9D];
	_ =	swait.ge [sflag:s4], $0x0  }
0x19: {  	s7 =	sld [smem:$0x3F9E]  }
0x1a: {  	s8 =	sadd.s32 $0xFFFFE003, lr  }
0x1b: {  	s9 =	sadd.s32 $0xFFFFFEF7, lr;
	s5 =	simm.s32 $0xFFFFFFFF;
	p2 =	slt.u32 s8, $0xFFFFF086  }
0x1c: {  	p1 =	slt.u32 s9, $0xF7A;
	s5 =	simm.s32 @!p2 $0x0  }
0x1d: {  	s5 =	simm.s32 @p1 $0x1;
	p0 =	seq.s32 s7, s2  }
0x1e: {  	s7 =	smul.u32 @!p0 $0xF7A, s2;
	p2 =	seq.s32 @!p0 s5, $0x0  }
0x1f: {  	s9 =	smul.u32 $0xF7A, s1;
	s8 =	simm.s32 @!p0 $0x1BF5;
	p2 =	por !p2, p0  }
0x20: {  	[sflag:s8] =	ssyncset.s32 @!p0 $0xFFFFF086;
	s6 =	sadd.s32 @!p0 s3, s7;
	s7 =	simm.s32 @!p0 $0x108  }
0x21: {  	s3 =	sadd.s32 s3, s9;
	s6 =	sadd.s32 @!p0 $0x88, s6;
	s7 =	simm.s32 @p2 $0x1082  }
0x22: {  	[simem:s7], [sflag:s8] =	dma.local @!p0 [hbm:s6], $0xF7A  }
0x23: {  	s9 =	sor.u32 $0xD0000000, s2;
	s6 =	simm.s32 $0x108;
	_ =	swait.ge @!p0 [sflag:s8], $0x0  }
0x24: {  	s3 =	sadd.s32 $0x88, s3;
	s6 =	simm.s32 @!p1 $0x1082;
	[sflag:s4] =	ssyncset.s32 $0xFFFFF086  }
0x25: {  	[simem:s6], [sflag:s4] =	dma.local [hbm:s3], $0xF7A  }
0x26: {  	[smem:$0x3F9E] =	sst s1;
	(tag) =	ssettag s2;
	_ =	strace s9  }
0x27: {  	s1 =	sld [smem:$0x3FAE]  }
0x28: {  	s2 =	sld [smem:$0x3FAF]  }
0x29: {  	s4 =	sld [smem:$0x3FB1]  }
0x2a: {  	p0 =	seq.s32 s5, $0x0;
	s5 =	sld [smem:$0x3FB2]  }
0x2b: {  	s6 =	sld [smem:$0x3FB3]  }
0x2c: {  	s7 =	sld [smem:$0x3FB4]  }
0x2d: {  	s3 =	simm.s32 $0x108;
	s8 =	sld [smem:$0x3FB5]  }
0x2e: {  	s3 =	simm.s32 @!p0 $0x1082;
	s9 =	sld [smem:$0x3FB6]  }
0x2f: {  	lr =	sadd.s32 s0, s3;
	s0 =	sld [smem:$0x3FAD]  }
0x30: {  	s3 =	sld [smem:$0x3FB0]  }
0x31: {  	[smem:$0x3FB9] =	sst s10  }
0x32: {  	s10 =	sld [smem:$0x3FB7];
	_ =	sdelay $0x3  }
0x33: {  	p0 =	seq.s32 s10, $0x1;
	s10 =	sld [smem:$0x3FB9];
	_ =	sdelay $0x3  }
0x34: {  	[smem:$0x3FB9] =	sst s10  }
0x35: {  	s10 =	sld [smem:$0x3FB8];
	_ =	sdelay $0x3  }
0x36: {  	p1 =	seq.s32 s10, $0x1;
	s10 =	sld [smem:$0x3FB9];
	_ =	sdelay $0x3  }
0x37: {  	[smem:$0x3FB9] =	sst s10  }
0x38: {  	s10 =	sld [smem:$0x3FBA]  }
0x39: {  	_ = 	snop;
	(pc) =	sbr.ind lr, $3  }
0x3a: {  	_ = 	snop  }
0x3b: {  	_ = 	snop  }
0x3c: {  	p2 =	seq.s32 s10, $0x1;
	s10 =	sld [smem:$0x3FB9]  }
0x3d: {  	_ =	shalt  }
0x3e: {  	_ =	shalt  }
0x3f: {  	_ =	shalt  }
0x40: {  	_ =	shalt  }
0x41: {  	_ =	shalt  }
0x42: {  	_ =	shalt  }
0x43: {  	_ =	shalt  }
0x44: {  	_ =	shalt  }
0x45: {  	_ =	shalt  }
0x46: {  	_ =	shalt  }
0x47: {  	_ =	shalt  }
0x48: {  	_ =	shalt  }
0x49: {  	_ =	shalt  }
0x4a: {  	_ =	shalt  }
0x4b: {  	_ =	shalt  }
0x4c: {  	_ =	shalt  }
0x4d: {  	_ =	shalt  }
0x4e: {  	_ =	shalt  }
0x4f: {  	_ =	shalt  }
0x50: {  	_ =	shalt  }
0x51: {  	_ =	shalt  }
0x52: {  	_ =	shalt  }
0x53: {  	_ =	shalt  }
0x54: {  	_ =	shalt  }
0x55: {  	_ =	shalt  }
0x56: {  	_ =	shalt  }
0x57: {  	_ =	shalt  }
0x58: {  	_ =	shalt  }
0x59: {  	_ =	shalt  }
0x5a: {  	_ =	shalt  }
0x5b: {  	_ =	shalt  }
0x5c: {  	_ =	shalt  }
0x5d: {  	_ =	shalt  }
0x5e: {  	_ =	shalt  }
0x5f: {  	_ =	shalt  }
0x60: {  	_ =	shalt  }
0x61: {  	_ =	shalt  }
0x62: {  	_ =	shalt  }
0x63: {  	_ =	shalt  }
0x64: {  	_ =	shalt  }
0x65: {  	_ =	shalt  }
0x66: {  	_ =	shalt  }
0x67: {  	_ =	shalt  }
0x68: {  	_ =	shalt  }
0x69: {  	_ =	shalt  }
0x6a: {  	_ =	shalt  }
0x6b: {  	_ =	shalt  }
0x6c: {  	_ =	shalt  }
0x6d: {  	_ =	shalt  }
0x6e: {  	_ =	shalt  }
0x6f: {  	_ =	shalt  }
0x70: {  	_ =	shalt  }
0x71: {  	_ =	shalt  }
0x72: {  	_ =	shalt  }
0x73: {  	_ =	shalt  }
0x74: {  	_ =	shalt  }
0x75: {  	_ =	shalt  }
0x76: {  	_ =	shalt  }
0x77: {  	_ =	shalt  }
0x78: {  	_ =	shalt  }
0x79: {  	_ =	shalt  }
0x7a: {  	_ =	shalt  }
0x7b: {  	_ =	shalt  }
0x7c: {  	_ =	shalt  }
0x7d: {  	_ =	shalt  }
0x7e: {  	_ =	shalt  }
0x7f: {  	_ =	shalt  }
0x80: {  	_ =	shalt  }
0x81: {  	_ =	shalt  }
0x82: {  	_ =	shalt  }
0x83: {  	_ =	shalt  }
0x84: {  	_ =	shalt  }
0x85: {  	_ =	shalt  }
0x86: {  	_ =	shalt  }
0x87: {  	_ =	shalt  }
.Lfunc_end0:
.L_simem_size_0:
called_computation_lowered:
.L_overlay_start_0:
0x88: {  	s2 =	sld [smem:$0x3FD9]  }
0x89: {  	s3 =	sld [smem:$0x3FFE];
	_ =	sdelay $0x1  }
0x8a: {  	s1 =	srdreg.scid  }
0x8b: {  	s0 =	sand.u32 $0x1, s1  }
0x8c: {  	s17 =	sshll.u32 s0, $0xA;
	s2 =	sadd.s32 s3, s2  }
0x8d: {  	s2 =	sadd.s32 s2, s17  }
0x8e: {  	[smem:$0x3FC5] =	sst s2  }
0x8f: {  	_ = 	snop  }
0x90: {  	s2 =	sld [smem:$0x3FC8]  }
0x91: {  	s18 =	sld [smem:$0x3FD0];
	(tm) =	ssettm $0x1  }
0x92: {  	s4 =	sld [smem:$0x3FFB];
	_ =	sdelay $0x3  }
0x93: {  	_ =	strace s4  }
0x94: {  	s4 =	sld [smem:$0x3FFC];
	_ =	sdelay $0x3  }
0x95: {  	_ =	strace s4  }
0x96: {  	s4 =	sld [smem:$0x3FFD];
	_ =	sdelay $0x3  }
0x97: {  	_ =	strace s4  }
0x98: {  	_ =	strace $0x8FFFFFFF  }
0x99: {  	s19 =	sld [smem:$0x3FDB];
	_ =	sdelay $0x1  }
0x9a: {  	s5 =	simm.s32 $_scs_section_size  }
0x9b: {  	s6 =	simm.s32 $_size__tile_overlayer_lowered;
	s7 =	simm.s32 $_tile_overlayer_lowered  }
0x9c: {  	s22 =	simm.s32 $0x1BFF;
	s21 =	sshll.u32 s7, $0x1;
	s4 =	sadd.s32 s5, s19  }
0x9d: {  	s8 =	simm.s32 $0x0;
	s20 =	sshll.u32 s6, $0x1;
	s6 =	sadd.s32 s21, s4  }
0x9e: {  	[timem:s8], [sflag:s22] =	dma.local [hbm:s6], s20  }
0x9f: {  	_ =	swait.ge [sflag:s22], s20  }
0xa0: {  	s5 =	ssub.s32 $0x0, s20;
	[sflag:s22] =	ssyncset.done $0x0  }
0xa1: {  	[sflag:s22] =	ssyncadd.s32 s5;
	_ =	sdelay $0x1  }
0xa2: {  	s23 =	simm.s32 $0x1B8B  }
0xa3: {  	_ =	swait.ge [sflag:s23], $0x1  }
0xa4: {  	[sflag:s23] =	ssyncset.done $0x0  }
0xa5: {  	s25 =	simm.s32 $0x1B8E;
	s24 =	sld [smem:$0x3FFE];
	[sflag:s23] =	ssyncadd.s32 $0xFFFFFFFF  }
0xa6: {  	s26 =	simm.s32 $execute0_lowered;
	[smem:$0x3FD2] =	sst s25  }
0xa7: {  	s6 =	sshll.u32 s26, $0x1;
	_ =	strace $0x80000046;
	[dreg:$0x1] =	wrdreg $0xFFFFFFFF  }
0xa8: {  	s28 =	simm.s32 $_size_execute0_lowered;
	s4 =	sadd.s32 s4, s6;
	[dreg:$0x0] =	wrdreg $0x0  }
0xa9: {  	s6 =	sshll.u32 s28, $0x1;
	[dreg:$0x2] =	wrdreg s4  }
0xaa: {  	[dreg:$0x3] =	wrdreg s6  }
0xab: {  	[dreg:$0x4] =	wrdreg $0xC0  }
0xac: {  	_ =	task [dreg:s8], $0x5FFFF  }
0xad: {  	[dreg:$0x1] =	wrdreg $0xFFFFFFFF  }
0xae: {  	[dreg:$0x0] =	wrdreg $0x60  }
0xaf: {  	[dreg:$0x2] =	wrdreg s24  }
0xb0: {  	[dreg:$0x3] =	wrdreg s2  }
0xb1: {  	[dreg:$0x4] =	wrdreg s18  }
0xb2: {  	[dreg:$0x5] =	wrdreg $0x9  }
0xb3: {  	_ =	task.clear_ibuf [dreg:s8], $0x6FFFF;
	_ =	strace $0x90000046  }
0xb4: {  	s29 =	simm.s32 $0x9;
	_ =	strace $0x80000048  }
0xb5: {  	_ =	swait.ge [sflag:s29], $0x1  }
0xb6: {  	[sflag:s29] =	ssyncadd.s32 $0xFFFFFFFF  }
0xb7: {  	_ =	strace $0x90000048  }
0xb8: {  	_ =	sfence  }
0xb9: {  	s30 =	sld [smem:$0x0];
	_ =	sdelay $0x2  }
0xba: {  	s31 =	sshll.u32 s1, $0xD;
	s1 =	sshrl.u32 s1, $0x2  }
0xbb: {  	s3 =	sand.u32 $0x4000, s31;
	s1 =	sadd.s32 s1, s30  }
0xbc: {  	s0 =	sor.u32 s3, s0;
	s1 =	sshll.u32 s1, $0x11  }
0xbd: {  	s0 =	sor.u32 s1, s0  }
0xbe: {  	s0 =	sadd.s32 $0x8F2B, s0  }
0xbf: {  	[sflag:s0] =	ssyncadd.remote.s32 $0x1  }
0xc0: {  	_ =	sfence.sel $0xFFFF  }
0xc1: {  	[dreg:$0x0] =	wrdreg $0xFFFFFFFF;
	(pc) =	sbr.abs _section_cstart, $3  }
0xc2: {  	[dreg:$0x1] =	wrdreg $0xFFFFFFFF  }
0xc3: {  	_ =	task.clear_ibuf [dreg:s8], $0x2FFFF;
	_ =	strace $0x9FFFFFFF  }
0xc4: {  	(tm) =	ssettm $0x7FFFFFFF  }
0xc5: {  	_ =	shalt  }
tec
execute0_lowered:
.L_overlay_start_1:
0x0: {  	(tag) =	ssettag $0x1  }
0x1: {  	s4 =	rddreg [dreg:$0x0]  }
0x2: {  	s6 =	rddreg [dreg:$0x1]  }
0x3: {  	s1 =	srdreg.scid;
	s0 =	stileid.u32  }
0x4: {  	s2 =	rddreg [dreg:$0x2];
	s3 =	simm.s32 $0x0;
	s11 =	simm.s32 $0xC800  }
0x5: {  	s12 =	simm.s32 $0x3;
	s13 =	simm.s32 $0x14A00;
	s14 =	simm.s32 $0x16A00  }
0x6: {  	s15 =	simm.s32 $0x1;
	s16 =	simm.s32 $0x2;
	s17 =	simm.s32 $0x0  }
0x7: {  	s5 =	sand.u32 $0x1, s1;
	s7 =	sshll.u32 s0, $0x1;
	s1 =	rddreg [dreg:$0x3]  }
0x8: {  	[smem:$0x7FF] =	sst s3;
	s7 =	sor.u32 s5, s7;
	s5 =	ssub.s32 $0x2, s5  }
0x9: {  	_ =	strace $0x80000047;
	s8 =	smul.u32 $0x1900, s7;
	s9 =	sshll.u32 s7, $0xC  }
0xa: {  	s10 =	sshrl.u32 s5, $0x1;
	s31 =	sshll.u32 s7, $0x6;
	s7 =	sshll.u32 s7, $0x10  }
0xb: {  	s9 =	sadd.s32 s9, s4;
	s10 =	ssub.s32 s5, s10;
	s6 =	sadd.s32 s6, s31  }
0xc: {  	s4 =	sadd.s32 s8, s4;
	s5 =	sadd.s32 $0x32E00, s9;
	s8 =	sadd.s32 $0x400, s2  }
0xd: {  	s9 =	smax.u32 s10, $0x1;
	s10 =	simm.s32 $0xCA00;
	s4 =	sadd.s32 $0xE00, s4  }
.LBB2_1:
0xe: {  	[tilespmem:s3], [sflag:$0x3] =	stream.linear.gather [hbm4b:s4+s3], $0xC800, $0x38;
	[tilespmem:$0x18A00] =	vst v63  }
0xf: {  	_ = 	snop  }
0x10: {  	[tilespmem:s10], [sflag:$0x3] =	stream.linear.gather [hbm4b:s5+s3], $0x8000, $0x38;
	[tilespmem:$0x18A00] =	vst v63  }
0x11: {  	_ = 	snop  }
0x12: {  	[tilespmem:s11], [sflag:$0x3] =	stream.linear.gather [hbm4b:s6+s3], $0x200, $0x38;
	[tilespmem:$0x18A00] =	vst v63  }
0x13: {  	_ =	swait.ge [sflag:s12], $0xC800  }
0x14: {  	[sflag:s12] =	ssyncset.done $0x0  }
0x15: {  	[sflag:s12] =	ssyncadd.s32 $0xFFFF3800  }
0x16: {  	_ =	swait.ge [sflag:s12], $0x8000  }
0x17: {  	[sflag:s12] =	ssyncset.done $0x0  }
0x18: {  	[sflag:s12] =	ssyncadd.s32 $0xFFFF8000  }
0x19: {  	_ =	swait.ge [sflag:s12], $0x200  }
0x1a: {  	[sflag:s12] =	ssyncset.done $0x0  }
0x1b: {  	s18 =	simm.s32 $0x0;
	[sflag:s12] =	ssyncadd.s32 $0xFFFFFE00  }
.LBB2_2:
0x1c: {  	s19 =	sshll.u32 s18, $0x4  }
0x1d: {  	s19 =	sand.u32 $0x3FFFFFF0, s19  }
0x1e: {  	v0 =	vld [tilespmem:s19+$0xC800];
	_ =	sdelay $0x1  }
0x1f: {  	p0 =	seq.s32 s18, $0x0  }
0x20: {  	s20 =	simm.s32 @!p0 $0x1  }
0x21: {  	_ =	swait.ge @!p0 [sflag:s20], $0x2000  }
0x22: {  	(v2sf) =	vpush v0, $0x0;
	_ =	sdelay $0xe  }
0x23: {  	s31 =	spop (v2sf)  }
0x24: {  	s21 =	sshll.u32 s31, $0xB  }
0x25: {  	s22 =	sshra.s32 s21, $0x2  }
0x26: {  	v2 =	vmov s22  }
0x27: {  	s19 =	sshll.u32 s18, $0xA;
	[sflag:s20] =	ssyncset.done @!p0 $0x0  }
0x28: {  	p1 =	por $0x1, $0x1;
	v1 =	vmov s19;
	[sflag:s20] =	ssyncadd.s32 @!p0 $0xFFFFE000;
	s21 =	simm.s32 $0x0  }
.LBB2_3:
0x29: {  	s20 =	sshll.u32 s21, $0x4  }
0x2a: {  	s22 =	sand.u32 $0x3FFFFFF0, s20  }
0x2b: {  	v3 =	vld.idx.msk [tilespmem:v2+s22+$0x0 ss:$0x1], $0xffff  }
0x2c: {  	v4 =	vld.idx.msk [tilespmem:v2+s22+$0x10 ss:$0x1], $0xffff  }
0x2d: {  	v51 =	vld.idx.msk [tilespmem:v2+s22+$0x20 ss:$0x1], $0xffff  }
0x2e: {  	s28 =	sor.u32 $0x80, s20;
	v9 =	vld.idx.msk [tilespmem:v2+s22+$0x30 ss:$0x1], $0xffff  }
0x2f: {  	s26 =	sor.u32 $0x90, s20;
	v53 =	vld.idx.msk [tilespmem:v2+s28+$0x0 ss:$0x1], $0xffff  }
0x30: {  	s25 =	sor.u32 $0xB0, s20;
	v11 =	vld.idx.msk [tilespmem:v2+s26+$0x0 ss:$0x1], $0xffff  }
0x31: {  	s24 =	sor.u32 $0xC0, s20;
	v55 =	vld.idx.msk [tilespmem:v2+s25+$0x0 ss:$0x1], $0xffff  }
0x32: {  	v18 =	vld.idx.msk [tilespmem:v2+s24+$0x0 ss:$0x1], $0xffff  }
0x33: {  	v19 =	vld.idx.msk [tilespmem:v2+s22+$0x40 ss:$0x1], $0xffff;
	v5 =	vand.u32 $0xFF80, v3;
	v6 =	vand.u32 $0x7F, v3;
	v3 =	vshra.s32 v3, $0x10  }
0x34: {  	v7 =	vand.u32 $0xFF80, v4;
	v8 =	vand.u32 $0x7F, v4;
	v4 =	vshra.s32 v4, $0x10  }
0x35: {  	v57 =	vld.idx.msk [tilespmem:v2+s22+$0x50 ss:$0x1], $0xffff;
	v52 =	vand.u32 $0xFF80, v51;
	v10 =	vand.u32 $0x7F, v51;
	v12 =	vand.u32 $0xFF80, v9  }
0x36: {  	v14 =	vand.u32 $0x7F, v9;
	v15 =	vand.u32 $0xFF80, v53;
	v16 =	vand.u32 $0x7F, v53  }
0x37: {  	v17 =	vand.u32 $0xFF80, v11;
	v20 =	vand.u32 $0x7F, v11;
	v24 =	vand.u32 $0xFF80, v55  }
0x38: {  	s23 =	sor.u32 $0xA0, s20;
	v61 =	vand.u32 $0xFF80, v18;
	v62 =	vand.u32 $0x7F, v18;
	v63 =	vand.u32 $0xFF80, v19  }
0x39: {  	v13 =	vld.idx.msk [tilespmem:v2+s23+$0x0 ss:$0x1], $0xffff;
	v18 =	vshra.s32 v18, $0x10;
	v9 =	vshra.s32 v9, $0x10;
	v30 =	vand.u32 $0x7F, v19  }
0x3a: {  	v22 =	vld.idx.msk [tilespmem:v2+s22+$0x60 ss:$0x1], $0xffff;
	v32 =	vand.u32 $0xFF80, v57;
	v5 =	vadd.s32 v1, v5;
	v3 =	vadd.s32 v1, v3  }
0x3b: {  	s31 =	sor.u32 $0xD0, s20;
	v59 =	vld.idx.msk [tilespmem:v2+s22+$0x70 ss:$0x1], $0xffff;
	v7 =	vadd.s32 v1, v7;
	v4 =	vadd.s32 v1, v4;
	v12 =	vadd.s32 v1, v12  }
0x3c: {  	v25 =	vld.idx.msk [tilespmem:v2+s31+$0x0 ss:$0x1], $0xffff;
	s22 =	sshll.u32 s31, $0x3;
	s31 =	sor.u32 $0xE0, s20;
	v54 =	vadd.s32 v1, v15;
	v60 =	vadd.s32 v1, v24;
	v18 =	vadd.s32 v1, v18  }
0x3d: {  	s20 =	sor.u32 $0xF0, s20;
	v49 =	vld.idx.msk [tilespmem:v2+s31+$0x0 ss:$0x1], $0xffff;
	v24 =	vadd.s32 v1, v61;
	v9 =	vadd.s32 v1, v9;
	v5 =	vand.u32 $0x1FF80, v5  }
0x3e: {  	v24 =	vand.u32 $0x1FF80, v24;
	v5 =	vor.u32 v6, v5;
	v6 =	vshra.s32 v51, $0x10;
	v51 =	vld.idx.msk [tilespmem:v2+s20+$0x0 ss:$0x1], $0xffff  }
0x3f: {  	v7 =	vand.u32 $0x1FF80, v7;
	v12 =	vand.u32 $0x1FF80, v12;
	v24 =	vor.u32 v62, v24;
	v3 =	vld.idx.msk [tilespmem:v3+s10+$0x0], $0xffff  }
0x40: {  	v7 =	vor.u32 v8, v7;
	v12 =	vor.u32 v14, v12;
	v14 =	vand.u32 $0x1FF80, v54;
	v4 =	vld.idx.msk [tilespmem:v4+s10+$0x0], $0xffff  }
0x41: {  	v31 =	vshra.s32 v19, $0x10;
	v19 =	vadd.s32 v1, v32;
	v14 =	vor.u32 v16, v14;
	v18 =	vld.idx.msk [tilespmem:v18+s10+$0x0], $0xffff  }
0x42: {  	v21 =	vand.u32 $0xFF80, v13;
	v34 =	vand.u32 $0x7F, v57;
	v19 =	vand.u32 $0x1FF80, v19;
	v36 =	vld.idx.msk [tilespmem:v9+s10+$0x0], $0xffff  }
0x43: {  	v56 =	vadd.s32 v1, v17;
	v8 =	vadd.s32 v1, v52;
	v19 =	vor.u32 v34, v19;
	v5 =	vld.idx.msk [tilespmem:v5+s10+$0x0], $0xffff  }
0x44: {  	s29 =	sshll.u32 s21, $0x7;
	v8 =	vand.u32 $0x1FF80, v8;
	v6 =	vadd.s32 v1, v6;
	v16 =	vand.u32 $0x1FF80, v56;
	v24 =	vld.idx.msk [tilespmem:v24+s10+$0x0], $0xffff  }
0x45: {  	s21 =	sand.u32 $0x3FFFFF80, s29;
	v8 =	vor.u32 v10, v8;
	v10 =	vshra.s32 v53, $0x10;
	v16 =	vor.u32 v20, v16;
	v7 =	vld.idx.msk [tilespmem:v7+s10+$0x0], $0xffff  }
0x46: {  	v23 =	vand.u32 $0x7F, v13;
	v58 =	vadd.s32 v1, v21;
	v10 =	vadd.s32 v1, v10;
	v14 =	vld.idx.msk [tilespmem:v14+s10+$0x0], $0xffff;
	[tilespmem:s21+$0x15A00] =	vst v3  }
0x47: {  	s24 =	sshll.u32 s24, $0x3;
	v26 =	vand.u32 $0x7F, v55;
	v37 =	vshra.s32 v57, $0x10;
	v20 =	vand.u32 $0x1FF80, v58;
	v12 =	vld.idx.msk [tilespmem:v12+s10+$0x0], $0xffff;
	[tilespmem:s21+$0x15A10] =	vst v4  }
0x48: {  	s30 =	sand.u32 $0xC00, s24;
	v20 =	vor.u32 v23, v20;
	v23 =	vand.u32 $0x1FF80, v60;
	v9 =	vadd.s32 v1, v37;
	v19 =	vld.idx.msk [tilespmem:v19+s10+$0x0], $0xffff;
	[tilespmem:s21+$0x15A30] =	vst v36  }
0x49: {  	s28 =	sshll.u32 s28, $0x3;
	v11 =	vshra.s32 v11, $0x10;
	v23 =	vor.u32 v26, v23;
	v26 =	vadd.s32 v1, v63;
	v6 =	vld.idx.msk [tilespmem:v6+s10+$0x0], $0xffff;
	[tilespmem:s30+$0x14A40] =	vst v24  }
0x4a: {  	s28 =	sand.u32 $0x3FFFFF80, s28;
	v13 =	vshra.s32 v13, $0x10;
	v11 =	vadd.s32 v1, v11;
	v29 =	vand.u32 $0x1FF80, v26;
	v16 =	vld.idx.msk [tilespmem:v16+s10+$0x0], $0xffff;
	[tilespmem:s21+$0x14A00] =	vst v5  }
0x4b: {  	v27 =	vand.u32 $0xFF80, v25;
	v28 =	vand.u32 $0x7F, v25;
	v10 =	vld.idx.msk [tilespmem:v10+s10+$0x0], $0xffff;
	[tilespmem:s28+$0x14A00] =	vst v14;
	v14 =	vor.u32 v30, v29  }
0x4c: {  	v38 =	vand.u32 $0xFF80, v22;
	v41 =	vand.u32 $0x7F, v22;
	v42 =	vand.u32 $0xFF80, v59;
	v8 =	vld.idx.msk [tilespmem:v8+s10+$0x0], $0xffff;
	[tilespmem:s21+$0x14A10] =	vst v7  }
0x4d: {  	v44 =	vshra.s32 v22, $0x10;
	v47 =	vand.u32 $0x7F, v59;
	v13 =	vadd.s32 v1, v13;
	v20 =	vld.idx.msk [tilespmem:v20+s10+$0x0], $0xffff;
	[tilespmem:s21+$0x14A30] =	vst v12  }
0x4e: {  	s26 =	sshll.u32 s26, $0x3;
	v48 =	vshra.s32 v59, $0x10;
	v15 =	vshra.s32 v55, $0x10;
	v27 =	vadd.s32 v1, v27;
	v50 =	vld.idx.msk [tilespmem:v9+s10+$0x0], $0xffff;
	[tilespmem:s21+$0x14A50] =	vst v19  }
0x4f: {  	s26 =	sand.u32 $0xC00, s26;
	v39 =	vadd.s32 v1, v38;
	v15 =	vadd.s32 v1, v15;
	v27 =	vand.u32 $0x1FF80, v27;
	v11 =	vld.idx.msk [tilespmem:v11+s10+$0x0], $0xffff;
	[tilespmem:s21+$0x15A20] =	vst v6  }
0x50: {  	v56 =	vand.u32 $0xFF80, v51;
	[tilespmem:s26+$0x14A10] =	vst v16;
	v16 =	vadd.s32 v1, v31;
	v3 =	vld.idx.msk [tilespmem:v14+s10+$0x0], $0xffff;
	v14 =	vand.u32 $0x1FF80, v39  }
0x51: {  	s23 =	sshll.u32 s23, $0x3;
	v59 =	vadd.s32 v1, v56;
	[tilespmem:s21+$0x15E40] =	vst v18;
	v43 =	vor.u32 v41, v14;
	v14 =	vadd.s32 v1, v44  }
0x52: {  	s23 =	sand.u32 $0xC00, s23;
	v27 =	vor.u32 v28, v27;
	v13 =	vld.idx.msk [tilespmem:v13+s10+$0x0], $0xffff;
	v61 =	vand.u32 $0x7F, v51;
	v60 =	vand.u32 $0x1FF80, v59;
	[tilespmem:s21+$0x14A20] =	vst v8  }
0x53: {  	v63 =	vshra.s32 v51, $0x10;
	v62 =	vor.u32 v61, v60;
	v23 =	vld.idx.msk [tilespmem:v23+s10+$0x0], $0xffff;
	[tilespmem:s23+$0x14A20] =	vst v20  }
0x54: {  	v15 =	vld.idx.msk [tilespmem:v15+s10+$0x0], $0xffff;
	v6 =	vadd.s32 v1, v63;
	[tilespmem:s21+$0x15A50] =	vst v50  }
0x55: {  	[tilespmem:s21+$0x15E00] =	vst v10;
	v40 =	vld.idx.msk [tilespmem:v16+s10+$0x0], $0xffff  }
0x56: {  	s25 =	sshll.u32 s25, $0x3;
	v33 =	vshra.s32 v25, $0x10;
	v8 =	vadd.s32 v1, v48;
	[tilespmem:s21+$0x14A40] =	vst v3;
	v3 =	vld.idx.msk [tilespmem:v14+s10+$0x0], $0xffff  }
0x57: {  	v45 =	vadd.s32 v1, v42;
	v53 =	vand.u32 $0xFF80, v49;
	v35 =	vld.idx.msk [tilespmem:v27+s10+$0x0], $0xffff;
	s28 =	sand.u32 $0xC00, s25;
	v20 =	vadd.s32 v1, v33;
	[tilespmem:s21+$0x15E10] =	vst v11  }
0x58: {  	v7 =	vadd.s32 v1, v53;
	v5 =	vld.idx.msk [tilespmem:v62+s10+$0x0], $0xffff;
	[tilespmem:s28+$0x14A30] =	vst v23;
	v16 =	vand.u32 $0x1FF80, v45  }
0x59: {  	v55 =	vand.u32 $0x7F, v49;
	v54 =	vand.u32 $0x1FF80, v7;
	[tilespmem:s21+$0x15E20] =	vst v13;
	v6 =	vld.idx.msk [tilespmem:v6+s10+$0x0], $0xffff;
	v16 =	vor.u32 v47, v16  }
0x5a: {  	v58 =	vshra.s32 v49, $0x10;
	v57 =	vor.u32 v55, v54;
	[tilespmem:s21+$0x15E30] =	vst v15;
	v4 =	vld.idx.msk [tilespmem:v43+s10+$0x0], $0xffff  }
0x5b: {  	s22 =	sand.u32 $0xC00, s22;
	s20 =	sshll.u32 s20, $0x3;
	v8 =	vld.idx.msk [tilespmem:v8+s10+$0x0], $0xffff;
	[tilespmem:s21+$0x15A60] =	vst v3;
	v3 =	vadd.s32 v1, v58  }
0x5c: {  	s20 =	sand.u32 $0xC00, s20;
	v46 =	vld.idx.msk [tilespmem:v20+s10+$0x0], $0xffff;
	[tilespmem:s22+$0x14A50] =	vst v35  }
0x5d: {  	[tilespmem:s20+$0x14A70] =	vst v5  }
0x5e: {  	[tilespmem:s21+$0x15E70] =	vst v6;
	v52 =	vld.idx.msk [tilespmem:v16+s10+$0x0], $0xffff  }
0x5f: {  	[tilespmem:s21+$0x14A60] =	vst v4;
	v4 =	vld.idx.msk [tilespmem:v57+s10+$0x0], $0xffff  }
0x60: {  	p2 =	por p1, p1;
	[tilespmem:s21+$0x15A40] =	vst v40;
	v3 =	vld.idx.msk [tilespmem:v3+s10+$0x0], $0xffff  }
.Ltmp0:
0x61: {  	[tilespmem:s21+$0x15A70] =	vst v8;
	(pc) =	sbr.rel @p2 .LBB2_3-.Ltmp0, $4  }
0x62: {  	s22 =	sshll.u32 s31, $0x3;
	[tilespmem:s21+$0x15E50] =	vst v46  }
0x63: {  	s22 =	sand.u32 $0xC00, s22;
	[tilespmem:s21+$0x14A70] =	vst v52  }
0x64: {  	[tilespmem:s22+$0x14A60] =	vst v4  }
0x65: {  	p1 =	por $0x0, $0x0;
	[tilespmem:s21+$0x15E60] =	vst v3;
	s21 =	simm.s32 $0x10  }
0x66: {  	(v2sf) =	vpush v0, $0x1;
	_ =	sdelay $0xe  }
0x67: {  	s20 =	spop (v2sf)  }
0x68: {  	s20 =	sshll.u32 s20, $0xB  }
0x69: {  	s20 =	sshra.s32 s20, $0x2  }
0x6a: {  	v2 =	vmov s20  }
0x6b: {  	s21 =	sor.u32 $0x40, s19  }
0x6c: {  	p1 =	por $0x1, $0x1;
	v1 =	vmov s21;
	s21 =	simm.s32 $0x0  }
.LBB2_5:
0x6d: {  	s20 =	sshll.u32 s21, $0x4  }
0x6e: {  	s22 =	sand.u32 $0x3FFFFFF0, s20  }
0x6f: {  	v3 =	vld.idx.msk [tilespmem:v2+s22+$0x0 ss:$0x1], $0xffff  }
0x70: {  	v4 =	vld.idx.msk [tilespmem:v2+s22+$0x10 ss:$0x1], $0xffff  }
0x71: {  	v5 =	vld.idx.msk [tilespmem:v2+s22+$0x20 ss:$0x1], $0xffff  }
0x72: {  	s23 =	sor.u32 $0x80, s20;
	v8 =	vld.idx.msk [tilespmem:v2+s22+$0x30 ss:$0x1], $0xffff  }
0x73: {  	s24 =	sor.u32 $0x90, s20;
	v11 =	vld.idx.msk [tilespmem:v2+s23+$0x0 ss:$0x1], $0xffff  }
0x74: {  	s25 =	sor.u32 $0xA0, s20;
	v12 =	vld.idx.msk [tilespmem:v2+s24+$0x0 ss:$0x1], $0xffff  }
0x75: {  	s26 =	sor.u32 $0xB0, s20;
	v13 =	vld.idx.msk [tilespmem:v2+s25+$0x0 ss:$0x1], $0xffff  }
0x76: {  	s28 =	sor.u32 $0xC0, s20;
	v15 =	vld.idx.msk [tilespmem:v2+s26+$0x0 ss:$0x1], $0xffff  }
0x77: {  	v16 =	vld.idx.msk [tilespmem:v2+s28+$0x0 ss:$0x1], $0xffff  }
0x78: {  	v17 =	vld.idx.msk [tilespmem:v2+s22+$0x40 ss:$0x1], $0xffff;
	v6 =	vand.u32 $0xFFFF, v3  }
0x79: {  	v18 =	vld.idx.msk [tilespmem:v2+s22+$0x50 ss:$0x1], $0xffff;
	v3 =	vshra.s32 v3, $0x10;
	v6 =	vadd.s32 v1, v6  }
0x7a: {  	v20 =	vld.idx.msk [tilespmem:v2+s22+$0x60 ss:$0x1], $0xffff;
	s24 =	sshll.u32 s24, $0x3;
	v7 =	vand.u32 $0xFFFF, v4;
	v3 =	vadd.s32 v1, v3  }
0x7b: {  	v22 =	vld.idx.msk [tilespmem:v2+s22+$0x70 ss:$0x1], $0xffff;
	s22 =	sor.u32 $0xD0, s20;
	s31 =	sshll.u32 s25, $0x3;
	s30 =	sand.u32 $0x3FFFFF80, s24;
	v4 =	vshra.s32 v4, $0x10;
	v7 =	vadd.s32 v1, v7  }
0x7c: {  	v25 =	vld.idx.msk [tilespmem:v2+s22+$0x0 ss:$0x1], $0xffff;
	s24 =	sand.u32 $0xC00, s31;
	s31 =	sor.u32 $0xE0, s20;
	s20 =	sor.u32 $0xF0, s20;
	v14 =	vand.u32 $0xFFFF, v11;
	v4 =	vadd.s32 v1, v4  }
0x7d: {  	v56 =	vld.idx.msk [tilespmem:v2+s20+$0x0 ss:$0x1], $0xffff;
	v19 =	vand.u32 $0xFFFF, v12;
	v14 =	vadd.s32 v1, v14  }
0x7e: {  	v21 =	vand.u32 $0xFFFF, v13;
	v19 =	vadd.s32 v1, v19;
	v6 =	vld.idx.msk [tilespmem:v6+s10+$0x0], $0xffff  }
0x7f: {  	v23 =	vand.u32 $0xFFFF, v15;
	v21 =	vadd.s32 v1, v21;
	v3 =	vld.idx.msk [tilespmem:v3+s10+$0x0], $0xffff  }
0x80: {  	v9 =	vand.u32 $0xFFFF, v5;
	v23 =	vadd.s32 v1, v23;
	v7 =	vld.idx.msk [tilespmem:v7+s10+$0x0], $0xffff  }
0x81: {  	v11 =	vshra.s32 v11, $0x10;
	v9 =	vadd.s32 v1, v9;
	v4 =	vld.idx.msk [tilespmem:v4+s10+$0x0], $0xffff  }
0x82: {  	v12 =	vshra.s32 v12, $0x10;
	v11 =	vadd.s32 v1, v11;
	v14 =	vld.idx.msk [tilespmem:v14+s10+$0x0], $0xffff  }
0x83: {  	v13 =	vshra.s32 v13, $0x10;
	v12 =	vadd.s32 v1, v12;
	v19 =	vld.idx.msk [tilespmem:v19+s10+$0x0], $0xffff  }
0x84: {  	v15 =	vshra.s32 v15, $0x10;
	v13 =	vadd.s32 v1, v13;
	v21 =	vld.idx.msk [tilespmem:v21+s10+$0x0], $0xffff  }
0x85: {  	s23 =	sshll.u32 s23, $0x3;
	v5 =	vshra.s32 v5, $0x10;
	v15 =	vadd.s32 v1, v15;
	v23 =	vld.idx.msk [tilespmem:v23+s10+$0x0], $0xffff  }
0x86: {  	s23 =	sand.u32 $0x3FFFFF80, s23;
	v10 =	vand.u32 $0xFFFF, v8;
	v5 =	vadd.s32 v1, v5;
	v9 =	vld.idx.msk [tilespmem:v9+s10+$0x0], $0xffff  }
0x87: {  	v8 =	vshra.s32 v8, $0x10;
	v10 =	vadd.s32 v1, v10;
	v11 =	vld.idx.msk [tilespmem:v11+s10+$0x0], $0xffff;
	[tilespmem:s23+$0x14A80] =	vst v14  }
0x88: {  	s25 =	sshll.u32 s26, $0x3;
	v26 =	vand.u32 $0xFFFF, v17;
	v8 =	vadd.s32 v1, v8;
	v12 =	vld.idx.msk [tilespmem:v12+s10+$0x0], $0xffff;
	[tilespmem:s30+$0x14A10] =	vst v19  }
0x89: {  	s29 =	sshll.u32 s21, $0x7;
	s26 =	sand.u32 $0xC80, s25;
	v17 =	vshra.s32 v17, $0x10;
	v39 =	vadd.s32 v1, v26;
	v13 =	vld.idx.msk [tilespmem:v13+s10+$0x0], $0xffff;
	[tilespmem:s24+$0x14AA0] =	vst v21  }
0x8a: {  	s21 =	sand.u32 $0x3FFFFF80, s29;
	v24 =	vand.u32 $0xFFFF, v16;
	v17 =	vadd.s32 v1, v17;
	v15 =	vld.idx.msk [tilespmem:v15+s10+$0x0], $0xffff;
	[tilespmem:s26+$0x14A30] =	vst v23  }
0x8b: {  	v24 =	vadd.s32 v1, v24;
	v5 =	vld.idx.msk [tilespmem:v5+s10+$0x0], $0xffff;
	[tilespmem:s21+$0x14A80] =	vst v6  }
0x8c: {  	v10 =	vld.idx.msk [tilespmem:v10+s10+$0x0], $0xffff;
	[tilespmem:s21+$0x15A80] =	vst v3  }
0x8d: {  	v16 =	vshra.s32 v16, $0x10;
	v8 =	vld.idx.msk [tilespmem:v8+s10+$0x0], $0xffff;
	[tilespmem:s21+$0x14A90] =	vst v7  }
0x8e: {  	v42 =	vand.u32 $0xFFFF, v18;
	v18 =	vshra.s32 v18, $0x10;
	v16 =	vadd.s32 v1, v16;
	v44 =	vld.idx.msk [tilespmem:v39+s10+$0x0], $0xffff;
	[tilespmem:s21+$0x15A90] =	vst v4  }
0x8f: {  	v40 =	vand.u32 $0xFFFF, v25;
	v18 =	vadd.s32 v1, v18;
	v47 =	vld.idx.msk [tilespmem:v17+s10+$0x0], $0xffff;
	[tilespmem:s21+$0x14AA0] =	vst v9  }
0x90: {  	v45 =	vand.u32 $0xFFFF, v20;
	v41 =	vadd.s32 v1, v40;
	v24 =	vld.idx.msk [tilespmem:v24+s10+$0x0], $0xffff;
	[tilespmem:s21+$0x15AA0] =	vst v5  }
0x91: {  	v60 =	vand.u32 $0xFFFF, v56;
	v3 =	vadd.s32 v1, v45;
	[tilespmem:s21+$0x14AB0] =	vst v10  }
0x92: {  	v54 =	vld.idx.msk [tilespmem:v2+s31+$0x0 ss:$0x1], $0xffff;
	v48 =	vshra.s32 v20, $0x10;
	v61 =	vadd.s32 v1, v60;
	[tilespmem:s21+$0x15AB0] =	vst v8  }
0x93: {  	s28 =	sshll.u32 s28, $0x3;
	v51 =	vand.u32 $0xFFFF, v22;
	v16 =	vld.idx.msk [tilespmem:v16+s10+$0x0], $0xffff;
	v17 =	vadd.s32 v1, v48;
	[tilespmem:s21+$0x14AC0] =	vst v44  }
0x94: {  	v50 =	vld.idx.msk [tilespmem:v18+s10+$0x0], $0xffff;
	v18 =	vadd.s32 v1, v51;
	s30 =	sand.u32 $0xC00, s28;
	[tilespmem:s21+$0x15AC0] =	vst v47  }
0x95: {  	v52 =	vshra.s32 v22, $0x10;
	v46 =	vld.idx.msk [tilespmem:v41+s10+$0x0], $0xffff;
	v21 =	vadd.s32 v1, v42;
	[tilespmem:s30+$0x14AC0] =	vst v24  }
0x96: {  	v43 =	vshra.s32 v25, $0x10;
	v5 =	vadd.s32 v1, v52;
	[tilespmem:s21+$0x15E80] =	vst v11;
	v3 =	vld.idx.msk [tilespmem:v3+s10+$0x0], $0xffff  }
0x97: {  	v63 =	vld.idx.msk [tilespmem:v61+s10+$0x0], $0xffff;
	v23 =	vadd.s32 v1, v43;
	[tilespmem:s21+$0x15E90] =	vst v12  }
0x98: {  	v55 =	vld.idx.msk [tilespmem:v17+s10+$0x0], $0xffff;
	[tilespmem:s21+$0x15EA0] =	vst v13  }
0x99: {  	v57 =	vld.idx.msk [tilespmem:v18+s10+$0x0], $0xffff;
	v6 =	vshra.s32 v56, $0x10;
	[tilespmem:s21+$0x15EB0] =	vst v15  }
0x9a: {  	s22 =	sshll.u32 s22, $0x3;
	v59 =	vand.u32 $0xFFFF, v54;
	v62 =	vadd.s32 v1, v6;
	[tilespmem:s21+$0x15EC0] =	vst v16;
	v49 =	vld.idx.msk [tilespmem:v21+s10+$0x0], $0xffff  }
0x9b: {  	s22 =	sand.u32 $0xC80, s22;
	v58 =	vld.idx.msk [tilespmem:v5+s10+$0x0], $0xffff;
	v5 =	vadd.s32 v1, v59;
	[tilespmem:s21+$0x14AE0] =	vst v3;
	v3 =	vshra.s32 v54, $0x10  }
0x9c: {  	v53 =	vld.idx.msk [tilespmem:v23+s10+$0x0], $0xffff;
	[tilespmem:s22+$0x14A50] =	vst v46;
	v3 =	vadd.s32 v1, v3  }
0x9d: {  	[tilespmem:s21+$0x15AD0] =	vst v50  }
0x9e: {  	s20 =	sshll.u32 s20, $0x3;
	[tilespmem:s21+$0x15AE0] =	vst v55  }
0x9f: {  	s20 =	sand.u32 $0xC80, s20;
	[tilespmem:s21+$0x14AF0] =	vst v57;
	v4 =	vld.idx.msk [tilespmem:v62+s10+$0x0], $0xffff  }
0xa0: {  	[tilespmem:s20+$0x14A70] =	vst v63;
	v5 =	vld.idx.msk [tilespmem:v5+s10+$0x0], $0xffff  }
0xa1: {  	p2 =	por p1, p1;
	[tilespmem:s21+$0x14AD0] =	vst v49;
	v3 =	vld.idx.msk [tilespmem:v3+s10+$0x0], $0xffff  }
.Ltmp1:
0xa2: {  	[tilespmem:s21+$0x15AF0] =	vst v58;
	(pc) =	sbr.rel @p2 .LBB2_5-.Ltmp1, $4  }
0xa3: {  	s22 =	sshll.u32 s31, $0x3;
	[tilespmem:s21+$0x15ED0] =	vst v53  }
0xa4: {  	s22 =	sand.u32 $0xC00, s22;
	[tilespmem:s21+$0x15EF0] =	vst v4  }
0xa5: {  	[tilespmem:s22+$0x14AE0] =	vst v5  }
0xa6: {  	p1 =	por $0x0, $0x0;
	[tilespmem:s21+$0x15EE0] =	vst v3;
	s21 =	simm.s32 $0x10  }
0xa7: {  	(v2sf) =	vpush v0, $0x2;
	_ =	sdelay $0xe  }
0xa8: {  	s20 =	spop (v2sf)  }
0xa9: {  	s20 =	sshll.u32 s20, $0xB  }
0xaa: {  	s20 =	sshra.s32 s20, $0x2  }
0xab: {  	v2 =	vmov s20  }
0xac: {  	s21 =	sor.u32 $0x80, s19  }
0xad: {  	p1 =	por $0x1, $0x1;
	v1 =	vmov s21;
	s21 =	simm.s32 $0x0  }
.LBB2_7:
0xae: {  	s20 =	sshll.u32 s21, $0x4  }
0xaf: {  	s22 =	sand.u32 $0x3FFFFFF0, s20  }
0xb0: {  	v3 =	vld.idx.msk [tilespmem:v2+s22+$0x0 ss:$0x1], $0xffff  }
0xb1: {  	v4 =	vld.idx.msk [tilespmem:v2+s22+$0x10 ss:$0x1], $0xffff  }
0xb2: {  	v51 =	vld.idx.msk [tilespmem:v2+s22+$0x20 ss:$0x1], $0xffff  }
0xb3: {  	s28 =	sor.u32 $0x80, s20;
	v9 =	vld.idx.msk [tilespmem:v2+s22+$0x30 ss:$0x1], $0xffff  }
0xb4: {  	s26 =	sor.u32 $0x90, s20;
	v53 =	vld.idx.msk [tilespmem:v2+s28+$0x0 ss:$0x1], $0xffff  }
0xb5: {  	s25 =	sor.u32 $0xB0, s20;
	v11 =	vld.idx.msk [tilespmem:v2+s26+$0x0 ss:$0x1], $0xffff  }
0xb6: {  	s24 =	sor.u32 $0xC0, s20;
	v55 =	vld.idx.msk [tilespmem:v2+s25+$0x0 ss:$0x1], $0xffff  }
0xb7: {  	v18 =	vld.idx.msk [tilespmem:v2+s24+$0x0 ss:$0x1], $0xffff  }
0xb8: {  	v19 =	vld.idx.msk [tilespmem:v2+s22+$0x40 ss:$0x1], $0xffff;
	v5 =	vand.u32 $0xFF80, v3;
	v6 =	vand.u32 $0x7F, v3;
	v3 =	vshra.s32 v3, $0x10  }
0xb9: {  	v7 =	vand.u32 $0xFF80, v4;
	v8 =	vand.u32 $0x7F, v4;
	v4 =	vshra.s32 v4, $0x10  }
0xba: {  	v57 =	vld.idx.msk [tilespmem:v2+s22+$0x50 ss:$0x1], $0xffff;
	v52 =	vand.u32 $0xFF80, v51;
	v10 =	vand.u32 $0x7F, v51;
	v12 =	vand.u32 $0xFF80, v9  }
0xbb: {  	v14 =	vand.u32 $0x7F, v9;
	v15 =	vand.u32 $0xFF80, v53;
	v16 =	vand.u32 $0x7F, v53  }
0xbc: {  	v17 =	vand.u32 $0xFF80, v11;
	v20 =	vand.u32 $0x7F, v11;
	v24 =	vand.u32 $0xFF80, v55  }
0xbd: {  	s23 =	sor.u32 $0xA0, s20;
	v61 =	vand.u32 $0xFF80, v18;
	v62 =	vand.u32 $0x7F, v18;
	v63 =	vand.u32 $0xFF80, v19  }
0xbe: {  	v13 =	vld.idx.msk [tilespmem:v2+s23+$0x0 ss:$0x1], $0xffff;
	v18 =	vshra.s32 v18, $0x10;
	v9 =	vshra.s32 v9, $0x10;
	v30 =	vand.u32 $0x7F, v19  }
0xbf: {  	v22 =	vld.idx.msk [tilespmem:v2+s22+$0x60 ss:$0x1], $0xffff;
	v32 =	vand.u32 $0xFF80, v57;
	v5 =	vadd.s32 v1, v5;
	v3 =	vadd.s32 v1, v3  }
0xc0: {  	s31 =	sor.u32 $0xD0, s20;
	v59 =	vld.idx.msk [tilespmem:v2+s22+$0x70 ss:$0x1], $0xffff;
	v7 =	vadd.s32 v1, v7;
	v4 =	vadd.s32 v1, v4;
	v12 =	vadd.s32 v1, v12  }
0xc1: {  	v25 =	vld.idx.msk [tilespmem:v2+s31+$0x0 ss:$0x1], $0xffff;
	s22 =	sshll.u32 s31, $0x3;
	s31 =	sor.u32 $0xE0, s20;
	v54 =	vadd.s32 v1, v15;
	v60 =	vadd.s32 v1, v24;
	v18 =	vadd.s32 v1, v18  }
0xc2: {  	s20 =	sor.u32 $0xF0, s20;
	v49 =	vld.idx.msk [tilespmem:v2+s31+$0x0 ss:$0x1], $0xffff;
	v24 =	vadd.s32 v1, v61;
	v9 =	vadd.s32 v1, v9;
	v5 =	vand.u32 $0x1FF80, v5  }
0xc3: {  	v24 =	vand.u32 $0x1FF80, v24;
	v5 =	vor.u32 v6, v5;
	v6 =	vshra.s32 v51, $0x10;
	v51 =	vld.idx.msk [tilespmem:v2+s20+$0x0 ss:$0x1], $0xffff  }
0xc4: {  	v7 =	vand.u32 $0x1FF80, v7;
	v12 =	vand.u32 $0x1FF80, v12;
	v24 =	vor.u32 v62, v24;
	v3 =	vld.idx.msk [tilespmem:v3+s10+$0x0], $0xffff  }
0xc5: {  	v7 =	vor.u32 v8, v7;
	v12 =	vor.u32 v14, v12;
	v14 =	vand.u32 $0x1FF80, v54;
	v4 =	vld.idx.msk [tilespmem:v4+s10+$0x0], $0xffff  }
0xc6: {  	v31 =	vshra.s32 v19, $0x10;
	v19 =	vadd.s32 v1, v32;
	v14 =	vor.u32 v16, v14;
	v18 =	vld.idx.msk [tilespmem:v18+s10+$0x0], $0xffff  }
0xc7: {  	v21 =	vand.u32 $0xFF80, v13;
	v34 =	vand.u32 $0x7F, v57;
	v19 =	vand.u32 $0x1FF80, v19;
	v36 =	vld.idx.msk [tilespmem:v9+s10+$0x0], $0xffff  }
0xc8: {  	v56 =	vadd.s32 v1, v17;
	v8 =	vadd.s32 v1, v52;
	v19 =	vor.u32 v34, v19;
	v5 =	vld.idx.msk [tilespmem:v5+s10+$0x0], $0xffff  }
0xc9: {  	s29 =	sshll.u32 s21, $0x7;
	v8 =	vand.u32 $0x1FF80, v8;
	v6 =	vadd.s32 v1, v6;
	v16 =	vand.u32 $0x1FF80, v56;
	v24 =	vld.idx.msk [tilespmem:v24+s10+$0x0], $0xffff  }
0xca: {  	s21 =	sand.u32 $0x3FFFFF80, s29;
	v8 =	vor.u32 v10, v8;
	v10 =	vshra.s32 v53, $0x10;
	v16 =	vor.u32 v20, v16;
	v7 =	vld.idx.msk [tilespmem:v7+s10+$0x0], $0xffff  }
0xcb: {  	v23 =	vand.u32 $0x7F, v13;
	v58 =	vadd.s32 v1, v21;
	v10 =	vadd.s32 v1, v10;
	v14 =	vld.idx.msk [tilespmem:v14+s10+$0x0], $0xffff;
	[tilespmem:s21+$0x15B00] =	vst v3  }
0xcc: {  	s24 =	sshll.u32 s24, $0x3;
	v26 =	vand.u32 $0x7F, v55;
	v37 =	vshra.s32 v57, $0x10;
	v20 =	vand.u32 $0x1FF80, v58;
	v12 =	vld.idx.msk [tilespmem:v12+s10+$0x0], $0xffff;
	[tilespmem:s21+$0x15B10] =	vst v4  }
0xcd: {  	s30 =	sand.u32 $0xC00, s24;
	v20 =	vor.u32 v23, v20;
	v23 =	vand.u32 $0x1FF80, v60;
	v9 =	vadd.s32 v1, v37;
	v19 =	vld.idx.msk [tilespmem:v19+s10+$0x0], $0xffff;
	[tilespmem:s21+$0x15B30] =	vst v36  }
0xce: {  	s28 =	sshll.u32 s28, $0x3;
	v11 =	vshra.s32 v11, $0x10;
	v23 =	vor.u32 v26, v23;
	v26 =	vadd.s32 v1, v63;
	v6 =	vld.idx.msk [tilespmem:v6+s10+$0x0], $0xffff;
	[tilespmem:s30+$0x14B40] =	vst v24  }
0xcf: {  	s28 =	sand.u32 $0x3FFFFF80, s28;
	v13 =	vshra.s32 v13, $0x10;
	v11 =	vadd.s32 v1, v11;
	v29 =	vand.u32 $0x1FF80, v26;
	v16 =	vld.idx.msk [tilespmem:v16+s10+$0x0], $0xffff;
	[tilespmem:s21+$0x14B00] =	vst v5  }
0xd0: {  	v27 =	vand.u32 $0xFF80, v25;
	v28 =	vand.u32 $0x7F, v25;
	v10 =	vld.idx.msk [tilespmem:v10+s10+$0x0], $0xffff;
	[tilespmem:s28+$0x14B00] =	vst v14;
	v14 =	vor.u32 v30, v29  }
0xd1: {  	v38 =	vand.u32 $0xFF80, v22;
	v41 =	vand.u32 $0x7F, v22;
	v42 =	vand.u32 $0xFF80, v59;
	v8 =	vld.idx.msk [tilespmem:v8+s10+$0x0], $0xffff;
	[tilespmem:s21+$0x14B10] =	vst v7  }
0xd2: {  	v44 =	vshra.s32 v22, $0x10;
	v47 =	vand.u32 $0x7F, v59;
	v13 =	vadd.s32 v1, v13;
	v20 =	vld.idx.msk [tilespmem:v20+s10+$0x0], $0xffff;
	[tilespmem:s21+$0x14B30] =	vst v12  }
0xd3: {  	s26 =	sshll.u32 s26, $0x3;
	v48 =	vshra.s32 v59, $0x10;
	v15 =	vshra.s32 v55, $0x10;
	v27 =	vadd.s32 v1, v27;
	v50 =	vld.idx.msk [tilespmem:v9+s10+$0x0], $0xffff;
	[tilespmem:s21+$0x14B50] =	vst v19  }
0xd4: {  	s26 =	sand.u32 $0xC00, s26;
	v39 =	vadd.s32 v1, v38;
	v15 =	vadd.s32 v1, v15;
	v27 =	vand.u32 $0x1FF80, v27;
	v11 =	vld.idx.msk [tilespmem:v11+s10+$0x0], $0xffff;
	[tilespmem:s21+$0x15B20] =	vst v6  }
0xd5: {  	v56 =	vand.u32 $0xFF80, v51;
	[tilespmem:s26+$0x14B10] =	vst v16;
	v16 =	vadd.s32 v1, v31;
	v3 =	vld.idx.msk [tilespmem:v14+s10+$0x0], $0xffff;
	v14 =	vand.u32 $0x1FF80, v39  }
0xd6: {  	s23 =	sshll.u32 s23, $0x3;
	v59 =	vadd.s32 v1, v56;
	[tilespmem:s21+$0x15F40] =	vst v18;
	v43 =	vor.u32 v41, v14;
	v14 =	vadd.s32 v1, v44  }
0xd7: {  	s23 =	sand.u32 $0x3FFFFF80, s23;
	v27 =	vor.u32 v28, v27;
	v13 =	vld.idx.msk [tilespmem:v13+s10+$0x0], $0xffff;
	v61 =	vand.u32 $0x7F, v51;
	v60 =	vand.u32 $0x1FF80, v59;
	[tilespmem:s21+$0x14B20] =	vst v8  }
0xd8: {  	v63 =	vshra.s32 v51, $0x10;
	v62 =	vor.u32 v61, v60;
	v23 =	vld.idx.msk [tilespmem:v23+s10+$0x0], $0xffff;
	[tilespmem:s23+$0x14A20] =	vst v20  }
0xd9: {  	v15 =	vld.idx.msk [tilespmem:v15+s10+$0x0], $0xffff;
	v6 =	vadd.s32 v1, v63;
	[tilespmem:s21+$0x15B50] =	vst v50  }
0xda: {  	[tilespmem:s21+$0x15F00] =	vst v10;
	v40 =	vld.idx.msk [tilespmem:v16+s10+$0x0], $0xffff  }
0xdb: {  	s25 =	sshll.u32 s25, $0x3;
	v33 =	vshra.s32 v25, $0x10;
	v8 =	vadd.s32 v1, v48;
	[tilespmem:s21+$0x14B40] =	vst v3;
	v3 =	vld.idx.msk [tilespmem:v14+s10+$0x0], $0xffff  }
0xdc: {  	v45 =	vadd.s32 v1, v42;
	v53 =	vand.u32 $0xFF80, v49;
	v35 =	vld.idx.msk [tilespmem:v27+s10+$0x0], $0xffff;
	s28 =	sand.u32 $0xD00, s25;
	v20 =	vadd.s32 v1, v33;
	[tilespmem:s21+$0x15F10] =	vst v11  }
0xdd: {  	v7 =	vadd.s32 v1, v53;
	v5 =	vld.idx.msk [tilespmem:v62+s10+$0x0], $0xffff;
	[tilespmem:s28+$0x14A30] =	vst v23;
	v16 =	vand.u32 $0x1FF80, v45  }
0xde: {  	v55 =	vand.u32 $0x7F, v49;
	v54 =	vand.u32 $0x1FF80, v7;
	[tilespmem:s21+$0x15F20] =	vst v13;
	v6 =	vld.idx.msk [tilespmem:v6+s10+$0x0], $0xffff;
	v16 =	vor.u32 v47, v16  }
0xdf: {  	v58 =	vshra.s32 v49, $0x10;
	v57 =	vor.u32 v55, v54;
	[tilespmem:s21+$0x15F30] =	vst v15;
	v4 =	vld.idx.msk [tilespmem:v43+s10+$0x0], $0xffff  }
0xe0: {  	s22 =	sand.u32 $0xC00, s22;
	s20 =	sshll.u32 s20, $0x3;
	v8 =	vld.idx.msk [tilespmem:v8+s10+$0x0], $0xffff;
	[tilespmem:s21+$0x15B60] =	vst v3;
	v3 =	vadd.s32 v1, v58  }
0xe1: {  	s20 =	sand.u32 $0xD00, s20;
	v46 =	vld.idx.msk [tilespmem:v20+s10+$0x0], $0xffff;
	[tilespmem:s22+$0x14B50] =	vst v35  }
0xe2: {  	[tilespmem:s20+$0x14A70] =	vst v5  }
0xe3: {  	[tilespmem:s21+$0x15F70] =	vst v6;
	v52 =	vld.idx.msk [tilespmem:v16+s10+$0x0], $0xffff  }
0xe4: {  	[tilespmem:s21+$0x14B60] =	vst v4;
	v4 =	vld.idx.msk [tilespmem:v57+s10+$0x0], $0xffff  }
0xe5: {  	p2 =	por p1, p1;
	[tilespmem:s21+$0x15B40] =	vst v40;
	v3 =	vld.idx.msk [tilespmem:v3+s10+$0x0], $0xffff  }
.Ltmp2:
0xe6: {  	[tilespmem:s21+$0x15B70] =	vst v8;
	(pc) =	sbr.rel @p2 .LBB2_7-.Ltmp2, $4  }
0xe7: {  	s22 =	sshll.u32 s31, $0x3;
	[tilespmem:s21+$0x15F50] =	vst v46  }
0xe8: {  	s22 =	sand.u32 $0xD00, s22;
	[tilespmem:s21+$0x14B70] =	vst v52  }
0xe9: {  	[tilespmem:s22+$0x14A60] =	vst v4  }
0xea: {  	p1 =	por $0x0, $0x0;
	[tilespmem:s21+$0x15F60] =	vst v3;
	s21 =	simm.s32 $0x10  }
0xeb: {  	(v2sf) =	vpush v0, $0x3;
	_ =	sdelay $0xe  }
0xec: {  	s20 =	spop (v2sf)  }
0xed: {  	s20 =	sshll.u32 s20, $0xB  }
0xee: {  	s20 =	sshra.s32 s20, $0x2  }
0xef: {  	v2 =	vmov s20  }
0xf0: {  	s21 =	sor.u32 $0xC0, s19  }
0xf1: {  	p1 =	por $0x1, $0x1;
	v1 =	vmov s21;
	s21 =	simm.s32 $0x0  }
.LBB2_9:
0xf2: {  	s20 =	sshll.u32 s21, $0x4  }
0xf3: {  	s22 =	sand.u32 $0x3FFFFFF0, s20  }
0xf4: {  	v3 =	vld.idx.msk [tilespmem:v2+s22+$0x0 ss:$0x1], $0xffff  }
0xf5: {  	v4 =	vld.idx.msk [tilespmem:v2+s22+$0x10 ss:$0x1], $0xffff  }
0xf6: {  	v5 =	vld.idx.msk [tilespmem:v2+s22+$0x20 ss:$0x1], $0xffff  }
0xf7: {  	s23 =	sor.u32 $0x80, s20;
	v8 =	vld.idx.msk [tilespmem:v2+s22+$0x30 ss:$0x1], $0xffff  }
0xf8: {  	s24 =	sor.u32 $0x90, s20;
	v11 =	vld.idx.msk [tilespmem:v2+s23+$0x0 ss:$0x1], $0xffff  }
0xf9: {  	s25 =	sor.u32 $0xA0, s20;
	v12 =	vld.idx.msk [tilespmem:v2+s24+$0x0 ss:$0x1], $0xffff  }
0xfa: {  	s26 =	sor.u32 $0xB0, s20;
	v13 =	vld.idx.msk [tilespmem:v2+s25+$0x0 ss:$0x1], $0xffff  }
0xfb: {  	s28 =	sor.u32 $0xC0, s20;
	v15 =	vld.idx.msk [tilespmem:v2+s26+$0x0 ss:$0x1], $0xffff  }
0xfc: {  	v16 =	vld.idx.msk [tilespmem:v2+s28+$0x0 ss:$0x1], $0xffff  }
0xfd: {  	v17 =	vld.idx.msk [tilespmem:v2+s22+$0x40 ss:$0x1], $0xffff;
	v6 =	vand.u32 $0xFFFF, v3  }
0xfe: {  	v18 =	vld.idx.msk [tilespmem:v2+s22+$0x50 ss:$0x1], $0xffff;
	v3 =	vshra.s32 v3, $0x10;
	v6 =	vadd.s32 v1, v6  }
0xff: {  	v20 =	vld.idx.msk [tilespmem:v2+s22+$0x60 ss:$0x1], $0xffff;
	s24 =	sshll.u32 s24, $0x3;
	v7 =	vand.u32 $0xFFFF, v4;
	v3 =	vadd.s32 v1, v3  }
0x100: {  	v22 =	vld.idx.msk [tilespmem:v2+s22+$0x70 ss:$0x1], $0xffff;
	s22 =	sor.u32 $0xD0, s20;
	s31 =	sshll.u32 s25, $0x3;
	s30 =	sor.u32 $0x190, s24;
	v4 =	vshra.s32 v4, $0x10;
	v7 =	vadd.s32 v1, v7  }
0x101: {  	v25 =	vld.idx.msk [tilespmem:v2+s22+$0x0 ss:$0x1], $0xffff;
	s24 =	sor.u32 $0x1A0, s31;
	s31 =	sor.u32 $0xE0, s20;
	s20 =	sor.u32 $0xF0, s20;
	v14 =	vand.u32 $0xFFFF, v11;
	v4 =	vadd.s32 v1, v4  }
0x102: {  	v56 =	vld.idx.msk [tilespmem:v2+s20+$0x0 ss:$0x1], $0xffff;
	v19 =	vand.u32 $0xFFFF, v12;
	v14 =	vadd.s32 v1, v14  }
0x103: {  	v21 =	vand.u32 $0xFFFF, v13;
	v19 =	vadd.s32 v1, v19;
	v6 =	vld.idx.msk [tilespmem:v6+s10+$0x0], $0xffff  }
0x104: {  	v23 =	vand.u32 $0xFFFF, v15;
	v21 =	vadd.s32 v1, v21;
	v3 =	vld.idx.msk [tilespmem:v3+s10+$0x0], $0xffff  }
0x105: {  	v9 =	vand.u32 $0xFFFF, v5;
	v23 =	vadd.s32 v1, v23;
	v7 =	vld.idx.msk [tilespmem:v7+s10+$0x0], $0xffff  }
0x106: {  	v11 =	vshra.s32 v11, $0x10;
	v9 =	vadd.s32 v1, v9;
	v4 =	vld.idx.msk [tilespmem:v4+s10+$0x0], $0xffff  }
0x107: {  	v12 =	vshra.s32 v12, $0x10;
	v11 =	vadd.s32 v1, v11;
	v14 =	vld.idx.msk [tilespmem:v14+s10+$0x0], $0xffff  }
0x108: {  	v13 =	vshra.s32 v13, $0x10;
	v12 =	vadd.s32 v1, v12;
	v19 =	vld.idx.msk [tilespmem:v19+s10+$0x0], $0xffff  }
0x109: {  	v15 =	vshra.s32 v15, $0x10;
	v13 =	vadd.s32 v1, v13;
	v21 =	vld.idx.msk [tilespmem:v21+s10+$0x0], $0xffff  }
0x10a: {  	s23 =	sshll.u32 s23, $0x3;
	v5 =	vshra.s32 v5, $0x10;
	v15 =	vadd.s32 v1, v15;
	v23 =	vld.idx.msk [tilespmem:v23+s10+$0x0], $0xffff  }
0x10b: {  	s23 =	sand.u32 $0x3FFFFF80, s23;
	v10 =	vand.u32 $0xFFFF, v8;
	v5 =	vadd.s32 v1, v5;
	v9 =	vld.idx.msk [tilespmem:v9+s10+$0x0], $0xffff  }
0x10c: {  	v8 =	vshra.s32 v8, $0x10;
	v10 =	vadd.s32 v1, v10;
	v11 =	vld.idx.msk [tilespmem:v11+s10+$0x0], $0xffff;
	[tilespmem:s23+$0x14B80] =	vst v14  }
0x10d: {  	s25 =	sshll.u32 s26, $0x3;
	v26 =	vand.u32 $0xFFFF, v17;
	v8 =	vadd.s32 v1, v8;
	v12 =	vld.idx.msk [tilespmem:v12+s10+$0x0], $0xffff;
	[tilespmem:s30+$0x14A00] =	vst v19  }
0x10e: {  	s29 =	sshll.u32 s21, $0x7;
	s26 =	sand.u32 $0x3FFFFF80, s25;
	v17 =	vshra.s32 v17, $0x10;
	v39 =	vadd.s32 v1, v26;
	v13 =	vld.idx.msk [tilespmem:v13+s10+$0x0], $0xffff;
	[tilespmem:s24+$0x14A00] =	vst v21  }
0x10f: {  	s21 =	sand.u32 $0x3FFFFF80, s29;
	v24 =	vand.u32 $0xFFFF, v16;
	v17 =	vadd.s32 v1, v17;
	v15 =	vld.idx.msk [tilespmem:v15+s10+$0x0], $0xffff;
	[tilespmem:s26+$0x14A30] =	vst v23  }
0x110: {  	v24 =	vadd.s32 v1, v24;
	v5 =	vld.idx.msk [tilespmem:v5+s10+$0x0], $0xffff;
	[tilespmem:s21+$0x14B80] =	vst v6  }
0x111: {  	v10 =	vld.idx.msk [tilespmem:v10+s10+$0x0], $0xffff;
	[tilespmem:s21+$0x15B80] =	vst v3  }
0x112: {  	v16 =	vshra.s32 v16, $0x10;
	v8 =	vld.idx.msk [tilespmem:v8+s10+$0x0], $0xffff;
	[tilespmem:s21+$0x14B90] =	vst v7  }
0x113: {  	v42 =	vand.u32 $0xFFFF, v18;
	v18 =	vshra.s32 v18, $0x10;
	v16 =	vadd.s32 v1, v16;
	v44 =	vld.idx.msk [tilespmem:v39+s10+$0x0], $0xffff;
	[tilespmem:s21+$0x15B90] =	vst v4  }
0x114: {  	v40 =	vand.u32 $0xFFFF, v25;
	v18 =	vadd.s32 v1, v18;
	v47 =	vld.idx.msk [tilespmem:v17+s10+$0x0], $0xffff;
	[tilespmem:s21+$0x14BA0] =	vst v9  }
0x115: {  	v45 =	vand.u32 $0xFFFF, v20;
	v41 =	vadd.s32 v1, v40;
	v24 =	vld.idx.msk [tilespmem:v24+s10+$0x0], $0xffff;
	[tilespmem:s21+$0x15BA0] =	vst v5  }
0x116: {  	v60 =	vand.u32 $0xFFFF, v56;
	v3 =	vadd.s32 v1, v45;
	[tilespmem:s21+$0x14BB0] =	vst v10  }
0x117: {  	v54 =	vld.idx.msk [tilespmem:v2+s31+$0x0 ss:$0x1], $0xffff;
	v48 =	vshra.s32 v20, $0x10;
	v61 =	vadd.s32 v1, v60;
	[tilespmem:s21+$0x15BB0] =	vst v8  }
0x118: {  	s28 =	sshll.u32 s28, $0x3;
	v51 =	vand.u32 $0xFFFF, v22;
	v16 =	vld.idx.msk [tilespmem:v16+s10+$0x0], $0xffff;
	v17 =	vadd.s32 v1, v48;
	[tilespmem:s21+$0x14BC0] =	vst v44  }
0x119: {  	v50 =	vld.idx.msk [tilespmem:v18+s10+$0x0], $0xffff;
	v18 =	vadd.s32 v1, v51;
	s30 =	sand.u32 $0xC00, s28;
	[tilespmem:s21+$0x15BC0] =	vst v47  }
0x11a: {  	v52 =	vshra.s32 v22, $0x10;
	v46 =	vld.idx.msk [tilespmem:v41+s10+$0x0], $0xffff;
	v21 =	vadd.s32 v1, v42;
	[tilespmem:s30+$0x14BC0] =	vst v24  }
0x11b: {  	v43 =	vshra.s32 v25, $0x10;
	v5 =	vadd.s32 v1, v52;
	[tilespmem:s21+$0x15F80] =	vst v11;
	v3 =	vld.idx.msk [tilespmem:v3+s10+$0x0], $0xffff  }
0x11c: {  	v63 =	vld.idx.msk [tilespmem:v61+s10+$0x0], $0xffff;
	v23 =	vadd.s32 v1, v43;
	[tilespmem:s21+$0x15F90] =	vst v12  }
0x11d: {  	v55 =	vld.idx.msk [tilespmem:v17+s10+$0x0], $0xffff;
	[tilespmem:s21+$0x15FA0] =	vst v13  }
0x11e: {  	v57 =	vld.idx.msk [tilespmem:v18+s10+$0x0], $0xffff;
	v6 =	vshra.s32 v56, $0x10;
	[tilespmem:s21+$0x15FB0] =	vst v15  }
0x11f: {  	s22 =	sshll.u32 s22, $0x3;
	v59 =	vand.u32 $0xFFFF, v54;
	v62 =	vadd.s32 v1, v6;
	[tilespmem:s21+$0x15FC0] =	vst v16;
	v49 =	vld.idx.msk [tilespmem:v21+s10+$0x0], $0xffff  }
0x120: {  	s22 =	sand.u32 $0xC00, s22;
	v58 =	vld.idx.msk [tilespmem:v5+s10+$0x0], $0xffff;
	v5 =	vadd.s32 v1, v59;
	[tilespmem:s21+$0x14BE0] =	vst v3;
	v3 =	vshra.s32 v54, $0x10  }
0x121: {  	v53 =	vld.idx.msk [tilespmem:v23+s10+$0x0], $0xffff;
	[tilespmem:s22+$0x14BD0] =	vst v46;
	v3 =	vadd.s32 v1, v3  }
0x122: {  	[tilespmem:s21+$0x15BD0] =	vst v50  }
0x123: {  	s20 =	sshll.u32 s20, $0x3;
	[tilespmem:s21+$0x15BE0] =	vst v55  }
0x124: {  	s20 =	sand.u32 $0xD80, s20;
	[tilespmem:s21+$0x14BF0] =	vst v57;
	v4 =	vld.idx.msk [tilespmem:v62+s10+$0x0], $0xffff  }
0x125: {  	[tilespmem:s20+$0x14A70] =	vst v63;
	v5 =	vld.idx.msk [tilespmem:v5+s10+$0x0], $0xffff  }
0x126: {  	p2 =	por p1, p1;
	[tilespmem:s21+$0x14BD0] =	vst v49;
	v3 =	vld.idx.msk [tilespmem:v3+s10+$0x0], $0xffff  }
.Ltmp3:
0x127: {  	[tilespmem:s21+$0x15BF0] =	vst v58;
	(pc) =	sbr.rel @p2 .LBB2_9-.Ltmp3, $4  }
0x128: {  	s22 =	sshll.u32 s31, $0x3;
	[tilespmem:s21+$0x15FD0] =	vst v53  }
0x129: {  	s22 =	sand.u32 $0xC00, s22;
	[tilespmem:s21+$0x15FF0] =	vst v4  }
0x12a: {  	[tilespmem:s22+$0x14BE0] =	vst v5  }
0x12b: {  	p1 =	por $0x0, $0x0;
	[tilespmem:s21+$0x15FE0] =	vst v3;
	s21 =	simm.s32 $0x10  }
0x12c: {  	(v2sf) =	vpush v0, $0x4;
	_ =	sdelay $0xe  }
0x12d: {  	s20 =	spop (v2sf)  }
0x12e: {  	s20 =	sshll.u32 s20, $0xB  }
0x12f: {  	s20 =	sshra.s32 s20, $0x2  }
0x130: {  	v2 =	vmov s20  }
0x131: {  	s21 =	sor.u32 $0x100, s19  }
0x132: {  	p1 =	por $0x1, $0x1;
	v1 =	vmov s21;
	s21 =	simm.s32 $0x0  }
.LBB2_11:
0x133: {  	s20 =	sshll.u32 s21, $0x4  }
0x134: {  	s22 =	sand.u32 $0x3FFFFFF0, s20  }
0x135: {  	v3 =	vld.idx.msk [tilespmem:v2+s22+$0x0 ss:$0x1], $0xffff  }
0x136: {  	v4 =	vld.idx.msk [tilespmem:v2+s22+$0x10 ss:$0x1], $0xffff  }
0x137: {  	v51 =	vld.idx.msk [tilespmem:v2+s22+$0x20 ss:$0x1], $0xffff  }
0x138: {  	s28 =	sor.u32 $0x80, s20;
	v9 =	vld.idx.msk [tilespmem:v2+s22+$0x30 ss:$0x1], $0xffff  }
0x139: {  	s26 =	sor.u32 $0x90, s20;
	v53 =	vld.idx.msk [tilespmem:v2+s28+$0x0 ss:$0x1], $0xffff  }
0x13a: {  	s25 =	sor.u32 $0xB0, s20;
	v11 =	vld.idx.msk [tilespmem:v2+s26+$0x0 ss:$0x1], $0xffff  }
0x13b: {  	s24 =	sor.u32 $0xC0, s20;
	v55 =	vld.idx.msk [tilespmem:v2+s25+$0x0 ss:$0x1], $0xffff  }
0x13c: {  	v18 =	vld.idx.msk [tilespmem:v2+s24+$0x0 ss:$0x1], $0xffff  }
0x13d: {  	v19 =	vld.idx.msk [tilespmem:v2+s22+$0x40 ss:$0x1], $0xffff;
	v5 =	vand.u32 $0xFF80, v3;
	v6 =	vand.u32 $0x7F, v3;
	v3 =	vshra.s32 v3, $0x10  }
0x13e: {  	v7 =	vand.u32 $0xFF80, v4;
	v8 =	vand.u32 $0x7F, v4;
	v4 =	vshra.s32 v4, $0x10  }
0x13f: {  	v57 =	vld.idx.msk [tilespmem:v2+s22+$0x50 ss:$0x1], $0xffff;
	v52 =	vand.u32 $0xFF80, v51;
	v10 =	vand.u32 $0x7F, v51;
	v12 =	vand.u32 $0xFF80, v9  }
0x140: {  	v14 =	vand.u32 $0x7F, v9;
	v15 =	vand.u32 $0xFF80, v53;
	v16 =	vand.u32 $0x7F, v53  }
0x141: {  	v17 =	vand.u32 $0xFF80, v11;
	v20 =	vand.u32 $0x7F, v11;
	v24 =	vand.u32 $0xFF80, v55  }
0x142: {  	s23 =	sor.u32 $0xA0, s20;
	v61 =	vand.u32 $0xFF80, v18;
	v62 =	vand.u32 $0x7F, v18;
	v63 =	vand.u32 $0xFF80, v19  }
0x143: {  	v13 =	vld.idx.msk [tilespmem:v2+s23+$0x0 ss:$0x1], $0xffff;
	v18 =	vshra.s32 v18, $0x10;
	v9 =	vshra.s32 v9, $0x10;
	v30 =	vand.u32 $0x7F, v19  }
0x144: {  	v22 =	vld.idx.msk [tilespmem:v2+s22+$0x60 ss:$0x1], $0xffff;
	v32 =	vand.u32 $0xFF80, v57;
	v5 =	vadd.s32 v1, v5;
	v3 =	vadd.s32 v1, v3  }
0x145: {  	s31 =	sor.u32 $0xD0, s20;
	v59 =	vld.idx.msk [tilespmem:v2+s22+$0x70 ss:$0x1], $0xffff;
	v7 =	vadd.s32 v1, v7;
	v4 =	vadd.s32 v1, v4;
	v12 =	vadd.s32 v1, v12  }
0x146: {  	v25 =	vld.idx.msk [tilespmem:v2+s31+$0x0 ss:$0x1], $0xffff;
	s22 =	sshll.u32 s31, $0x3;
	s31 =	sor.u32 $0xE0, s20;
	v54 =	vadd.s32 v1, v15;
	v60 =	vadd.s32 v1, v24;
	v18 =	vadd.s32 v1, v18  }
0x147: {  	s20 =	sor.u32 $0xF0, s20;
	v49 =	vld.idx.msk [tilespmem:v2+s31+$0x0 ss:$0x1], $0xffff;
	v24 =	vadd.s32 v1, v61;
	v9 =	vadd.s32 v1, v9;
	v5 =	vand.u32 $0x1FF80, v5  }
0x148: {  	v24 =	vand.u32 $0x1FF80, v24;
	v5 =	vor.u32 v6, v5;
	v6 =	vshra.s32 v51, $0x10;
	v51 =	vld.idx.msk [tilespmem:v2+s20+$0x0 ss:$0x1], $0xffff  }
0x149: {  	v7 =	vand.u32 $0x1FF80, v7;
	v12 =	vand.u32 $0x1FF80, v12;
	v24 =	vor.u32 v62, v24;
	v3 =	vld.idx.msk [tilespmem:v3+s10+$0x0], $0xffff  }
0x14a: {  	v7 =	vor.u32 v8, v7;
	v12 =	vor.u32 v14, v12;
	v14 =	vand.u32 $0x1FF80, v54;
	v4 =	vld.idx.msk [tilespmem:v4+s10+$0x0], $0xffff  }
0x14b: {  	v31 =	vshra.s32 v19, $0x10;
	v19 =	vadd.s32 v1, v32;
	v14 =	vor.u32 v16, v14;
	v18 =	vld.idx.msk [tilespmem:v18+s10+$0x0], $0xffff  }
0x14c: {  	v21 =	vand.u32 $0xFF80, v13;
	v34 =	vand.u32 $0x7F, v57;
	v19 =	vand.u32 $0x1FF80, v19;
	v36 =	vld.idx.msk [tilespmem:v9+s10+$0x0], $0xffff  }
0x14d: {  	v56 =	vadd.s32 v1, v17;
	v8 =	vadd.s32 v1, v52;
	v19 =	vor.u32 v34, v19;
	v5 =	vld.idx.msk [tilespmem:v5+s10+$0x0], $0xffff  }
0x14e: {  	s29 =	sshll.u32 s21, $0x7;
	v8 =	vand.u32 $0x1FF80, v8;
	v6 =	vadd.s32 v1, v6;
	v16 =	vand.u32 $0x1FF80, v56;
	v24 =	vld.idx.msk [tilespmem:v24+s10+$0x0], $0xffff  }
0x14f: {  	s21 =	sand.u32 $0x3FFFFF80, s29;
	v8 =	vor.u32 v10, v8;
	v10 =	vshra.s32 v53, $0x10;
	v16 =	vor.u32 v20, v16;
	v7 =	vld.idx.msk [tilespmem:v7+s10+$0x0], $0xffff  }
0x150: {  	v23 =	vand.u32 $0x7F, v13;
	v58 =	vadd.s32 v1, v21;
	v10 =	vadd.s32 v1, v10;
	v14 =	vld.idx.msk [tilespmem:v14+s10+$0x0], $0xffff;
	[tilespmem:s21+$0x15C00] =	vst v3  }
0x151: {  	s24 =	sshll.u32 s24, $0x3;
	v26 =	vand.u32 $0x7F, v55;
	v37 =	vshra.s32 v57, $0x10;
	v20 =	vand.u32 $0x1FF80, v58;
	v12 =	vld.idx.msk [tilespmem:v12+s10+$0x0], $0xffff;
	[tilespmem:s21+$0x15C10] =	vst v4  }
0x152: {  	s30 =	sand.u32 $0x3FFFFF80, s24;
	v20 =	vor.u32 v23, v20;
	v23 =	vand.u32 $0x1FF80, v60;
	v9 =	vadd.s32 v1, v37;
	v19 =	vld.idx.msk [tilespmem:v19+s10+$0x0], $0xffff;
	[tilespmem:s21+$0x15C30] =	vst v36  }
0x153: {  	s28 =	sshll.u32 s28, $0x3;
	v11 =	vshra.s32 v11, $0x10;
	v23 =	vor.u32 v26, v23;
	v26 =	vadd.s32 v1, v63;
	v6 =	vld.idx.msk [tilespmem:v6+s10+$0x0], $0xffff;
	[tilespmem:s30+$0x14A40] =	vst v24  }
0x154: {  	s28 =	sand.u32 $0x3FFFFF80, s28;
	v13 =	vshra.s32 v13, $0x10;
	v11 =	vadd.s32 v1, v11;
	v29 =	vand.u32 $0x1FF80, v26;
	v16 =	vld.idx.msk [tilespmem:v16+s10+$0x0], $0xffff;
	[tilespmem:s21+$0x14C00] =	vst v5  }
0x155: {  	v27 =	vand.u32 $0xFF80, v25;
	v28 =	vand.u32 $0x7F, v25;
	v10 =	vld.idx.msk [tilespmem:v10+s10+$0x0], $0xffff;
	[tilespmem:s28+$0x14C00] =	vst v14;
	v14 =	vor.u32 v30, v29  }
0x156: {  	v38 =	vand.u32 $0xFF80, v22;
	v41 =	vand.u32 $0x7F, v22;
	v42 =	vand.u32 $0xFF80, v59;
	v8 =	vld.idx.msk [tilespmem:v8+s10+$0x0], $0xffff;
	[tilespmem:s21+$0x14C10] =	vst v7  }
0x157: {  	v44 =	vshra.s32 v22, $0x10;
	v47 =	vand.u32 $0x7F, v59;
	v13 =	vadd.s32 v1, v13;
	v20 =	vld.idx.msk [tilespmem:v20+s10+$0x0], $0xffff;
	[tilespmem:s21+$0x14C30] =	vst v12  }
0x158: {  	s26 =	sshll.u32 s26, $0x3;
	v48 =	vshra.s32 v59, $0x10;
	v15 =	vshra.s32 v55, $0x10;
	v27 =	vadd.s32 v1, v27;
	v50 =	vld.idx.msk [tilespmem:v9+s10+$0x0], $0xffff;
	[tilespmem:s21+$0x14C50] =	vst v19  }
0x159: {  	s26 =	sand.u32 $0xC00, s26;
	v39 =	vadd.s32 v1, v38;
	v15 =	vadd.s32 v1, v15;
	v27 =	vand.u32 $0x1FF80, v27;
	v11 =	vld.idx.msk [tilespmem:v11+s10+$0x0], $0xffff;
	[tilespmem:s21+$0x15C20] =	vst v6  }
0x15a: {  	v56 =	vand.u32 $0xFF80, v51;
	[tilespmem:s26+$0x14C10] =	vst v16;
	v16 =	vadd.s32 v1, v31;
	v3 =	vld.idx.msk [tilespmem:v14+s10+$0x0], $0xffff;
	v14 =	vand.u32 $0x1FF80, v39  }
0x15b: {  	s23 =	sshll.u32 s23, $0x3;
	v59 =	vadd.s32 v1, v56;
	[tilespmem:s21+$0x16040] =	vst v18;
	v43 =	vor.u32 v41, v14;
	v14 =	vadd.s32 v1, v44  }
0x15c: {  	s23 =	sand.u32 $0xC00, s23;
	v27 =	vor.u32 v28, v27;
	v13 =	vld.idx.msk [tilespmem:v13+s10+$0x0], $0xffff;
	v61 =	vand.u32 $0x7F, v51;
	v60 =	vand.u32 $0x1FF80, v59;
	[tilespmem:s21+$0x14C20] =	vst v8  }
0x15d: {  	v63 =	vshra.s32 v51, $0x10;
	v62 =	vor.u32 v61, v60;
	v23 =	vld.idx.msk [tilespmem:v23+s10+$0x0], $0xffff;
	[tilespmem:s23+$0x14C20] =	vst v20  }
0x15e: {  	v15 =	vld.idx.msk [tilespmem:v15+s10+$0x0], $0xffff;
	v6 =	vadd.s32 v1, v63;
	[tilespmem:s21+$0x15C50] =	vst v50  }
0x15f: {  	[tilespmem:s21+$0x16000] =	vst v10;
	v40 =	vld.idx.msk [tilespmem:v16+s10+$0x0], $0xffff  }
0x160: {  	s25 =	sshll.u32 s25, $0x3;
	v33 =	vshra.s32 v25, $0x10;
	v8 =	vadd.s32 v1, v48;
	[tilespmem:s21+$0x14C40] =	vst v3;
	v3 =	vld.idx.msk [tilespmem:v14+s10+$0x0], $0xffff  }
0x161: {  	v45 =	vadd.s32 v1, v42;
	v53 =	vand.u32 $0xFF80, v49;
	v35 =	vld.idx.msk [tilespmem:v27+s10+$0x0], $0xffff;
	s28 =	sand.u32 $0xC00, s25;
	v20 =	vadd.s32 v1, v33;
	[tilespmem:s21+$0x16010] =	vst v11  }
0x162: {  	v7 =	vadd.s32 v1, v53;
	v5 =	vld.idx.msk [tilespmem:v62+s10+$0x0], $0xffff;
	[tilespmem:s28+$0x14C30] =	vst v23;
	v16 =	vand.u32 $0x1FF80, v45  }
0x163: {  	v55 =	vand.u32 $0x7F, v49;
	v54 =	vand.u32 $0x1FF80, v7;
	[tilespmem:s21+$0x16020] =	vst v13;
	v6 =	vld.idx.msk [tilespmem:v6+s10+$0x0], $0xffff;
	v16 =	vor.u32 v47, v16  }
0x164: {  	v58 =	vshra.s32 v49, $0x10;
	v57 =	vor.u32 v55, v54;
	[tilespmem:s21+$0x16030] =	vst v15;
	v4 =	vld.idx.msk [tilespmem:v43+s10+$0x0], $0xffff  }
0x165: {  	s22 =	sand.u32 $0xE00, s22;
	s20 =	sshll.u32 s20, $0x3;
	v8 =	vld.idx.msk [tilespmem:v8+s10+$0x0], $0xffff;
	[tilespmem:s21+$0x15C60] =	vst v3;
	v3 =	vadd.s32 v1, v58  }
0x166: {  	s20 =	sand.u32 $0xE00, s20;
	v46 =	vld.idx.msk [tilespmem:v20+s10+$0x0], $0xffff;
	[tilespmem:s22+$0x14A50] =	vst v35  }
0x167: {  	[tilespmem:s20+$0x14A70] =	vst v5  }
0x168: {  	[tilespmem:s21+$0x16070] =	vst v6;
	v52 =	vld.idx.msk [tilespmem:v16+s10+$0x0], $0xffff  }
0x169: {  	[tilespmem:s21+$0x14C60] =	vst v4;
	v4 =	vld.idx.msk [tilespmem:v57+s10+$0x0], $0xffff  }
0x16a: {  	p2 =	por p1, p1;
	[tilespmem:s21+$0x15C40] =	vst v40;
	v3 =	vld.idx.msk [tilespmem:v3+s10+$0x0], $0xffff  }
.Ltmp4:
0x16b: {  	[tilespmem:s21+$0x15C70] =	vst v8;
	(pc) =	sbr.rel @p2 .LBB2_11-.Ltmp4, $4  }
0x16c: {  	s22 =	sshll.u32 s31, $0x3;
	[tilespmem:s21+$0x16050] =	vst v46  }
0x16d: {  	s22 =	sand.u32 $0xE00, s22;
	[tilespmem:s21+$0x14C70] =	vst v52  }
0x16e: {  	[tilespmem:s22+$0x14A60] =	vst v4  }
0x16f: {  	p1 =	por $0x0, $0x0;
	[tilespmem:s21+$0x16060] =	vst v3;
	s21 =	simm.s32 $0x10  }
0x170: {  	(v2sf) =	vpush v0, $0x5;
	_ =	sdelay $0xe  }
0x171: {  	s20 =	spop (v2sf)  }
0x172: {  	s20 =	sshll.u32 s20, $0xB  }
0x173: {  	s20 =	sshra.s32 s20, $0x2  }
0x174: {  	v2 =	vmov s20  }
0x175: {  	s21 =	sor.u32 $0x140, s19  }
0x176: {  	p1 =	por $0x1, $0x1;
	v1 =	vmov s21;
	s21 =	simm.s32 $0x0  }
.LBB2_13:
0x177: {  	s20 =	sshll.u32 s21, $0x4  }
0x178: {  	s22 =	sand.u32 $0x3FFFFFF0, s20  }
0x179: {  	v3 =	vld.idx.msk [tilespmem:v2+s22+$0x0 ss:$0x1], $0xffff  }
0x17a: {  	v4 =	vld.idx.msk [tilespmem:v2+s22+$0x10 ss:$0x1], $0xffff  }
0x17b: {  	v5 =	vld.idx.msk [tilespmem:v2+s22+$0x20 ss:$0x1], $0xffff  }
0x17c: {  	s23 =	sor.u32 $0x80, s20;
	v8 =	vld.idx.msk [tilespmem:v2+s22+$0x30 ss:$0x1], $0xffff  }
0x17d: {  	s24 =	sor.u32 $0x90, s20;
	v11 =	vld.idx.msk [tilespmem:v2+s23+$0x0 ss:$0x1], $0xffff  }
0x17e: {  	s25 =	sor.u32 $0xA0, s20;
	v12 =	vld.idx.msk [tilespmem:v2+s24+$0x0 ss:$0x1], $0xffff  }
0x17f: {  	s26 =	sor.u32 $0xB0, s20;
	v13 =	vld.idx.msk [tilespmem:v2+s25+$0x0 ss:$0x1], $0xffff  }
0x180: {  	s28 =	sor.u32 $0xC0, s20;
	v15 =	vld.idx.msk [tilespmem:v2+s26+$0x0 ss:$0x1], $0xffff  }
0x181: {  	v16 =	vld.idx.msk [tilespmem:v2+s28+$0x0 ss:$0x1], $0xffff  }
0x182: {  	v17 =	vld.idx.msk [tilespmem:v2+s22+$0x40 ss:$0x1], $0xffff;
	v6 =	vand.u32 $0xFFFF, v3  }
0x183: {  	v18 =	vld.idx.msk [tilespmem:v2+s22+$0x50 ss:$0x1], $0xffff;
	v3 =	vshra.s32 v3, $0x10;
	v6 =	vadd.s32 v1, v6  }
0x184: {  	v20 =	vld.idx.msk [tilespmem:v2+s22+$0x60 ss:$0x1], $0xffff;
	s24 =	sshll.u32 s24, $0x3;
	v7 =	vand.u32 $0xFFFF, v4;
	v3 =	vadd.s32 v1, v3  }
0x185: {  	v22 =	vld.idx.msk [tilespmem:v2+s22+$0x70 ss:$0x1], $0xffff;
	s22 =	sor.u32 $0xD0, s20;
	s31 =	sshll.u32 s25, $0x3;
	s30 =	sor.u32 $0x290, s24;
	v4 =	vshra.s32 v4, $0x10;
	v7 =	vadd.s32 v1, v7  }
0x186: {  	v25 =	vld.idx.msk [tilespmem:v2+s22+$0x0 ss:$0x1], $0xffff;
	s24 =	sand.u32 $0xC00, s31;
	s31 =	sor.u32 $0xE0, s20;
	s20 =	sor.u32 $0xF0, s20;
	v14 =	vand.u32 $0xFFFF, v11;
	v4 =	vadd.s32 v1, v4  }
0x187: {  	v56 =	vld.idx.msk [tilespmem:v2+s20+$0x0 ss:$0x1], $0xffff;
	v19 =	vand.u32 $0xFFFF, v12;
	v14 =	vadd.s32 v1, v14  }
0x188: {  	v21 =	vand.u32 $0xFFFF, v13;
	v19 =	vadd.s32 v1, v19;
	v6 =	vld.idx.msk [tilespmem:v6+s10+$0x0], $0xffff  }
0x189: {  	v23 =	vand.u32 $0xFFFF, v15;
	v21 =	vadd.s32 v1, v21;
	v3 =	vld.idx.msk [tilespmem:v3+s10+$0x0], $0xffff  }
0x18a: {  	v9 =	vand.u32 $0xFFFF, v5;
	v23 =	vadd.s32 v1, v23;
	v7 =	vld.idx.msk [tilespmem:v7+s10+$0x0], $0xffff  }
0x18b: {  	v11 =	vshra.s32 v11, $0x10;
	v9 =	vadd.s32 v1, v9;
	v4 =	vld.idx.msk [tilespmem:v4+s10+$0x0], $0xffff  }
0x18c: {  	v12 =	vshra.s32 v12, $0x10;
	v11 =	vadd.s32 v1, v11;
	v14 =	vld.idx.msk [tilespmem:v14+s10+$0x0], $0xffff  }
0x18d: {  	v13 =	vshra.s32 v13, $0x10;
	v12 =	vadd.s32 v1, v12;
	v19 =	vld.idx.msk [tilespmem:v19+s10+$0x0], $0xffff  }
0x18e: {  	v15 =	vshra.s32 v15, $0x10;
	v13 =	vadd.s32 v1, v13;
	v21 =	vld.idx.msk [tilespmem:v21+s10+$0x0], $0xffff  }
0x18f: {  	s23 =	sshll.u32 s23, $0x3;
	v5 =	vshra.s32 v5, $0x10;
	v15 =	vadd.s32 v1, v15;
	v23 =	vld.idx.msk [tilespmem:v23+s10+$0x0], $0xffff  }
0x190: {  	s23 =	sand.u32 $0x3FFFFF80, s23;
	v10 =	vand.u32 $0xFFFF, v8;
	v5 =	vadd.s32 v1, v5;
	v9 =	vld.idx.msk [tilespmem:v9+s10+$0x0], $0xffff  }
0x191: {  	v8 =	vshra.s32 v8, $0x10;
	v10 =	vadd.s32 v1, v10;
	v11 =	vld.idx.msk [tilespmem:v11+s10+$0x0], $0xffff;
	[tilespmem:s23+$0x14C80] =	vst v14  }
0x192: {  	s25 =	sshll.u32 s26, $0x3;
	v26 =	vand.u32 $0xFFFF, v17;
	v8 =	vadd.s32 v1, v8;
	v12 =	vld.idx.msk [tilespmem:v12+s10+$0x0], $0xffff;
	[tilespmem:s30+$0x14A00] =	vst v19  }
0x193: {  	s29 =	sshll.u32 s21, $0x7;
	s26 =	sand.u32 $0xC00, s25;
	v17 =	vshra.s32 v17, $0x10;
	v39 =	vadd.s32 v1, v26;
	v13 =	vld.idx.msk [tilespmem:v13+s10+$0x0], $0xffff;
	[tilespmem:s24+$0x14CA0] =	vst v21  }
0x194: {  	s21 =	sand.u32 $0x3FFFFF80, s29;
	v24 =	vand.u32 $0xFFFF, v16;
	v17 =	vadd.s32 v1, v17;
	v15 =	vld.idx.msk [tilespmem:v15+s10+$0x0], $0xffff;
	[tilespmem:s26+$0x14CB0] =	vst v23  }
0x195: {  	v24 =	vadd.s32 v1, v24;
	v5 =	vld.idx.msk [tilespmem:v5+s10+$0x0], $0xffff;
	[tilespmem:s21+$0x14C80] =	vst v6  }
0x196: {  	v10 =	vld.idx.msk [tilespmem:v10+s10+$0x0], $0xffff;
	[tilespmem:s21+$0x15C80] =	vst v3  }
0x197: {  	v16 =	vshra.s32 v16, $0x10;
	v8 =	vld.idx.msk [tilespmem:v8+s10+$0x0], $0xffff;
	[tilespmem:s21+$0x14C90] =	vst v7  }
0x198: {  	v42 =	vand.u32 $0xFFFF, v18;
	v18 =	vshra.s32 v18, $0x10;
	v16 =	vadd.s32 v1, v16;
	v44 =	vld.idx.msk [tilespmem:v39+s10+$0x0], $0xffff;
	[tilespmem:s21+$0x15C90] =	vst v4  }
0x199: {  	v40 =	vand.u32 $0xFFFF, v25;
	v18 =	vadd.s32 v1, v18;
	v47 =	vld.idx.msk [tilespmem:v17+s10+$0x0], $0xffff;
	[tilespmem:s21+$0x14CA0] =	vst v9  }
0x19a: {  	v45 =	vand.u32 $0xFFFF, v20;
	v41 =	vadd.s32 v1, v40;
	v24 =	vld.idx.msk [tilespmem:v24+s10+$0x0], $0xffff;
	[tilespmem:s21+$0x15CA0] =	vst v5  }
0x19b: {  	v60 =	vand.u32 $0xFFFF, v56;
	v3 =	vadd.s32 v1, v45;
	[tilespmem:s21+$0x14CB0] =	vst v10  }
0x19c: {  	v54 =	vld.idx.msk [tilespmem:v2+s31+$0x0 ss:$0x1], $0xffff;
	v48 =	vshra.s32 v20, $0x10;
	v61 =	vadd.s32 v1, v60;
	[tilespmem:s21+$0x15CB0] =	vst v8  }
0x19d: {  	s28 =	sshll.u32 s28, $0x3;
	v51 =	vand.u32 $0xFFFF, v22;
	v16 =	vld.idx.msk [tilespmem:v16+s10+$0x0], $0xffff;
	v17 =	vadd.s32 v1, v48;
	[tilespmem:s21+$0x14CC0] =	vst v44  }
0x19e: {  	v50 =	vld.idx.msk [tilespmem:v18+s10+$0x0], $0xffff;
	v18 =	vadd.s32 v1, v51;
	s30 =	sor.u32 $0x2C0, s28;
	[tilespmem:s21+$0x15CC0] =	vst v47  }
0x19f: {  	v52 =	vshra.s32 v22, $0x10;
	v46 =	vld.idx.msk [tilespmem:v41+s10+$0x0], $0xffff;
	v21 =	vadd.s32 v1, v42;
	[tilespmem:s30+$0x14A00] =	vst v24  }
0x1a0: {  	v43 =	vshra.s32 v25, $0x10;
	v5 =	vadd.s32 v1, v52;
	[tilespmem:s21+$0x16080] =	vst v11;
	v3 =	vld.idx.msk [tilespmem:v3+s10+$0x0], $0xffff  }
0x1a1: {  	v63 =	vld.idx.msk [tilespmem:v61+s10+$0x0], $0xffff;
	v23 =	vadd.s32 v1, v43;
	[tilespmem:s21+$0x16090] =	vst v12  }
0x1a2: {  	v55 =	vld.idx.msk [tilespmem:v17+s10+$0x0], $0xffff;
	[tilespmem:s21+$0x160A0] =	vst v13  }
0x1a3: {  	v57 =	vld.idx.msk [tilespmem:v18+s10+$0x0], $0xffff;
	v6 =	vshra.s32 v56, $0x10;
	[tilespmem:s21+$0x160B0] =	vst v15  }
0x1a4: {  	s22 =	sshll.u32 s22, $0x3;
	v59 =	vand.u32 $0xFFFF, v54;
	v62 =	vadd.s32 v1, v6;
	[tilespmem:s21+$0x160C0] =	vst v16;
	v49 =	vld.idx.msk [tilespmem:v21+s10+$0x0], $0xffff  }
0x1a5: {  	s22 =	sand.u32 $0x3FFFFF80, s22;
	v58 =	vld.idx.msk [tilespmem:v5+s10+$0x0], $0xffff;
	v5 =	vadd.s32 v1, v59;
	[tilespmem:s21+$0x14CE0] =	vst v3;
	v3 =	vshra.s32 v54, $0x10  }
0x1a6: {  	v53 =	vld.idx.msk [tilespmem:v23+s10+$0x0], $0xffff;
	[tilespmem:s22+$0x14A50] =	vst v46;
	v3 =	vadd.s32 v1, v3  }
0x1a7: {  	[tilespmem:s21+$0x15CD0] =	vst v50  }
0x1a8: {  	s20 =	sshll.u32 s20, $0x3;
	[tilespmem:s21+$0x15CE0] =	vst v55  }
0x1a9: {  	s20 =	sand.u32 $0xE80, s20;
	[tilespmem:s21+$0x14CF0] =	vst v57;
	v4 =	vld.idx.msk [tilespmem:v62+s10+$0x0], $0xffff  }
0x1aa: {  	[tilespmem:s20+$0x14A70] =	vst v63;
	v5 =	vld.idx.msk [tilespmem:v5+s10+$0x0], $0xffff  }
0x1ab: {  	p2 =	por p1, p1;
	[tilespmem:s21+$0x14CD0] =	vst v49;
	v3 =	vld.idx.msk [tilespmem:v3+s10+$0x0], $0xffff  }
.Ltmp5:
0x1ac: {  	[tilespmem:s21+$0x15CF0] =	vst v58;
	(pc) =	sbr.rel @p2 .LBB2_13-.Ltmp5, $4  }
0x1ad: {  	s22 =	sshll.u32 s31, $0x3;
	[tilespmem:s21+$0x160D0] =	vst v53  }
0x1ae: {  	s22 =	sand.u32 $0xC00, s22;
	[tilespmem:s21+$0x160F0] =	vst v4  }
0x1af: {  	[tilespmem:s22+$0x14CE0] =	vst v5  }
0x1b0: {  	p1 =	por $0x0, $0x0;
	[tilespmem:s21+$0x160E0] =	vst v3;
	s21 =	simm.s32 $0x10  }
0x1b1: {  	(v2sf) =	vpush v0, $0x6;
	_ =	sdelay $0xe  }
0x1b2: {  	s20 =	spop (v2sf)  }
0x1b3: {  	s20 =	sshll.u32 s20, $0xB  }
0x1b4: {  	s20 =	sshra.s32 s20, $0x2  }
0x1b5: {  	v2 =	vmov s20  }
0x1b6: {  	s21 =	sor.u32 $0x180, s19  }
0x1b7: {  	p1 =	por $0x1, $0x1;
	v1 =	vmov s21;
	s21 =	simm.s32 $0x0  }
.LBB2_15:
0x1b8: {  	s20 =	sshll.u32 s21, $0x4  }
0x1b9: {  	s22 =	sand.u32 $0x3FFFFFF0, s20  }
0x1ba: {  	v3 =	vld.idx.msk [tilespmem:v2+s22+$0x0 ss:$0x1], $0xffff  }
0x1bb: {  	v4 =	vld.idx.msk [tilespmem:v2+s22+$0x10 ss:$0x1], $0xffff  }
0x1bc: {  	v51 =	vld.idx.msk [tilespmem:v2+s22+$0x20 ss:$0x1], $0xffff  }
0x1bd: {  	s28 =	sor.u32 $0x80, s20;
	v9 =	vld.idx.msk [tilespmem:v2+s22+$0x30 ss:$0x1], $0xffff  }
0x1be: {  	s26 =	sor.u32 $0x90, s20;
	v53 =	vld.idx.msk [tilespmem:v2+s28+$0x0 ss:$0x1], $0xffff  }
0x1bf: {  	s25 =	sor.u32 $0xB0, s20;
	v11 =	vld.idx.msk [tilespmem:v2+s26+$0x0 ss:$0x1], $0xffff  }
0x1c0: {  	s24 =	sor.u32 $0xC0, s20;
	v55 =	vld.idx.msk [tilespmem:v2+s25+$0x0 ss:$0x1], $0xffff  }
0x1c1: {  	v18 =	vld.idx.msk [tilespmem:v2+s24+$0x0 ss:$0x1], $0xffff  }
0x1c2: {  	v19 =	vld.idx.msk [tilespmem:v2+s22+$0x40 ss:$0x1], $0xffff;
	v5 =	vand.u32 $0xFF80, v3;
	v6 =	vand.u32 $0x7F, v3;
	v3 =	vshra.s32 v3, $0x10  }
0x1c3: {  	v7 =	vand.u32 $0xFF80, v4;
	v8 =	vand.u32 $0x7F, v4;
	v4 =	vshra.s32 v4, $0x10  }
0x1c4: {  	v57 =	vld.idx.msk [tilespmem:v2+s22+$0x50 ss:$0x1], $0xffff;
	v52 =	vand.u32 $0xFF80, v51;
	v10 =	vand.u32 $0x7F, v51;
	v12 =	vand.u32 $0xFF80, v9  }
0x1c5: {  	v14 =	vand.u32 $0x7F, v9;
	v15 =	vand.u32 $0xFF80, v53;
	v16 =	vand.u32 $0x7F, v53  }
0x1c6: {  	v17 =	vand.u32 $0xFF80, v11;
	v20 =	vand.u32 $0x7F, v11;
	v24 =	vand.u32 $0xFF80, v55  }
0x1c7: {  	s23 =	sor.u32 $0xA0, s20;
	v61 =	vand.u32 $0xFF80, v18;
	v62 =	vand.u32 $0x7F, v18;
	v63 =	vand.u32 $0xFF80, v19  }
0x1c8: {  	v13 =	vld.idx.msk [tilespmem:v2+s23+$0x0 ss:$0x1], $0xffff;
	v18 =	vshra.s32 v18, $0x10;
	v9 =	vshra.s32 v9, $0x10;
	v30 =	vand.u32 $0x7F, v19  }
0x1c9: {  	v22 =	vld.idx.msk [tilespmem:v2+s22+$0x60 ss:$0x1], $0xffff;
	v32 =	vand.u32 $0xFF80, v57;
	v5 =	vadd.s32 v1, v5;
	v3 =	vadd.s32 v1, v3  }
0x1ca: {  	s31 =	sor.u32 $0xD0, s20;
	v59 =	vld.idx.msk [tilespmem:v2+s22+$0x70 ss:$0x1], $0xffff;
	v7 =	vadd.s32 v1, v7;
	v4 =	vadd.s32 v1, v4;
	v12 =	vadd.s32 v1, v12  }
0x1cb: {  	v25 =	vld.idx.msk [tilespmem:v2+s31+$0x0 ss:$0x1], $0xffff;
	s22 =	sshll.u32 s31, $0x3;
	s31 =	sor.u32 $0xE0, s20;
	v54 =	vadd.s32 v1, v15;
	v60 =	vadd.s32 v1, v24;
	v18 =	vadd.s32 v1, v18  }
0x1cc: {  	s20 =	sor.u32 $0xF0, s20;
	v49 =	vld.idx.msk [tilespmem:v2+s31+$0x0 ss:$0x1], $0xffff;
	v24 =	vadd.s32 v1, v61;
	v9 =	vadd.s32 v1, v9;
	v5 =	vand.u32 $0x1FF80, v5  }
0x1cd: {  	v24 =	vand.u32 $0x1FF80, v24;
	v5 =	vor.u32 v6, v5;
	v6 =	vshra.s32 v51, $0x10;
	v51 =	vld.idx.msk [tilespmem:v2+s20+$0x0 ss:$0x1], $0xffff  }
0x1ce: {  	v7 =	vand.u32 $0x1FF80, v7;
	v12 =	vand.u32 $0x1FF80, v12;
	v24 =	vor.u32 v62, v24;
	v3 =	vld.idx.msk [tilespmem:v3+s10+$0x0], $0xffff  }
0x1cf: {  	v7 =	vor.u32 v8, v7;
	v12 =	vor.u32 v14, v12;
	v14 =	vand.u32 $0x1FF80, v54;
	v4 =	vld.idx.msk [tilespmem:v4+s10+$0x0], $0xffff  }
0x1d0: {  	v31 =	vshra.s32 v19, $0x10;
	v19 =	vadd.s32 v1, v32;
	v14 =	vor.u32 v16, v14;
	v18 =	vld.idx.msk [tilespmem:v18+s10+$0x0], $0xffff  }
0x1d1: {  	v21 =	vand.u32 $0xFF80, v13;
	v34 =	vand.u32 $0x7F, v57;
	v19 =	vand.u32 $0x1FF80, v19;
	v36 =	vld.idx.msk [tilespmem:v9+s10+$0x0], $0xffff  }
0x1d2: {  	v56 =	vadd.s32 v1, v17;
	v8 =	vadd.s32 v1, v52;
	v19 =	vor.u32 v34, v19;
	v5 =	vld.idx.msk [tilespmem:v5+s10+$0x0], $0xffff  }
0x1d3: {  	s29 =	sshll.u32 s21, $0x7;
	v8 =	vand.u32 $0x1FF80, v8;
	v6 =	vadd.s32 v1, v6;
	v16 =	vand.u32 $0x1FF80, v56;
	v24 =	vld.idx.msk [tilespmem:v24+s10+$0x0], $0xffff  }
0x1d4: {  	s21 =	sand.u32 $0x3FFFFF80, s29;
	v8 =	vor.u32 v10, v8;
	v10 =	vshra.s32 v53, $0x10;
	v16 =	vor.u32 v20, v16;
	v7 =	vld.idx.msk [tilespmem:v7+s10+$0x0], $0xffff  }
0x1d5: {  	v23 =	vand.u32 $0x7F, v13;
	v58 =	vadd.s32 v1, v21;
	v10 =	vadd.s32 v1, v10;
	v14 =	vld.idx.msk [tilespmem:v14+s10+$0x0], $0xffff;
	[tilespmem:s21+$0x15D00] =	vst v3  }
0x1d6: {  	s24 =	sshll.u32 s24, $0x3;
	v26 =	vand.u32 $0x7F, v55;
	v37 =	vshra.s32 v57, $0x10;
	v20 =	vand.u32 $0x1FF80, v58;
	v12 =	vld.idx.msk [tilespmem:v12+s10+$0x0], $0xffff;
	[tilespmem:s21+$0x15D10] =	vst v4  }
0x1d7: {  	s30 =	sor.u32 $0x340, s24;
	v20 =	vor.u32 v23, v20;
	v23 =	vand.u32 $0x1FF80, v60;
	v9 =	vadd.s32 v1, v37;
	v19 =	vld.idx.msk [tilespmem:v19+s10+$0x0], $0xffff;
	[tilespmem:s21+$0x15D30] =	vst v36  }
0x1d8: {  	s28 =	sshll.u32 s28, $0x3;
	v11 =	vshra.s32 v11, $0x10;
	v23 =	vor.u32 v26, v23;
	v26 =	vadd.s32 v1, v63;
	v6 =	vld.idx.msk [tilespmem:v6+s10+$0x0], $0xffff;
	[tilespmem:s30+$0x14A00] =	vst v24  }
0x1d9: {  	s28 =	sand.u32 $0x3FFFFF80, s28;
	v13 =	vshra.s32 v13, $0x10;
	v11 =	vadd.s32 v1, v11;
	v29 =	vand.u32 $0x1FF80, v26;
	v16 =	vld.idx.msk [tilespmem:v16+s10+$0x0], $0xffff;
	[tilespmem:s21+$0x14D00] =	vst v5  }
0x1da: {  	v27 =	vand.u32 $0xFF80, v25;
	v28 =	vand.u32 $0x7F, v25;
	v10 =	vld.idx.msk [tilespmem:v10+s10+$0x0], $0xffff;
	[tilespmem:s28+$0x14D00] =	vst v14;
	v14 =	vor.u32 v30, v29  }
0x1db: {  	v38 =	vand.u32 $0xFF80, v22;
	v41 =	vand.u32 $0x7F, v22;
	v42 =	vand.u32 $0xFF80, v59;
	v8 =	vld.idx.msk [tilespmem:v8+s10+$0x0], $0xffff;
	[tilespmem:s21+$0x14D10] =	vst v7  }
0x1dc: {  	v44 =	vshra.s32 v22, $0x10;
	v47 =	vand.u32 $0x7F, v59;
	v13 =	vadd.s32 v1, v13;
	v20 =	vld.idx.msk [tilespmem:v20+s10+$0x0], $0xffff;
	[tilespmem:s21+$0x14D30] =	vst v12  }
0x1dd: {  	s26 =	sshll.u32 s26, $0x3;
	v48 =	vshra.s32 v59, $0x10;
	v15 =	vshra.s32 v55, $0x10;
	v27 =	vadd.s32 v1, v27;
	v50 =	vld.idx.msk [tilespmem:v9+s10+$0x0], $0xffff;
	[tilespmem:s21+$0x14D50] =	vst v19  }
0x1de: {  	s26 =	sand.u32 $0xC00, s26;
	v39 =	vadd.s32 v1, v38;
	v15 =	vadd.s32 v1, v15;
	v27 =	vand.u32 $0x1FF80, v27;
	v11 =	vld.idx.msk [tilespmem:v11+s10+$0x0], $0xffff;
	[tilespmem:s21+$0x15D20] =	vst v6  }
0x1df: {  	v56 =	vand.u32 $0xFF80, v51;
	[tilespmem:s26+$0x14D10] =	vst v16;
	v16 =	vadd.s32 v1, v31;
	v3 =	vld.idx.msk [tilespmem:v14+s10+$0x0], $0xffff;
	v14 =	vand.u32 $0x1FF80, v39  }
0x1e0: {  	s23 =	sshll.u32 s23, $0x3;
	v59 =	vadd.s32 v1, v56;
	[tilespmem:s21+$0x16140] =	vst v18;
	v43 =	vor.u32 v41, v14;
	v14 =	vadd.s32 v1, v44  }
0x1e1: {  	s23 =	sor.u32 $0x320, s23;
	v27 =	vor.u32 v28, v27;
	v13 =	vld.idx.msk [tilespmem:v13+s10+$0x0], $0xffff;
	v61 =	vand.u32 $0x7F, v51;
	v60 =	vand.u32 $0x1FF80, v59;
	[tilespmem:s21+$0x14D20] =	vst v8  }
0x1e2: {  	v63 =	vshra.s32 v51, $0x10;
	v62 =	vor.u32 v61, v60;
	v23 =	vld.idx.msk [tilespmem:v23+s10+$0x0], $0xffff;
	[tilespmem:s23+$0x14A00] =	vst v20  }
0x1e3: {  	v15 =	vld.idx.msk [tilespmem:v15+s10+$0x0], $0xffff;
	v6 =	vadd.s32 v1, v63;
	[tilespmem:s21+$0x15D50] =	vst v50  }
0x1e4: {  	[tilespmem:s21+$0x16100] =	vst v10;
	v40 =	vld.idx.msk [tilespmem:v16+s10+$0x0], $0xffff  }
0x1e5: {  	s25 =	sshll.u32 s25, $0x3;
	v33 =	vshra.s32 v25, $0x10;
	v8 =	vadd.s32 v1, v48;
	[tilespmem:s21+$0x14D40] =	vst v3;
	v3 =	vld.idx.msk [tilespmem:v14+s10+$0x0], $0xffff  }
0x1e6: {  	v45 =	vadd.s32 v1, v42;
	v53 =	vand.u32 $0xFF80, v49;
	v35 =	vld.idx.msk [tilespmem:v27+s10+$0x0], $0xffff;
	s28 =	sand.u32 $0xC00, s25;
	v20 =	vadd.s32 v1, v33;
	[tilespmem:s21+$0x16110] =	vst v11  }
0x1e7: {  	v7 =	vadd.s32 v1, v53;
	v5 =	vld.idx.msk [tilespmem:v62+s10+$0x0], $0xffff;
	[tilespmem:s28+$0x14D30] =	vst v23;
	v16 =	vand.u32 $0x1FF80, v45  }
0x1e8: {  	v55 =	vand.u32 $0x7F, v49;
	v54 =	vand.u32 $0x1FF80, v7;
	[tilespmem:s21+$0x16120] =	vst v13;
	v6 =	vld.idx.msk [tilespmem:v6+s10+$0x0], $0xffff;
	v16 =	vor.u32 v47, v16  }
0x1e9: {  	v58 =	vshra.s32 v49, $0x10;
	v57 =	vor.u32 v55, v54;
	[tilespmem:s21+$0x16130] =	vst v15;
	v4 =	vld.idx.msk [tilespmem:v43+s10+$0x0], $0xffff  }
0x1ea: {  	s22 =	sand.u32 $0xC00, s22;
	s20 =	sshll.u32 s20, $0x3;
	v8 =	vld.idx.msk [tilespmem:v8+s10+$0x0], $0xffff;
	[tilespmem:s21+$0x15D60] =	vst v3;
	v3 =	vadd.s32 v1, v58  }
0x1eb: {  	s20 =	sand.u32 $0xF00, s20;
	v46 =	vld.idx.msk [tilespmem:v20+s10+$0x0], $0xffff;
	[tilespmem:s22+$0x14D50] =	vst v35  }
0x1ec: {  	[tilespmem:s20+$0x14A70] =	vst v5  }
0x1ed: {  	[tilespmem:s21+$0x16170] =	vst v6;
	v52 =	vld.idx.msk [tilespmem:v16+s10+$0x0], $0xffff  }
0x1ee: {  	[tilespmem:s21+$0x14D60] =	vst v4;
	v4 =	vld.idx.msk [tilespmem:v57+s10+$0x0], $0xffff  }
0x1ef: {  	p2 =	por p1, p1;
	[tilespmem:s21+$0x15D40] =	vst v40;
	v3 =	vld.idx.msk [tilespmem:v3+s10+$0x0], $0xffff  }
.Ltmp6:
0x1f0: {  	[tilespmem:s21+$0x15D70] =	vst v8;
	(pc) =	sbr.rel @p2 .LBB2_15-.Ltmp6, $4  }
0x1f1: {  	s22 =	sshll.u32 s31, $0x3;
	[tilespmem:s21+$0x16150] =	vst v46  }
0x1f2: {  	s22 =	sand.u32 $0x3FFFFF80, s22;
	[tilespmem:s21+$0x14D70] =	vst v52  }
0x1f3: {  	[tilespmem:s22+$0x14A60] =	vst v4  }
0x1f4: {  	p1 =	por $0x0, $0x0;
	[tilespmem:s21+$0x16160] =	vst v3;
	s21 =	simm.s32 $0x10  }
0x1f5: {  	(v2sf) =	vpush v0, $0x7;
	_ =	sdelay $0xe  }
0x1f6: {  	s20 =	spop (v2sf)  }
0x1f7: {  	s20 =	sshll.u32 s20, $0xB  }
0x1f8: {  	s20 =	sshra.s32 s20, $0x2  }
0x1f9: {  	v2 =	vmov s20  }
0x1fa: {  	s21 =	sor.u32 $0x1C0, s19  }
0x1fb: {  	p1 =	por $0x1, $0x1;
	v1 =	vmov s21;
	s21 =	simm.s32 $0x0  }
.LBB2_17:
0x1fc: {  	s20 =	sshll.u32 s21, $0x4  }
0x1fd: {  	s22 =	sand.u32 $0x3FFFFFF0, s20  }
0x1fe: {  	v3 =	vld.idx.msk [tilespmem:v2+s22+$0x0 ss:$0x1], $0xffff  }
0x1ff: {  	v4 =	vld.idx.msk [tilespmem:v2+s22+$0x10 ss:$0x1], $0xffff  }
0x200: {  	v5 =	vld.idx.msk [tilespmem:v2+s22+$0x20 ss:$0x1], $0xffff  }
0x201: {  	s23 =	sor.u32 $0x80, s20;
	v8 =	vld.idx.msk [tilespmem:v2+s22+$0x30 ss:$0x1], $0xffff  }
0x202: {  	s24 =	sor.u32 $0x90, s20;
	v11 =	vld.idx.msk [tilespmem:v2+s23+$0x0 ss:$0x1], $0xffff  }
0x203: {  	s25 =	sor.u32 $0xA0, s20;
	v12 =	vld.idx.msk [tilespmem:v2+s24+$0x0 ss:$0x1], $0xffff  }
0x204: {  	s26 =	sor.u32 $0xB0, s20;
	v13 =	vld.idx.msk [tilespmem:v2+s25+$0x0 ss:$0x1], $0xffff  }
0x205: {  	s28 =	sor.u32 $0xC0, s20;
	v15 =	vld.idx.msk [tilespmem:v2+s26+$0x0 ss:$0x1], $0xffff  }
0x206: {  	v16 =	vld.idx.msk [tilespmem:v2+s28+$0x0 ss:$0x1], $0xffff  }
0x207: {  	v17 =	vld.idx.msk [tilespmem:v2+s22+$0x40 ss:$0x1], $0xffff;
	v6 =	vand.u32 $0xFFFF, v3  }
0x208: {  	v18 =	vld.idx.msk [tilespmem:v2+s22+$0x50 ss:$0x1], $0xffff;
	v3 =	vshra.s32 v3, $0x10;
	v6 =	vadd.s32 v1, v6  }
0x209: {  	v20 =	vld.idx.msk [tilespmem:v2+s22+$0x60 ss:$0x1], $0xffff;
	s24 =	sshll.u32 s24, $0x3;
	v7 =	vand.u32 $0xFFFF, v4;
	v3 =	vadd.s32 v1, v3  }
0x20a: {  	v22 =	vld.idx.msk [tilespmem:v2+s22+$0x70 ss:$0x1], $0xffff;
	s22 =	sor.u32 $0xD0, s20;
	s31 =	sshll.u32 s25, $0x3;
	s30 =	sor.u32 $0x390, s24;
	v4 =	vshra.s32 v4, $0x10;
	v7 =	vadd.s32 v1, v7  }
0x20b: {  	v25 =	vld.idx.msk [tilespmem:v2+s22+$0x0 ss:$0x1], $0xffff;
	s24 =	sor.u32 $0x3A0, s31;
	s31 =	sor.u32 $0xE0, s20;
	s20 =	sor.u32 $0xF0, s20;
	v14 =	vand.u32 $0xFFFF, v11;
	v4 =	vadd.s32 v1, v4  }
0x20c: {  	v56 =	vld.idx.msk [tilespmem:v2+s20+$0x0 ss:$0x1], $0xffff;
	v19 =	vand.u32 $0xFFFF, v12;
	v14 =	vadd.s32 v1, v14  }
0x20d: {  	v21 =	vand.u32 $0xFFFF, v13;
	v19 =	vadd.s32 v1, v19;
	v6 =	vld.idx.msk [tilespmem:v6+s10+$0x0], $0xffff  }
0x20e: {  	v23 =	vand.u32 $0xFFFF, v15;
	v21 =	vadd.s32 v1, v21;
	v3 =	vld.idx.msk [tilespmem:v3+s10+$0x0], $0xffff  }
0x20f: {  	v9 =	vand.u32 $0xFFFF, v5;
	v23 =	vadd.s32 v1, v23;
	v7 =	vld.idx.msk [tilespmem:v7+s10+$0x0], $0xffff  }
0x210: {  	v11 =	vshra.s32 v11, $0x10;
	v9 =	vadd.s32 v1, v9;
	v4 =	vld.idx.msk [tilespmem:v4+s10+$0x0], $0xffff  }
0x211: {  	v12 =	vshra.s32 v12, $0x10;
	v11 =	vadd.s32 v1, v11;
	v14 =	vld.idx.msk [tilespmem:v14+s10+$0x0], $0xffff  }
0x212: {  	v13 =	vshra.s32 v13, $0x10;
	v12 =	vadd.s32 v1, v12;
	v19 =	vld.idx.msk [tilespmem:v19+s10+$0x0], $0xffff  }
0x213: {  	v15 =	vshra.s32 v15, $0x10;
	v13 =	vadd.s32 v1, v13;
	v21 =	vld.idx.msk [tilespmem:v21+s10+$0x0], $0xffff  }
0x214: {  	s23 =	sshll.u32 s23, $0x3;
	v5 =	vshra.s32 v5, $0x10;
	v15 =	vadd.s32 v1, v15;
	v23 =	vld.idx.msk [tilespmem:v23+s10+$0x0], $0xffff  }
0x215: {  	s23 =	sand.u32 $0x3FFFFF80, s23;
	v10 =	vand.u32 $0xFFFF, v8;
	v5 =	vadd.s32 v1, v5;
	v9 =	vld.idx.msk [tilespmem:v9+s10+$0x0], $0xffff  }
0x216: {  	v8 =	vshra.s32 v8, $0x10;
	v10 =	vadd.s32 v1, v10;
	v11 =	vld.idx.msk [tilespmem:v11+s10+$0x0], $0xffff;
	[tilespmem:s23+$0x14D80] =	vst v14  }
0x217: {  	s25 =	sshll.u32 s26, $0x3;
	v26 =	vand.u32 $0xFFFF, v17;
	v8 =	vadd.s32 v1, v8;
	v12 =	vld.idx.msk [tilespmem:v12+s10+$0x0], $0xffff;
	[tilespmem:s30+$0x14A00] =	vst v19  }
0x218: {  	s29 =	sshll.u32 s21, $0x7;
	s26 =	sor.u32 $0x3B0, s25;
	v17 =	vshra.s32 v17, $0x10;
	v39 =	vadd.s32 v1, v26;
	v13 =	vld.idx.msk [tilespmem:v13+s10+$0x0], $0xffff;
	[tilespmem:s24+$0x14A00] =	vst v21  }
0x219: {  	s21 =	sand.u32 $0x3FFFFF80, s29;
	v24 =	vand.u32 $0xFFFF, v16;
	v17 =	vadd.s32 v1, v17;
	v15 =	vld.idx.msk [tilespmem:v15+s10+$0x0], $0xffff;
	[tilespmem:s26+$0x14A00] =	vst v23  }
0x21a: {  	v24 =	vadd.s32 v1, v24;
	v5 =	vld.idx.msk [tilespmem:v5+s10+$0x0], $0xffff;
	[tilespmem:s21+$0x14D80] =	vst v6  }
0x21b: {  	v10 =	vld.idx.msk [tilespmem:v10+s10+$0x0], $0xffff;
	[tilespmem:s21+$0x15D80] =	vst v3  }
0x21c: {  	v16 =	vshra.s32 v16, $0x10;
	v8 =	vld.idx.msk [tilespmem:v8+s10+$0x0], $0xffff;
	[tilespmem:s21+$0x14D90] =	vst v7  }
0x21d: {  	v42 =	vand.u32 $0xFFFF, v18;
	v18 =	vshra.s32 v18, $0x10;
	v16 =	vadd.s32 v1, v16;
	v44 =	vld.idx.msk [tilespmem:v39+s10+$0x0], $0xffff;
	[tilespmem:s21+$0x15D90] =	vst v4  }
0x21e: {  	v40 =	vand.u32 $0xFFFF, v25;
	v18 =	vadd.s32 v1, v18;
	v47 =	vld.idx.msk [tilespmem:v17+s10+$0x0], $0xffff;
	[tilespmem:s21+$0x14DA0] =	vst v9  }
0x21f: {  	v45 =	vand.u32 $0xFFFF, v20;
	v41 =	vadd.s32 v1, v40;
	v24 =	vld.idx.msk [tilespmem:v24+s10+$0x0], $0xffff;
	[tilespmem:s21+$0x15DA0] =	vst v5  }
0x220: {  	v60 =	vand.u32 $0xFFFF, v56;
	v3 =	vadd.s32 v1, v45;
	[tilespmem:s21+$0x14DB0] =	vst v10  }
0x221: {  	v54 =	vld.idx.msk [tilespmem:v2+s31+$0x0 ss:$0x1], $0xffff;
	v48 =	vshra.s32 v20, $0x10;
	v61 =	vadd.s32 v1, v60;
	[tilespmem:s21+$0x15DB0] =	vst v8  }
0x222: {  	s28 =	sshll.u32 s28, $0x3;
	v51 =	vand.u32 $0xFFFF, v22;
	v16 =	vld.idx.msk [tilespmem:v16+s10+$0x0], $0xffff;
	v17 =	vadd.s32 v1, v48;
	[tilespmem:s21+$0x14DC0] =	vst v44  }
0x223: {  	v50 =	vld.idx.msk [tilespmem:v18+s10+$0x0], $0xffff;
	v18 =	vadd.s32 v1, v51;
	s30 =	sor.u32 $0x3C0, s28;
	[tilespmem:s21+$0x15DC0] =	vst v47  }
0x224: {  	v52 =	vshra.s32 v22, $0x10;
	v46 =	vld.idx.msk [tilespmem:v41+s10+$0x0], $0xffff;
	v21 =	vadd.s32 v1, v42;
	[tilespmem:s30+$0x14A00] =	vst v24  }
0x225: {  	v43 =	vshra.s32 v25, $0x10;
	v5 =	vadd.s32 v1, v52;
	[tilespmem:s21+$0x16180] =	vst v11;
	v3 =	vld.idx.msk [tilespmem:v3+s10+$0x0], $0xffff  }
0x226: {  	v63 =	vld.idx.msk [tilespmem:v61+s10+$0x0], $0xffff;
	v23 =	vadd.s32 v1, v43;
	[tilespmem:s21+$0x16190] =	vst v12  }
0x227: {  	v55 =	vld.idx.msk [tilespmem:v17+s10+$0x0], $0xffff;
	[tilespmem:s21+$0x161A0] =	vst v13  }
0x228: {  	v57 =	vld.idx.msk [tilespmem:v18+s10+$0x0], $0xffff;
	v6 =	vshra.s32 v56, $0x10;
	[tilespmem:s21+$0x161B0] =	vst v15  }
0x229: {  	s22 =	sshll.u32 s22, $0x3;
	v59 =	vand.u32 $0xFFFF, v54;
	v62 =	vadd.s32 v1, v6;
	[tilespmem:s21+$0x161C0] =	vst v16;
	v49 =	vld.idx.msk [tilespmem:v21+s10+$0x0], $0xffff  }
0x22a: {  	s22 =	sor.u32 $0x3D0, s22;
	v58 =	vld.idx.msk [tilespmem:v5+s10+$0x0], $0xffff;
	v5 =	vadd.s32 v1, v59;
	[tilespmem:s21+$0x14DE0] =	vst v3;
	v3 =	vshra.s32 v54, $0x10  }
0x22b: {  	v53 =	vld.idx.msk [tilespmem:v23+s10+$0x0], $0xffff;
	[tilespmem:s22+$0x14A00] =	vst v46;
	v3 =	vadd.s32 v1, v3  }
0x22c: {  	[tilespmem:s21+$0x15DD0] =	vst v50  }
0x22d: {  	s20 =	sshll.u32 s20, $0x3;
	[tilespmem:s21+$0x15DE0] =	vst v55  }
0x22e: {  	s20 =	sand.u32 $0x3FFFFF80, s20;
	[tilespmem:s21+$0x14DF0] =	vst v57;
	v4 =	vld.idx.msk [tilespmem:v62+s10+$0x0], $0xffff  }
0x22f: {  	[tilespmem:s20+$0x14A70] =	vst v63;
	v5 =	vld.idx.msk [tilespmem:v5+s10+$0x0], $0xffff  }
0x230: {  	p2 =	por p1, p1;
	[tilespmem:s21+$0x14DD0] =	vst v49;
	v3 =	vld.idx.msk [tilespmem:v3+s10+$0x0], $0xffff  }
.Ltmp7:
0x231: {  	[tilespmem:s21+$0x15DF0] =	vst v58;
	(pc) =	sbr.rel @p2 .LBB2_17-.Ltmp7, $4  }
0x232: {  	s22 =	sshll.u32 s31, $0x3;
	[tilespmem:s21+$0x161D0] =	vst v53  }
0x233: {  	s22 =	sor.u32 $0x3E0, s22;
	[tilespmem:s21+$0x161F0] =	vst v4  }
0x234: {  	[tilespmem:s22+$0x14A00] =	vst v5  }
0x235: {  	p1 =	por $0x0, $0x0;
	[tilespmem:s21+$0x161E0] =	vst v3;
	s21 =	simm.s32 $0x10  }
0x236: {  	s20 =	sshll.u32 s18, $0xB  }
0x237: {  	s20 =	sadd.s32 s7, s20  }
0x238: {  	s21 =	sadd.s32 s2, s20  }
0x239: {  	[hbm4b:s21+s3] =	stream.linear.scatter [tilespmem:s13], [sflag:$0x1], $0x2000, $0x38;
	[tilespmem:$0x18A00] =	vst v63  }
0x23a: {  	s21 =	simm.s32 @!p0 $0x2  }
0x23b: {  	_ =	swait.ge @!p0 [sflag:s21], $0x2000  }
0x23c: {  	(v2sf) =	vpush v0, $0x8;
	_ =	sdelay $0xe  }
0x23d: {  	s22 =	spop (v2sf)  }
0x23e: {  	s22 =	sshll.u32 s22, $0xB  }
0x23f: {  	s24 =	sshra.s32 s22, $0x2  }
0x240: {  	v2 =	vmov s24  }
0x241: {  	s23 =	sor.u32 $0x200, s19;
	[sflag:s21] =	ssyncset.done @!p0 $0x0  }
0x242: {  	v1 =	vmov s23;
	[sflag:s21] =	ssyncadd.s32 @!p0 $0xFFFFE000;
	p0 =	por $0x1, $0x1;
	s22 =	simm.s32 $0x0  }
.LBB2_19:
0x243: {  	s21 =	sshll.u32 s22, $0x4  }
0x244: {  	s23 =	sand.u32 $0x3FFFFFF0, s21  }
0x245: {  	v3 =	vld.idx.msk [tilespmem:v2+s23+$0x0 ss:$0x1], $0xffff  }
0x246: {  	v4 =	vld.idx.msk [tilespmem:v2+s23+$0x10 ss:$0x1], $0xffff  }
0x247: {  	v51 =	vld.idx.msk [tilespmem:v2+s23+$0x20 ss:$0x1], $0xffff  }
0x248: {  	s29 =	sor.u32 $0x80, s21;
	v9 =	vld.idx.msk [tilespmem:v2+s23+$0x30 ss:$0x1], $0xffff  }
0x249: {  	s28 =	sor.u32 $0x90, s21;
	v53 =	vld.idx.msk [tilespmem:v2+s29+$0x0 ss:$0x1], $0xffff  }
0x24a: {  	s24 =	sor.u32 $0xA0, s21;
	v11 =	vld.idx.msk [tilespmem:v2+s28+$0x0 ss:$0x1], $0xffff  }
0x24b: {  	s26 =	sor.u32 $0xB0, s21;
	v13 =	vld.idx.msk [tilespmem:v2+s24+$0x0 ss:$0x1], $0xffff  }
0x24c: {  	s25 =	sor.u32 $0xC0, s21;
	v55 =	vld.idx.msk [tilespmem:v2+s26+$0x0 ss:$0x1], $0xffff  }
0x24d: {  	v18 =	vld.idx.msk [tilespmem:v2+s25+$0x0 ss:$0x1], $0xffff;
	v5 =	vand.u32 $0xFF80, v3;
	v6 =	vand.u32 $0x7F, v3;
	v3 =	vshra.s32 v3, $0x10  }
0x24e: {  	v7 =	vand.u32 $0xFF80, v4;
	v8 =	vand.u32 $0x7F, v4;
	v4 =	vshra.s32 v4, $0x10  }
0x24f: {  	v52 =	vand.u32 $0xFF80, v51;
	v10 =	vand.u32 $0x7F, v51;
	v12 =	vand.u32 $0xFF80, v9  }
0x250: {  	v14 =	vand.u32 $0x7F, v9;
	v15 =	vand.u32 $0xFF80, v53;
	v16 =	vand.u32 $0x7F, v53  }
0x251: {  	v17 =	vand.u32 $0xFF80, v11;
	v20 =	vand.u32 $0x7F, v11;
	v21 =	vand.u32 $0xFF80, v13  }
0x252: {  	v23 =	vand.u32 $0x7F, v13;
	v24 =	vand.u32 $0xFF80, v55;
	v61 =	vand.u32 $0xFF80, v18  }
0x253: {  	v62 =	vand.u32 $0x7F, v18;
	v11 =	vshra.s32 v11, $0x10;
	v13 =	vshra.s32 v13, $0x10  }
0x254: {  	v19 =	vld.idx.msk [tilespmem:v2+s23+$0x40 ss:$0x1], $0xffff;
	v18 =	vshra.s32 v18, $0x10;
	v5 =	vadd.s32 v1, v5;
	v3 =	vadd.s32 v1, v3  }
0x255: {  	v57 =	vld.idx.msk [tilespmem:v2+s23+$0x50 ss:$0x1], $0xffff;
	v7 =	vadd.s32 v1, v7;
	v4 =	vadd.s32 v1, v4;
	v12 =	vadd.s32 v1, v12  }
0x256: {  	v22 =	vld.idx.msk [tilespmem:v2+s23+$0x60 ss:$0x1], $0xffff;
	v54 =	vadd.s32 v1, v15;
	v56 =	vadd.s32 v1, v17;
	v60 =	vadd.s32 v1, v24  }
0x257: {  	s31 =	sor.u32 $0xD0, s21;
	v59 =	vld.idx.msk [tilespmem:v2+s23+$0x70 ss:$0x1], $0xffff;
	v24 =	vadd.s32 v1, v61;
	v11 =	vadd.s32 v1, v11;
	v13 =	vadd.s32 v1, v13  }
0x258: {  	v25 =	vld.idx.msk [tilespmem:v2+s31+$0x0 ss:$0x1], $0xffff;
	s23 =	sshll.u32 s31, $0x3;
	s31 =	sor.u32 $0xE0, s21;
	s21 =	sor.u32 $0xF0, s21;
	v18 =	vadd.s32 v1, v18;
	v5 =	vand.u32 $0x1FF80, v5;
	v12 =	vand.u32 $0x1FF80, v12  }
0x259: {  	v24 =	vand.u32 $0x1FF80, v24;
	v5 =	vor.u32 v6, v5;
	v6 =	vshra.s32 v51, $0x10;
	v51 =	vld.idx.msk [tilespmem:v2+s21+$0x0 ss:$0x1], $0xffff  }
0x25a: {  	v12 =	vor.u32 v14, v12;
	v14 =	vand.u32 $0x1FF80, v54;
	v24 =	vor.u32 v62, v24;
	v3 =	vld.idx.msk [tilespmem:v3+s10+$0x0], $0xffff  }
0x25b: {  	v58 =	vadd.s32 v1, v21;
	v14 =	vor.u32 v16, v14;
	v16 =	vand.u32 $0x1FF80, v56;
	v4 =	vld.idx.msk [tilespmem:v4+s10+$0x0], $0xffff  }
0x25c: {  	v7 =	vand.u32 $0x1FF80, v7;
	v16 =	vor.u32 v20, v16;
	v20 =	vand.u32 $0x1FF80, v58;
	v11 =	vld.idx.msk [tilespmem:v11+s10+$0x0], $0xffff  }
0x25d: {  	v7 =	vor.u32 v8, v7;
	v8 =	vadd.s32 v1, v52;
	v20 =	vor.u32 v23, v20;
	v13 =	vld.idx.msk [tilespmem:v13+s10+$0x0], $0xffff  }
0x25e: {  	v8 =	vand.u32 $0x1FF80, v8;
	v18 =	vld.idx.msk [tilespmem:v18+s10+$0x0], $0xffff  }
0x25f: {  	v8 =	vor.u32 v10, v8;
	v10 =	vshra.s32 v53, $0x10;
	v24 =	vld.idx.msk [tilespmem:v24+s10+$0x0], $0xffff  }
0x260: {  	v9 =	vshra.s32 v9, $0x10;
	v10 =	vadd.s32 v1, v10;
	v14 =	vld.idx.msk [tilespmem:v14+s10+$0x0], $0xffff  }
0x261: {  	v9 =	vadd.s32 v1, v9;
	v16 =	vld.idx.msk [tilespmem:v16+s10+$0x0], $0xffff  }
0x262: {  	s25 =	sshll.u32 s25, $0x3;
	v26 =	vand.u32 $0x7F, v55;
	v20 =	vld.idx.msk [tilespmem:v20+s10+$0x0], $0xffff  }
0x263: {  	s29 =	sshll.u32 s29, $0x3;
	s30 =	sand.u32 $0xC00, s25;
	v63 =	vand.u32 $0xFF80, v19;
	v32 =	vand.u32 $0xFF80, v57;
	v6 =	vadd.s32 v1, v6;
	v5 =	vld.idx.msk [tilespmem:v5+s10+$0x0], $0xffff  }
0x264: {  	s28 =	sshll.u32 s28, $0x3;
	s29 =	sand.u32 $0x3FFFFF80, s29;
	v30 =	vand.u32 $0x7F, v19;
	v31 =	vshra.s32 v19, $0x10;
	v19 =	vadd.s32 v1, v32;
	v7 =	vld.idx.msk [tilespmem:v7+s10+$0x0], $0xffff;
	[tilespmem:s30+$0x16A40] =	vst v24  }
0x265: {  	s24 =	sshll.u32 s24, $0x3;
	s28 =	sand.u32 $0xC00, s28;
	v34 =	vand.u32 $0x7F, v57;
	v37 =	vshra.s32 v57, $0x10;
	v19 =	vand.u32 $0x1FF80, v19;
	v10 =	vld.idx.msk [tilespmem:v10+s10+$0x0], $0xffff;
	[tilespmem:s29+$0x16A00] =	vst v14  }
0x266: {  	s24 =	sand.u32 $0xC00, s24;
	v19 =	vor.u32 v34, v19;
	v23 =	vand.u32 $0x1FF80, v60;
	v36 =	vld.idx.msk [tilespmem:v9+s10+$0x0], $0xffff;
	v9 =	vadd.s32 v1, v37;
	s29 =	sshll.u32 s22, $0x7;
	[tilespmem:s28+$0x16A10] =	vst v16  }
0x267: {  	v23 =	vor.u32 v26, v23;
	v26 =	vadd.s32 v1, v63;
	v8 =	vld.idx.msk [tilespmem:v8+s10+$0x0], $0xffff;
	s22 =	sand.u32 $0x3FFFFF80, s29;
	[tilespmem:s24+$0x16A20] =	vst v20  }
0x268: {  	v29 =	vand.u32 $0x1FF80, v26;
	v6 =	vld.idx.msk [tilespmem:v6+s10+$0x0], $0xffff;
	[tilespmem:s22+$0x16A00] =	vst v5  }
0x269: {  	v27 =	vand.u32 $0xFF80, v25;
	v12 =	vld.idx.msk [tilespmem:v12+s10+$0x0], $0xffff;
	v14 =	vor.u32 v30, v29;
	[tilespmem:s22+$0x17A00] =	vst v3  }
0x26a: {  	v28 =	vand.u32 $0x7F, v25;
	v38 =	vand.u32 $0xFF80, v22;
	v41 =	vand.u32 $0x7F, v22;
	[tilespmem:s22+$0x16A10] =	vst v7  }
0x26b: {  	v42 =	vand.u32 $0xFF80, v59;
	v44 =	vshra.s32 v22, $0x10;
	v47 =	vand.u32 $0x7F, v59;
	v19 =	vld.idx.msk [tilespmem:v19+s10+$0x0], $0xffff;
	[tilespmem:s22+$0x17A10] =	vst v4  }
0x26c: {  	v48 =	vshra.s32 v59, $0x10;
	v15 =	vshra.s32 v55, $0x10;
	v27 =	vadd.s32 v1, v27;
	v50 =	vld.idx.msk [tilespmem:v9+s10+$0x0], $0xffff;
	[tilespmem:s22+$0x16A20] =	vst v8  }
0x26d: {  	v39 =	vadd.s32 v1, v38;
	v15 =	vadd.s32 v1, v15;
	v27 =	vand.u32 $0x1FF80, v27;
	[tilespmem:s22+$0x17A20] =	vst v6  }
0x26e: {  	v56 =	vand.u32 $0xFF80, v51;
	v16 =	vadd.s32 v1, v31;
	[tilespmem:s22+$0x16A30] =	vst v12;
	v3 =	vld.idx.msk [tilespmem:v14+s10+$0x0], $0xffff;
	v14 =	vand.u32 $0x1FF80, v39  }
0x26f: {  	v59 =	vadd.s32 v1, v56;
	[tilespmem:s22+$0x17A30] =	vst v36;
	v43 =	vor.u32 v41, v14;
	v14 =	vadd.s32 v1, v44  }
0x270: {  	v49 =	vld.idx.msk [tilespmem:v2+s31+$0x0 ss:$0x1], $0xffff;
	v27 =	vor.u32 v28, v27;
	v61 =	vand.u32 $0x7F, v51;
	v60 =	vand.u32 $0x1FF80, v59;
	[tilespmem:s22+$0x16A50] =	vst v19  }
0x271: {  	v62 =	vor.u32 v61, v60;
	v23 =	vld.idx.msk [tilespmem:v23+s10+$0x0], $0xffff;
	[tilespmem:s22+$0x17A50] =	vst v50  }
0x272: {  	v15 =	vld.idx.msk [tilespmem:v15+s10+$0x0], $0xffff;
	[tilespmem:s22+$0x17E00] =	vst v10  }
0x273: {  	[tilespmem:s22+$0x17E10] =	vst v11;
	v40 =	vld.idx.msk [tilespmem:v16+s10+$0x0], $0xffff  }
0x274: {  	s26 =	sshll.u32 s26, $0x3;
	v33 =	vshra.s32 v25, $0x10;
	v45 =	vadd.s32 v1, v42;
	v8 =	vadd.s32 v1, v48;
	[tilespmem:s22+$0x16A40] =	vst v3;
	v3 =	vld.idx.msk [tilespmem:v14+s10+$0x0], $0xffff  }
0x275: {  	v53 =	vand.u32 $0xFF80, v49;
	v35 =	vld.idx.msk [tilespmem:v27+s10+$0x0], $0xffff;
	v63 =	vshra.s32 v51, $0x10;
	s28 =	sand.u32 $0xC00, s26;
	v20 =	vadd.s32 v1, v33;
	[tilespmem:s22+$0x17E40] =	vst v18  }
0x276: {  	v7 =	vadd.s32 v1, v53;
	v6 =	vadd.s32 v1, v63;
	v5 =	vld.idx.msk [tilespmem:v62+s10+$0x0], $0xffff;
	[tilespmem:s28+$0x16A30] =	vst v23;
	v16 =	vand.u32 $0x1FF80, v45  }
0x277: {  	v55 =	vand.u32 $0x7F, v49;
	v54 =	vand.u32 $0x1FF80, v7;
	[tilespmem:s22+$0x17E20] =	vst v13;
	v16 =	vor.u32 v47, v16  }
0x278: {  	v58 =	vshra.s32 v49, $0x10;
	v57 =	vor.u32 v55, v54;
	[tilespmem:s22+$0x17E30] =	vst v15;
	v4 =	vld.idx.msk [tilespmem:v43+s10+$0x0], $0xffff  }
0x279: {  	s23 =	sand.u32 $0xC00, s23;
	s21 =	sshll.u32 s21, $0x3;
	v8 =	vld.idx.msk [tilespmem:v8+s10+$0x0], $0xffff;
	[tilespmem:s22+$0x17A60] =	vst v3;
	v3 =	vadd.s32 v1, v58  }
0x27a: {  	s21 =	sand.u32 $0xC00, s21;
	v46 =	vld.idx.msk [tilespmem:v20+s10+$0x0], $0xffff;
	[tilespmem:s23+$0x16A50] =	vst v35  }
0x27b: {  	v6 =	vld.idx.msk [tilespmem:v6+s10+$0x0], $0xffff;
	[tilespmem:s21+$0x16A70] =	vst v5  }
0x27c: {  	[tilespmem:s22+$0x17A40] =	vst v40;
	v52 =	vld.idx.msk [tilespmem:v16+s10+$0x0], $0xffff  }
0x27d: {  	[tilespmem:s22+$0x16A60] =	vst v4;
	v4 =	vld.idx.msk [tilespmem:v57+s10+$0x0], $0xffff  }
0x27e: {  	p1 =	por p0, p0;
	[tilespmem:s22+$0x17A70] =	vst v8;
	v3 =	vld.idx.msk [tilespmem:v3+s10+$0x0], $0xffff  }
.Ltmp8:
0x27f: {  	[tilespmem:s22+$0x17E50] =	vst v46;
	(pc) =	sbr.rel @p1 .LBB2_19-.Ltmp8, $4  }
0x280: {  	s23 =	sshll.u32 s31, $0x3;
	[tilespmem:s22+$0x17E70] =	vst v6  }
0x281: {  	s23 =	sand.u32 $0xC00, s23;
	[tilespmem:s22+$0x16A70] =	vst v52  }
0x282: {  	[tilespmem:s23+$0x16A60] =	vst v4  }
0x283: {  	p0 =	por $0x0, $0x0;
	[tilespmem:s22+$0x17E60] =	vst v3;
	s22 =	simm.s32 $0x10  }
0x284: {  	(v2sf) =	vpush v0, $0x9;
	_ =	sdelay $0xe  }
0x285: {  	s21 =	spop (v2sf)  }
0x286: {  	s21 =	sshll.u32 s21, $0xB  }
0x287: {  	s21 =	sshra.s32 s21, $0x2  }
0x288: {  	v2 =	vmov s21  }
0x289: {  	s22 =	sor.u32 $0x240, s19  }
0x28a: {  	p0 =	por $0x1, $0x1;
	v1 =	vmov s22;
	s22 =	simm.s32 $0x0  }
.LBB2_21:
0x28b: {  	s21 =	sshll.u32 s22, $0x4  }
0x28c: {  	s23 =	sand.u32 $0x3FFFFFF0, s21  }
0x28d: {  	v3 =	vld.idx.msk [tilespmem:v2+s23+$0x0 ss:$0x1], $0xffff  }
0x28e: {  	v4 =	vld.idx.msk [tilespmem:v2+s23+$0x10 ss:$0x1], $0xffff  }
0x28f: {  	v5 =	vld.idx.msk [tilespmem:v2+s23+$0x20 ss:$0x1], $0xffff  }
0x290: {  	s24 =	sor.u32 $0x80, s21;
	v8 =	vld.idx.msk [tilespmem:v2+s23+$0x30 ss:$0x1], $0xffff  }
0x291: {  	s25 =	sor.u32 $0x90, s21;
	v11 =	vld.idx.msk [tilespmem:v2+s24+$0x0 ss:$0x1], $0xffff  }
0x292: {  	s26 =	sor.u32 $0xA0, s21;
	v12 =	vld.idx.msk [tilespmem:v2+s25+$0x0 ss:$0x1], $0xffff  }
0x293: {  	s28 =	sor.u32 $0xB0, s21;
	v13 =	vld.idx.msk [tilespmem:v2+s26+$0x0 ss:$0x1], $0xffff  }
0x294: {  	s29 =	sor.u32 $0xC0, s21;
	v15 =	vld.idx.msk [tilespmem:v2+s28+$0x0 ss:$0x1], $0xffff  }
0x295: {  	v16 =	vld.idx.msk [tilespmem:v2+s29+$0x0 ss:$0x1], $0xffff  }
0x296: {  	v17 =	vld.idx.msk [tilespmem:v2+s23+$0x40 ss:$0x1], $0xffff;
	v6 =	vand.u32 $0xFFFF, v3  }
0x297: {  	v18 =	vld.idx.msk [tilespmem:v2+s23+$0x50 ss:$0x1], $0xffff;
	v3 =	vshra.s32 v3, $0x10;
	v6 =	vadd.s32 v1, v6  }
0x298: {  	v20 =	vld.idx.msk [tilespmem:v2+s23+$0x60 ss:$0x1], $0xffff;
	s26 =	sshll.u32 s26, $0x3;
	v7 =	vand.u32 $0xFFFF, v4;
	v3 =	vadd.s32 v1, v3  }
0x299: {  	v22 =	vld.idx.msk [tilespmem:v2+s23+$0x70 ss:$0x1], $0xffff;
	s23 =	sor.u32 $0xD0, s21;
	s31 =	sshll.u32 s28, $0x3;
	s30 =	sand.u32 $0xC00, s26;
	v4 =	vshra.s32 v4, $0x10;
	v7 =	vadd.s32 v1, v7  }
0x29a: {  	v25 =	vld.idx.msk [tilespmem:v2+s23+$0x0 ss:$0x1], $0xffff;
	s26 =	sand.u32 $0xC80, s31;
	s31 =	sor.u32 $0xE0, s21;
	s21 =	sor.u32 $0xF0, s21;
	v14 =	vand.u32 $0xFFFF, v11;
	v4 =	vadd.s32 v1, v4  }
0x29b: {  	v56 =	vld.idx.msk [tilespmem:v2+s21+$0x0 ss:$0x1], $0xffff;
	v19 =	vand.u32 $0xFFFF, v12;
	v14 =	vadd.s32 v1, v14  }
0x29c: {  	v21 =	vand.u32 $0xFFFF, v13;
	v19 =	vadd.s32 v1, v19;
	v6 =	vld.idx.msk [tilespmem:v6+s10+$0x0], $0xffff  }
0x29d: {  	v23 =	vand.u32 $0xFFFF, v15;
	v21 =	vadd.s32 v1, v21;
	v3 =	vld.idx.msk [tilespmem:v3+s10+$0x0], $0xffff  }
0x29e: {  	v9 =	vand.u32 $0xFFFF, v5;
	v23 =	vadd.s32 v1, v23;
	v7 =	vld.idx.msk [tilespmem:v7+s10+$0x0], $0xffff  }
0x29f: {  	v11 =	vshra.s32 v11, $0x10;
	v9 =	vadd.s32 v1, v9;
	v4 =	vld.idx.msk [tilespmem:v4+s10+$0x0], $0xffff  }
0x2a0: {  	v12 =	vshra.s32 v12, $0x10;
	v11 =	vadd.s32 v1, v11;
	v14 =	vld.idx.msk [tilespmem:v14+s10+$0x0], $0xffff  }
0x2a1: {  	v13 =	vshra.s32 v13, $0x10;
	v12 =	vadd.s32 v1, v12;
	v19 =	vld.idx.msk [tilespmem:v19+s10+$0x0], $0xffff  }
0x2a2: {  	v15 =	vshra.s32 v15, $0x10;
	v13 =	vadd.s32 v1, v13;
	v21 =	vld.idx.msk [tilespmem:v21+s10+$0x0], $0xffff  }
0x2a3: {  	s24 =	sshll.u32 s24, $0x3;
	v5 =	vshra.s32 v5, $0x10;
	v15 =	vadd.s32 v1, v15;
	v23 =	vld.idx.msk [tilespmem:v23+s10+$0x0], $0xffff  }
0x2a4: {  	s25 =	sshll.u32 s25, $0x3;
	s24 =	sand.u32 $0x3FFFFF80, s24;
	v10 =	vand.u32 $0xFFFF, v8;
	v5 =	vadd.s32 v1, v5;
	v9 =	vld.idx.msk [tilespmem:v9+s10+$0x0], $0xffff  }
0x2a5: {  	s25 =	sand.u32 $0x3FFFFF80, s25;
	v8 =	vshra.s32 v8, $0x10;
	v10 =	vadd.s32 v1, v10;
	v11 =	vld.idx.msk [tilespmem:v11+s10+$0x0], $0xffff;
	[tilespmem:s24+$0x16A80] =	vst v14  }
0x2a6: {  	v26 =	vand.u32 $0xFFFF, v17;
	v8 =	vadd.s32 v1, v8;
	v12 =	vld.idx.msk [tilespmem:v12+s10+$0x0], $0xffff;
	[tilespmem:s25+$0x16A10] =	vst v19  }
0x2a7: {  	s28 =	sshll.u32 s29, $0x3;
	s29 =	sshll.u32 s22, $0x7;
	v17 =	vshra.s32 v17, $0x10;
	v39 =	vadd.s32 v1, v26;
	v13 =	vld.idx.msk [tilespmem:v13+s10+$0x0], $0xffff;
	[tilespmem:s30+$0x16AA0] =	vst v21  }
0x2a8: {  	s22 =	sand.u32 $0x3FFFFF80, s29;
	v24 =	vand.u32 $0xFFFF, v16;
	v17 =	vadd.s32 v1, v17;
	v15 =	vld.idx.msk [tilespmem:v15+s10+$0x0], $0xffff;
	[tilespmem:s26+$0x16A30] =	vst v23  }
0x2a9: {  	v24 =	vadd.s32 v1, v24;
	v5 =	vld.idx.msk [tilespmem:v5+s10+$0x0], $0xffff;
	[tilespmem:s22+$0x16A80] =	vst v6  }
0x2aa: {  	v10 =	vld.idx.msk [tilespmem:v10+s10+$0x0], $0xffff;
	[tilespmem:s22+$0x17A80] =	vst v3  }
0x2ab: {  	v16 =	vshra.s32 v16, $0x10;
	v8 =	vld.idx.msk [tilespmem:v8+s10+$0x0], $0xffff;
	[tilespmem:s22+$0x16A90] =	vst v7  }
0x2ac: {  	v42 =	vand.u32 $0xFFFF, v18;
	v18 =	vshra.s32 v18, $0x10;
	v16 =	vadd.s32 v1, v16;
	v44 =	vld.idx.msk [tilespmem:v39+s10+$0x0], $0xffff;
	[tilespmem:s22+$0x17A90] =	vst v4  }
0x2ad: {  	v40 =	vand.u32 $0xFFFF, v25;
	v18 =	vadd.s32 v1, v18;
	v47 =	vld.idx.msk [tilespmem:v17+s10+$0x0], $0xffff;
	[tilespmem:s22+$0x16AA0] =	vst v9  }
0x2ae: {  	v45 =	vand.u32 $0xFFFF, v20;
	v41 =	vadd.s32 v1, v40;
	v24 =	vld.idx.msk [tilespmem:v24+s10+$0x0], $0xffff;
	[tilespmem:s22+$0x17AA0] =	vst v5  }
0x2af: {  	v60 =	vand.u32 $0xFFFF, v56;
	v3 =	vadd.s32 v1, v45;
	[tilespmem:s22+$0x16AB0] =	vst v10  }
0x2b0: {  	v54 =	vld.idx.msk [tilespmem:v2+s31+$0x0 ss:$0x1], $0xffff;
	v48 =	vshra.s32 v20, $0x10;
	v61 =	vadd.s32 v1, v60;
	[tilespmem:s22+$0x17AB0] =	vst v8  }
0x2b1: {  	v51 =	vand.u32 $0xFFFF, v22;
	v16 =	vld.idx.msk [tilespmem:v16+s10+$0x0], $0xffff;
	v17 =	vadd.s32 v1, v48;
	[tilespmem:s22+$0x16AC0] =	vst v44  }
0x2b2: {  	v50 =	vld.idx.msk [tilespmem:v18+s10+$0x0], $0xffff;
	v18 =	vadd.s32 v1, v51;
	s30 =	sand.u32 $0xC00, s28;
	[tilespmem:s22+$0x17AC0] =	vst v47  }
0x2b3: {  	v52 =	vshra.s32 v22, $0x10;
	v46 =	vld.idx.msk [tilespmem:v41+s10+$0x0], $0xffff;
	v21 =	vadd.s32 v1, v42;
	[tilespmem:s30+$0x16AC0] =	vst v24  }
0x2b4: {  	v43 =	vshra.s32 v25, $0x10;
	v5 =	vadd.s32 v1, v52;
	[tilespmem:s22+$0x17E80] =	vst v11;
	v3 =	vld.idx.msk [tilespmem:v3+s10+$0x0], $0xffff  }
0x2b5: {  	v63 =	vld.idx.msk [tilespmem:v61+s10+$0x0], $0xffff;
	v23 =	vadd.s32 v1, v43;
	[tilespmem:s22+$0x17E90] =	vst v12  }
0x2b6: {  	v55 =	vld.idx.msk [tilespmem:v17+s10+$0x0], $0xffff;
	[tilespmem:s22+$0x17EA0] =	vst v13  }
0x2b7: {  	v57 =	vld.idx.msk [tilespmem:v18+s10+$0x0], $0xffff;
	v6 =	vshra.s32 v56, $0x10;
	[tilespmem:s22+$0x17EB0] =	vst v15  }
0x2b8: {  	s23 =	sshll.u32 s23, $0x3;
	v59 =	vand.u32 $0xFFFF, v54;
	v62 =	vadd.s32 v1, v6;
	[tilespmem:s22+$0x17EC0] =	vst v16;
	v49 =	vld.idx.msk [tilespmem:v21+s10+$0x0], $0xffff  }
0x2b9: {  	s23 =	sand.u32 $0xC80, s23;
	v58 =	vld.idx.msk [tilespmem:v5+s10+$0x0], $0xffff;
	v5 =	vadd.s32 v1, v59;
	[tilespmem:s22+$0x16AE0] =	vst v3;
	v3 =	vshra.s32 v54, $0x10  }
0x2ba: {  	v53 =	vld.idx.msk [tilespmem:v23+s10+$0x0], $0xffff;
	[tilespmem:s23+$0x16A50] =	vst v46;
	v3 =	vadd.s32 v1, v3  }
0x2bb: {  	[tilespmem:s22+$0x17AD0] =	vst v50  }
0x2bc: {  	s21 =	sshll.u32 s21, $0x3;
	[tilespmem:s22+$0x17AE0] =	vst v55  }
0x2bd: {  	s21 =	sand.u32 $0xC80, s21;
	[tilespmem:s22+$0x16AF0] =	vst v57;
	v4 =	vld.idx.msk [tilespmem:v62+s10+$0x0], $0xffff  }
0x2be: {  	[tilespmem:s21+$0x16A70] =	vst v63;
	v5 =	vld.idx.msk [tilespmem:v5+s10+$0x0], $0xffff  }
0x2bf: {  	p1 =	por p0, p0;
	[tilespmem:s22+$0x16AD0] =	vst v49;
	v3 =	vld.idx.msk [tilespmem:v3+s10+$0x0], $0xffff  }
.Ltmp9:
0x2c0: {  	[tilespmem:s22+$0x17AF0] =	vst v58;
	(pc) =	sbr.rel @p1 .LBB2_21-.Ltmp9, $4  }
0x2c1: {  	s23 =	sshll.u32 s31, $0x3;
	[tilespmem:s22+$0x17ED0] =	vst v53  }
0x2c2: {  	s23 =	sand.u32 $0xC00, s23;
	[tilespmem:s22+$0x17EF0] =	vst v4  }
0x2c3: {  	[tilespmem:s23+$0x16AE0] =	vst v5  }
0x2c4: {  	p0 =	por $0x0, $0x0;
	[tilespmem:s22+$0x17EE0] =	vst v3;
	s22 =	simm.s32 $0x10  }
0x2c5: {  	(v2sf) =	vpush v0, $0xA;
	_ =	sdelay $0xe  }
0x2c6: {  	s21 =	spop (v2sf)  }
0x2c7: {  	s21 =	sshll.u32 s21, $0xB  }
0x2c8: {  	s21 =	sshra.s32 s21, $0x2  }
0x2c9: {  	v2 =	vmov s21  }
0x2ca: {  	s22 =	sor.u32 $0x280, s19  }
0x2cb: {  	p0 =	por $0x1, $0x1;
	v1 =	vmov s22;
	s22 =	simm.s32 $0x0  }
.LBB2_23:
0x2cc: {  	s21 =	sshll.u32 s22, $0x4  }
0x2cd: {  	s23 =	sand.u32 $0x3FFFFFF0, s21  }
0x2ce: {  	v3 =	vld.idx.msk [tilespmem:v2+s23+$0x0 ss:$0x1], $0xffff  }
0x2cf: {  	v4 =	vld.idx.msk [tilespmem:v2+s23+$0x10 ss:$0x1], $0xffff  }
0x2d0: {  	v51 =	vld.idx.msk [tilespmem:v2+s23+$0x20 ss:$0x1], $0xffff  }
0x2d1: {  	s29 =	sor.u32 $0x80, s21;
	v9 =	vld.idx.msk [tilespmem:v2+s23+$0x30 ss:$0x1], $0xffff  }
0x2d2: {  	s28 =	sor.u32 $0x90, s21;
	v53 =	vld.idx.msk [tilespmem:v2+s29+$0x0 ss:$0x1], $0xffff  }
0x2d3: {  	s24 =	sor.u32 $0xA0, s21;
	v11 =	vld.idx.msk [tilespmem:v2+s28+$0x0 ss:$0x1], $0xffff  }
0x2d4: {  	s26 =	sor.u32 $0xB0, s21;
	v13 =	vld.idx.msk [tilespmem:v2+s24+$0x0 ss:$0x1], $0xffff  }
0x2d5: {  	s25 =	sor.u32 $0xC0, s21;
	v55 =	vld.idx.msk [tilespmem:v2+s26+$0x0 ss:$0x1], $0xffff  }
0x2d6: {  	v18 =	vld.idx.msk [tilespmem:v2+s25+$0x0 ss:$0x1], $0xffff;
	v5 =	vand.u32 $0xFF80, v3;
	v6 =	vand.u32 $0x7F, v3;
	v3 =	vshra.s32 v3, $0x10  }
0x2d7: {  	v7 =	vand.u32 $0xFF80, v4;
	v8 =	vand.u32 $0x7F, v4;
	v4 =	vshra.s32 v4, $0x10  }
0x2d8: {  	v52 =	vand.u32 $0xFF80, v51;
	v10 =	vand.u32 $0x7F, v51;
	v12 =	vand.u32 $0xFF80, v9  }
0x2d9: {  	v14 =	vand.u32 $0x7F, v9;
	v15 =	vand.u32 $0xFF80, v53;
	v16 =	vand.u32 $0x7F, v53  }
0x2da: {  	v17 =	vand.u32 $0xFF80, v11;
	v20 =	vand.u32 $0x7F, v11;
	v21 =	vand.u32 $0xFF80, v13  }
0x2db: {  	v23 =	vand.u32 $0x7F, v13;
	v24 =	vand.u32 $0xFF80, v55;
	v61 =	vand.u32 $0xFF80, v18  }
0x2dc: {  	v62 =	vand.u32 $0x7F, v18;
	v11 =	vshra.s32 v11, $0x10;
	v13 =	vshra.s32 v13, $0x10  }
0x2dd: {  	v19 =	vld.idx.msk [tilespmem:v2+s23+$0x40 ss:$0x1], $0xffff;
	v18 =	vshra.s32 v18, $0x10;
	v5 =	vadd.s32 v1, v5;
	v3 =	vadd.s32 v1, v3  }
0x2de: {  	v57 =	vld.idx.msk [tilespmem:v2+s23+$0x50 ss:$0x1], $0xffff;
	v7 =	vadd.s32 v1, v7;
	v4 =	vadd.s32 v1, v4;
	v12 =	vadd.s32 v1, v12  }
0x2df: {  	v22 =	vld.idx.msk [tilespmem:v2+s23+$0x60 ss:$0x1], $0xffff;
	v54 =	vadd.s32 v1, v15;
	v56 =	vadd.s32 v1, v17;
	v60 =	vadd.s32 v1, v24  }
0x2e0: {  	s31 =	sor.u32 $0xD0, s21;
	v59 =	vld.idx.msk [tilespmem:v2+s23+$0x70 ss:$0x1], $0xffff;
	v24 =	vadd.s32 v1, v61;
	v11 =	vadd.s32 v1, v11;
	v13 =	vadd.s32 v1, v13  }
0x2e1: {  	v25 =	vld.idx.msk [tilespmem:v2+s31+$0x0 ss:$0x1], $0xffff;
	s23 =	sshll.u32 s31, $0x3;
	s31 =	sor.u32 $0xE0, s21;
	s21 =	sor.u32 $0xF0, s21;
	v18 =	vadd.s32 v1, v18;
	v5 =	vand.u32 $0x1FF80, v5;
	v12 =	vand.u32 $0x1FF80, v12  }
0x2e2: {  	v24 =	vand.u32 $0x1FF80, v24;
	v5 =	vor.u32 v6, v5;
	v6 =	vshra.s32 v51, $0x10;
	v51 =	vld.idx.msk [tilespmem:v2+s21+$0x0 ss:$0x1], $0xffff  }
0x2e3: {  	v12 =	vor.u32 v14, v12;
	v14 =	vand.u32 $0x1FF80, v54;
	v24 =	vor.u32 v62, v24;
	v3 =	vld.idx.msk [tilespmem:v3+s10+$0x0], $0xffff  }
0x2e4: {  	v58 =	vadd.s32 v1, v21;
	v14 =	vor.u32 v16, v14;
	v16 =	vand.u32 $0x1FF80, v56;
	v4 =	vld.idx.msk [tilespmem:v4+s10+$0x0], $0xffff  }
0x2e5: {  	v7 =	vand.u32 $0x1FF80, v7;
	v16 =	vor.u32 v20, v16;
	v20 =	vand.u32 $0x1FF80, v58;
	v11 =	vld.idx.msk [tilespmem:v11+s10+$0x0], $0xffff  }
0x2e6: {  	v7 =	vor.u32 v8, v7;
	v8 =	vadd.s32 v1, v52;
	v20 =	vor.u32 v23, v20;
	v13 =	vld.idx.msk [tilespmem:v13+s10+$0x0], $0xffff  }
0x2e7: {  	v8 =	vand.u32 $0x1FF80, v8;
	v18 =	vld.idx.msk [tilespmem:v18+s10+$0x0], $0xffff  }
0x2e8: {  	v8 =	vor.u32 v10, v8;
	v10 =	vshra.s32 v53, $0x10;
	v24 =	vld.idx.msk [tilespmem:v24+s10+$0x0], $0xffff  }
0x2e9: {  	v9 =	vshra.s32 v9, $0x10;
	v10 =	vadd.s32 v1, v10;
	v14 =	vld.idx.msk [tilespmem:v14+s10+$0x0], $0xffff  }
0x2ea: {  	v9 =	vadd.s32 v1, v9;
	v16 =	vld.idx.msk [tilespmem:v16+s10+$0x0], $0xffff  }
0x2eb: {  	s25 =	sshll.u32 s25, $0x3;
	v26 =	vand.u32 $0x7F, v55;
	v20 =	vld.idx.msk [tilespmem:v20+s10+$0x0], $0xffff  }
0x2ec: {  	s29 =	sshll.u32 s29, $0x3;
	s30 =	sand.u32 $0xC00, s25;
	v63 =	vand.u32 $0xFF80, v19;
	v32 =	vand.u32 $0xFF80, v57;
	v6 =	vadd.s32 v1, v6;
	v5 =	vld.idx.msk [tilespmem:v5+s10+$0x0], $0xffff  }
0x2ed: {  	s28 =	sshll.u32 s28, $0x3;
	s29 =	sand.u32 $0x3FFFFF80, s29;
	v30 =	vand.u32 $0x7F, v19;
	v31 =	vshra.s32 v19, $0x10;
	v19 =	vadd.s32 v1, v32;
	v7 =	vld.idx.msk [tilespmem:v7+s10+$0x0], $0xffff;
	[tilespmem:s30+$0x16B40] =	vst v24  }
0x2ee: {  	s24 =	sshll.u32 s24, $0x3;
	s28 =	sand.u32 $0xC00, s28;
	v34 =	vand.u32 $0x7F, v57;
	v37 =	vshra.s32 v57, $0x10;
	v19 =	vand.u32 $0x1FF80, v19;
	v10 =	vld.idx.msk [tilespmem:v10+s10+$0x0], $0xffff;
	[tilespmem:s29+$0x16B00] =	vst v14  }
0x2ef: {  	s24 =	sand.u32 $0x3FFFFF80, s24;
	v19 =	vor.u32 v34, v19;
	v23 =	vand.u32 $0x1FF80, v60;
	v36 =	vld.idx.msk [tilespmem:v9+s10+$0x0], $0xffff;
	v9 =	vadd.s32 v1, v37;
	s29 =	sshll.u32 s22, $0x7;
	[tilespmem:s28+$0x16B10] =	vst v16  }
0x2f0: {  	v23 =	vor.u32 v26, v23;
	v26 =	vadd.s32 v1, v63;
	v8 =	vld.idx.msk [tilespmem:v8+s10+$0x0], $0xffff;
	s22 =	sand.u32 $0x3FFFFF80, s29;
	[tilespmem:s24+$0x16A20] =	vst v20  }
0x2f1: {  	v29 =	vand.u32 $0x1FF80, v26;
	v6 =	vld.idx.msk [tilespmem:v6+s10+$0x0], $0xffff;
	[tilespmem:s22+$0x16B00] =	vst v5  }
0x2f2: {  	v27 =	vand.u32 $0xFF80, v25;
	v12 =	vld.idx.msk [tilespmem:v12+s10+$0x0], $0xffff;
	v14 =	vor.u32 v30, v29;
	[tilespmem:s22+$0x17B00] =	vst v3  }
0x2f3: {  	v28 =	vand.u32 $0x7F, v25;
	v38 =	vand.u32 $0xFF80, v22;
	v41 =	vand.u32 $0x7F, v22;
	[tilespmem:s22+$0x16B10] =	vst v7  }
0x2f4: {  	v42 =	vand.u32 $0xFF80, v59;
	v44 =	vshra.s32 v22, $0x10;
	v47 =	vand.u32 $0x7F, v59;
	v19 =	vld.idx.msk [tilespmem:v19+s10+$0x0], $0xffff;
	[tilespmem:s22+$0x17B10] =	vst v4  }
0x2f5: {  	v48 =	vshra.s32 v59, $0x10;
	v15 =	vshra.s32 v55, $0x10;
	v27 =	vadd.s32 v1, v27;
	v50 =	vld.idx.msk [tilespmem:v9+s10+$0x0], $0xffff;
	[tilespmem:s22+$0x16B20] =	vst v8  }
0x2f6: {  	v39 =	vadd.s32 v1, v38;
	v15 =	vadd.s32 v1, v15;
	v27 =	vand.u32 $0x1FF80, v27;
	[tilespmem:s22+$0x17B20] =	vst v6  }
0x2f7: {  	v56 =	vand.u32 $0xFF80, v51;
	v16 =	vadd.s32 v1, v31;
	[tilespmem:s22+$0x16B30] =	vst v12;
	v3 =	vld.idx.msk [tilespmem:v14+s10+$0x0], $0xffff;
	v14 =	vand.u32 $0x1FF80, v39  }
0x2f8: {  	v59 =	vadd.s32 v1, v56;
	[tilespmem:s22+$0x17B30] =	vst v36;
	v43 =	vor.u32 v41, v14;
	v14 =	vadd.s32 v1, v44  }
0x2f9: {  	v49 =	vld.idx.msk [tilespmem:v2+s31+$0x0 ss:$0x1], $0xffff;
	v27 =	vor.u32 v28, v27;
	v61 =	vand.u32 $0x7F, v51;
	v60 =	vand.u32 $0x1FF80, v59;
	[tilespmem:s22+$0x16B50] =	vst v19  }
0x2fa: {  	v62 =	vor.u32 v61, v60;
	v23 =	vld.idx.msk [tilespmem:v23+s10+$0x0], $0xffff;
	[tilespmem:s22+$0x17B50] =	vst v50  }
0x2fb: {  	v15 =	vld.idx.msk [tilespmem:v15+s10+$0x0], $0xffff;
	[tilespmem:s22+$0x17F00] =	vst v10  }
0x2fc: {  	[tilespmem:s22+$0x17F10] =	vst v11;
	v40 =	vld.idx.msk [tilespmem:v16+s10+$0x0], $0xffff  }
0x2fd: {  	s26 =	sshll.u32 s26, $0x3;
	v33 =	vshra.s32 v25, $0x10;
	v45 =	vadd.s32 v1, v42;
	v8 =	vadd.s32 v1, v48;
	[tilespmem:s22+$0x16B40] =	vst v3;
	v3 =	vld.idx.msk [tilespmem:v14+s10+$0x0], $0xffff  }
0x2fe: {  	v53 =	vand.u32 $0xFF80, v49;
	v35 =	vld.idx.msk [tilespmem:v27+s10+$0x0], $0xffff;
	v63 =	vshra.s32 v51, $0x10;
	s28 =	sand.u32 $0xD00, s26;
	v20 =	vadd.s32 v1, v33;
	[tilespmem:s22+$0x17F40] =	vst v18  }
0x2ff: {  	v7 =	vadd.s32 v1, v53;
	v6 =	vadd.s32 v1, v63;
	v5 =	vld.idx.msk [tilespmem:v62+s10+$0x0], $0xffff;
	[tilespmem:s28+$0x16A30] =	vst v23;
	v16 =	vand.u32 $0x1FF80, v45  }
0x300: {  	v55 =	vand.u32 $0x7F, v49;
	v54 =	vand.u32 $0x1FF80, v7;
	[tilespmem:s22+$0x17F20] =	vst v13;
	v16 =	vor.u32 v47, v16  }
0x301: {  	v58 =	vshra.s32 v49, $0x10;
	v57 =	vor.u32 v55, v54;
	[tilespmem:s22+$0x17F30] =	vst v15;
	v4 =	vld.idx.msk [tilespmem:v43+s10+$0x0], $0xffff  }
0x302: {  	s23 =	sand.u32 $0xC00, s23;
	s21 =	sshll.u32 s21, $0x3;
	v8 =	vld.idx.msk [tilespmem:v8+s10+$0x0], $0xffff;
	[tilespmem:s22+$0x17B60] =	vst v3;
	v3 =	vadd.s32 v1, v58  }
0x303: {  	s21 =	sand.u32 $0xD00, s21;
	v46 =	vld.idx.msk [tilespmem:v20+s10+$0x0], $0xffff;
	[tilespmem:s23+$0x16B50] =	vst v35  }
0x304: {  	v6 =	vld.idx.msk [tilespmem:v6+s10+$0x0], $0xffff;
	[tilespmem:s21+$0x16A70] =	vst v5  }
0x305: {  	[tilespmem:s22+$0x17B40] =	vst v40;
	v52 =	vld.idx.msk [tilespmem:v16+s10+$0x0], $0xffff  }
0x306: {  	[tilespmem:s22+$0x16B60] =	vst v4;
	v4 =	vld.idx.msk [tilespmem:v57+s10+$0x0], $0xffff  }
0x307: {  	p1 =	por p0, p0;
	[tilespmem:s22+$0x17B70] =	vst v8;
	v3 =	vld.idx.msk [tilespmem:v3+s10+$0x0], $0xffff  }
.Ltmp10:
0x308: {  	[tilespmem:s22+$0x17F50] =	vst v46;
	(pc) =	sbr.rel @p1 .LBB2_23-.Ltmp10, $4  }
0x309: {  	s23 =	sshll.u32 s31, $0x3;
	[tilespmem:s22+$0x17F70] =	vst v6  }
0x30a: {  	s23 =	sand.u32 $0xD00, s23;
	[tilespmem:s22+$0x16B70] =	vst v52  }
0x30b: {  	[tilespmem:s23+$0x16A60] =	vst v4  }
0x30c: {  	p0 =	por $0x0, $0x0;
	[tilespmem:s22+$0x17F60] =	vst v3;
	s22 =	simm.s32 $0x10  }
0x30d: {  	(v2sf) =	vpush v0, $0xB;
	_ =	sdelay $0xe  }
0x30e: {  	s21 =	spop (v2sf)  }
0x30f: {  	s21 =	sshll.u32 s21, $0xB  }
0x310: {  	s21 =	sshra.s32 s21, $0x2  }
0x311: {  	v2 =	vmov s21  }
0x312: {  	s22 =	sor.u32 $0x2C0, s19  }
0x313: {  	p0 =	por $0x1, $0x1;
	v1 =	vmov s22;
	s22 =	simm.s32 $0x0  }
.LBB2_25:
0x314: {  	s21 =	sshll.u32 s22, $0x4  }
0x315: {  	s23 =	sand.u32 $0x3FFFFFF0, s21  }
0x316: {  	v3 =	vld.idx.msk [tilespmem:v2+s23+$0x0 ss:$0x1], $0xffff  }
0x317: {  	v4 =	vld.idx.msk [tilespmem:v2+s23+$0x10 ss:$0x1], $0xffff  }
0x318: {  	v5 =	vld.idx.msk [tilespmem:v2+s23+$0x20 ss:$0x1], $0xffff  }
0x319: {  	s24 =	sor.u32 $0x80, s21;
	v8 =	vld.idx.msk [tilespmem:v2+s23+$0x30 ss:$0x1], $0xffff  }
0x31a: {  	s25 =	sor.u32 $0x90, s21;
	v11 =	vld.idx.msk [tilespmem:v2+s24+$0x0 ss:$0x1], $0xffff  }
0x31b: {  	s26 =	sor.u32 $0xA0, s21;
	v12 =	vld.idx.msk [tilespmem:v2+s25+$0x0 ss:$0x1], $0xffff  }
0x31c: {  	s28 =	sor.u32 $0xB0, s21;
	v13 =	vld.idx.msk [tilespmem:v2+s26+$0x0 ss:$0x1], $0xffff  }
0x31d: {  	s29 =	sor.u32 $0xC0, s21;
	v15 =	vld.idx.msk [tilespmem:v2+s28+$0x0 ss:$0x1], $0xffff  }
0x31e: {  	v16 =	vld.idx.msk [tilespmem:v2+s29+$0x0 ss:$0x1], $0xffff  }
0x31f: {  	v17 =	vld.idx.msk [tilespmem:v2+s23+$0x40 ss:$0x1], $0xffff;
	v6 =	vand.u32 $0xFFFF, v3  }
0x320: {  	v18 =	vld.idx.msk [tilespmem:v2+s23+$0x50 ss:$0x1], $0xffff;
	v3 =	vshra.s32 v3, $0x10;
	v6 =	vadd.s32 v1, v6  }
0x321: {  	v20 =	vld.idx.msk [tilespmem:v2+s23+$0x60 ss:$0x1], $0xffff;
	s26 =	sshll.u32 s26, $0x3;
	v7 =	vand.u32 $0xFFFF, v4;
	v3 =	vadd.s32 v1, v3  }
0x322: {  	v22 =	vld.idx.msk [tilespmem:v2+s23+$0x70 ss:$0x1], $0xffff;
	s23 =	sor.u32 $0xD0, s21;
	s31 =	sshll.u32 s28, $0x3;
	s30 =	sor.u32 $0x1A0, s26;
	v4 =	vshra.s32 v4, $0x10;
	v7 =	vadd.s32 v1, v7  }
0x323: {  	v25 =	vld.idx.msk [tilespmem:v2+s23+$0x0 ss:$0x1], $0xffff;
	s26 =	sand.u32 $0x3FFFFF80, s31;
	s31 =	sor.u32 $0xE0, s21;
	s21 =	sor.u32 $0xF0, s21;
	v14 =	vand.u32 $0xFFFF, v11;
	v4 =	vadd.s32 v1, v4  }
0x324: {  	v56 =	vld.idx.msk [tilespmem:v2+s21+$0x0 ss:$0x1], $0xffff;
	v19 =	vand.u32 $0xFFFF, v12;
	v14 =	vadd.s32 v1, v14  }
0x325: {  	v21 =	vand.u32 $0xFFFF, v13;
	v19 =	vadd.s32 v1, v19;
	v6 =	vld.idx.msk [tilespmem:v6+s10+$0x0], $0xffff  }
0x326: {  	v23 =	vand.u32 $0xFFFF, v15;
	v21 =	vadd.s32 v1, v21;
	v3 =	vld.idx.msk [tilespmem:v3+s10+$0x0], $0xffff  }
0x327: {  	v9 =	vand.u32 $0xFFFF, v5;
	v23 =	vadd.s32 v1, v23;
	v7 =	vld.idx.msk [tilespmem:v7+s10+$0x0], $0xffff  }
0x328: {  	v11 =	vshra.s32 v11, $0x10;
	v9 =	vadd.s32 v1, v9;
	v4 =	vld.idx.msk [tilespmem:v4+s10+$0x0], $0xffff  }
0x329: {  	v12 =	vshra.s32 v12, $0x10;
	v11 =	vadd.s32 v1, v11;
	v14 =	vld.idx.msk [tilespmem:v14+s10+$0x0], $0xffff  }
0x32a: {  	v13 =	vshra.s32 v13, $0x10;
	v12 =	vadd.s32 v1, v12;
	v19 =	vld.idx.msk [tilespmem:v19+s10+$0x0], $0xffff  }
0x32b: {  	v15 =	vshra.s32 v15, $0x10;
	v13 =	vadd.s32 v1, v13;
	v21 =	vld.idx.msk [tilespmem:v21+s10+$0x0], $0xffff  }
0x32c: {  	s24 =	sshll.u32 s24, $0x3;
	v5 =	vshra.s32 v5, $0x10;
	v15 =	vadd.s32 v1, v15;
	v23 =	vld.idx.msk [tilespmem:v23+s10+$0x0], $0xffff  }
0x32d: {  	s25 =	sshll.u32 s25, $0x3;
	s24 =	sand.u32 $0x3FFFFF80, s24;
	v10 =	vand.u32 $0xFFFF, v8;
	v5 =	vadd.s32 v1, v5;
	v9 =	vld.idx.msk [tilespmem:v9+s10+$0x0], $0xffff  }
0x32e: {  	s25 =	sor.u32 $0x190, s25;
	v8 =	vshra.s32 v8, $0x10;
	v10 =	vadd.s32 v1, v10;
	v11 =	vld.idx.msk [tilespmem:v11+s10+$0x0], $0xffff;
	[tilespmem:s24+$0x16B80] =	vst v14  }
0x32f: {  	v26 =	vand.u32 $0xFFFF, v17;
	v8 =	vadd.s32 v1, v8;
	v12 =	vld.idx.msk [tilespmem:v12+s10+$0x0], $0xffff;
	[tilespmem:s25+$0x16A00] =	vst v19  }
0x330: {  	s28 =	sshll.u32 s29, $0x3;
	s29 =	sshll.u32 s22, $0x7;
	v17 =	vshra.s32 v17, $0x10;
	v39 =	vadd.s32 v1, v26;
	v13 =	vld.idx.msk [tilespmem:v13+s10+$0x0], $0xffff;
	[tilespmem:s30+$0x16A00] =	vst v21  }
0x331: {  	s22 =	sand.u32 $0x3FFFFF80, s29;
	v24 =	vand.u32 $0xFFFF, v16;
	v17 =	vadd.s32 v1, v17;
	v15 =	vld.idx.msk [tilespmem:v15+s10+$0x0], $0xffff;
	[tilespmem:s26+$0x16A30] =	vst v23  }
0x332: {  	v24 =	vadd.s32 v1, v24;
	v5 =	vld.idx.msk [tilespmem:v5+s10+$0x0], $0xffff;
	[tilespmem:s22+$0x16B80] =	vst v6  }
0x333: {  	v10 =	vld.idx.msk [tilespmem:v10+s10+$0x0], $0xffff;
	[tilespmem:s22+$0x17B80] =	vst v3  }
0x334: {  	v16 =	vshra.s32 v16, $0x10;
	v8 =	vld.idx.msk [tilespmem:v8+s10+$0x0], $0xffff;
	[tilespmem:s22+$0x16B90] =	vst v7  }
0x335: {  	v42 =	vand.u32 $0xFFFF, v18;
	v18 =	vshra.s32 v18, $0x10;
	v16 =	vadd.s32 v1, v16;
	v44 =	vld.idx.msk [tilespmem:v39+s10+$0x0], $0xffff;
	[tilespmem:s22+$0x17B90] =	vst v4  }
0x336: {  	v40 =	vand.u32 $0xFFFF, v25;
	v18 =	vadd.s32 v1, v18;
	v47 =	vld.idx.msk [tilespmem:v17+s10+$0x0], $0xffff;
	[tilespmem:s22+$0x16BA0] =	vst v9  }
0x337: {  	v45 =	vand.u32 $0xFFFF, v20;
	v41 =	vadd.s32 v1, v40;
	v24 =	vld.idx.msk [tilespmem:v24+s10+$0x0], $0xffff;
	[tilespmem:s22+$0x17BA0] =	vst v5  }
0x338: {  	v60 =	vand.u32 $0xFFFF, v56;
	v3 =	vadd.s32 v1, v45;
	[tilespmem:s22+$0x16BB0] =	vst v10  }
0x339: {  	v54 =	vld.idx.msk [tilespmem:v2+s31+$0x0 ss:$0x1], $0xffff;
	v48 =	vshra.s32 v20, $0x10;
	v61 =	vadd.s32 v1, v60;
	[tilespmem:s22+$0x17BB0] =	vst v8  }
0x33a: {  	v51 =	vand.u32 $0xFFFF, v22;
	v16 =	vld.idx.msk [tilespmem:v16+s10+$0x0], $0xffff;
	v17 =	vadd.s32 v1, v48;
	[tilespmem:s22+$0x16BC0] =	vst v44  }
0x33b: {  	v50 =	vld.idx.msk [tilespmem:v18+s10+$0x0], $0xffff;
	v18 =	vadd.s32 v1, v51;
	s30 =	sand.u32 $0xC00, s28;
	[tilespmem:s22+$0x17BC0] =	vst v47  }
0x33c: {  	v52 =	vshra.s32 v22, $0x10;
	v46 =	vld.idx.msk [tilespmem:v41+s10+$0x0], $0xffff;
	v21 =	vadd.s32 v1, v42;
	[tilespmem:s30+$0x16BC0] =	vst v24  }
0x33d: {  	v43 =	vshra.s32 v25, $0x10;
	v5 =	vadd.s32 v1, v52;
	[tilespmem:s22+$0x17F80] =	vst v11;
	v3 =	vld.idx.msk [tilespmem:v3+s10+$0x0], $0xffff  }
0x33e: {  	v63 =	vld.idx.msk [tilespmem:v61+s10+$0x0], $0xffff;
	v23 =	vadd.s32 v1, v43;
	[tilespmem:s22+$0x17F90] =	vst v12  }
0x33f: {  	v55 =	vld.idx.msk [tilespmem:v17+s10+$0x0], $0xffff;
	[tilespmem:s22+$0x17FA0] =	vst v13  }
0x340: {  	v57 =	vld.idx.msk [tilespmem:v18+s10+$0x0], $0xffff;
	v6 =	vshra.s32 v56, $0x10;
	[tilespmem:s22+$0x17FB0] =	vst v15  }
0x341: {  	s23 =	sshll.u32 s23, $0x3;
	v59 =	vand.u32 $0xFFFF, v54;
	v62 =	vadd.s32 v1, v6;
	[tilespmem:s22+$0x17FC0] =	vst v16;
	v49 =	vld.idx.msk [tilespmem:v21+s10+$0x0], $0xffff  }
0x342: {  	s23 =	sand.u32 $0xC00, s23;
	v58 =	vld.idx.msk [tilespmem:v5+s10+$0x0], $0xffff;
	v5 =	vadd.s32 v1, v59;
	[tilespmem:s22+$0x16BE0] =	vst v3;
	v3 =	vshra.s32 v54, $0x10  }
0x343: {  	v53 =	vld.idx.msk [tilespmem:v23+s10+$0x0], $0xffff;
	[tilespmem:s23+$0x16BD0] =	vst v46;
	v3 =	vadd.s32 v1, v3  }
0x344: {  	[tilespmem:s22+$0x17BD0] =	vst v50  }
0x345: {  	s21 =	sshll.u32 s21, $0x3;
	[tilespmem:s22+$0x17BE0] =	vst v55  }
0x346: {  	s21 =	sand.u32 $0xD80, s21;
	[tilespmem:s22+$0x16BF0] =	vst v57;
	v4 =	vld.idx.msk [tilespmem:v62+s10+$0x0], $0xffff  }
0x347: {  	[tilespmem:s21+$0x16A70] =	vst v63;
	v5 =	vld.idx.msk [tilespmem:v5+s10+$0x0], $0xffff  }
0x348: {  	p1 =	por p0, p0;
	[tilespmem:s22+$0x16BD0] =	vst v49;
	v3 =	vld.idx.msk [tilespmem:v3+s10+$0x0], $0xffff  }
.Ltmp11:
0x349: {  	[tilespmem:s22+$0x17BF0] =	vst v58;
	(pc) =	sbr.rel @p1 .LBB2_25-.Ltmp11, $4  }
0x34a: {  	s23 =	sshll.u32 s31, $0x3;
	[tilespmem:s22+$0x17FD0] =	vst v53  }
0x34b: {  	s23 =	sand.u32 $0xC00, s23;
	[tilespmem:s22+$0x17FF0] =	vst v4  }
0x34c: {  	[tilespmem:s23+$0x16BE0] =	vst v5  }
0x34d: {  	p0 =	por $0x0, $0x0;
	[tilespmem:s22+$0x17FE0] =	vst v3;
	s22 =	simm.s32 $0x10  }
0x34e: {  	(v2sf) =	vpush v0, $0xC;
	_ =	sdelay $0xe  }
0x34f: {  	s21 =	spop (v2sf)  }
0x350: {  	s21 =	sshll.u32 s21, $0xB  }
0x351: {  	s21 =	sshra.s32 s21, $0x2  }
0x352: {  	v2 =	vmov s21  }
0x353: {  	s22 =	sor.u32 $0x300, s19  }
0x354: {  	p0 =	por $0x1, $0x1;
	v1 =	vmov s22;
	s22 =	simm.s32 $0x0  }
.LBB2_27:
0x355: {  	s21 =	sshll.u32 s22, $0x4  }
0x356: {  	s23 =	sand.u32 $0x3FFFFFF0, s21  }
0x357: {  	v3 =	vld.idx.msk [tilespmem:v2+s23+$0x0 ss:$0x1], $0xffff  }
0x358: {  	v4 =	vld.idx.msk [tilespmem:v2+s23+$0x10 ss:$0x1], $0xffff  }
0x359: {  	v51 =	vld.idx.msk [tilespmem:v2+s23+$0x20 ss:$0x1], $0xffff  }
0x35a: {  	s29 =	sor.u32 $0x80, s21;
	v9 =	vld.idx.msk [tilespmem:v2+s23+$0x30 ss:$0x1], $0xffff  }
0x35b: {  	s28 =	sor.u32 $0x90, s21;
	v53 =	vld.idx.msk [tilespmem:v2+s29+$0x0 ss:$0x1], $0xffff  }
0x35c: {  	s24 =	sor.u32 $0xA0, s21;
	v11 =	vld.idx.msk [tilespmem:v2+s28+$0x0 ss:$0x1], $0xffff  }
0x35d: {  	s26 =	sor.u32 $0xB0, s21;
	v13 =	vld.idx.msk [tilespmem:v2+s24+$0x0 ss:$0x1], $0xffff  }
0x35e: {  	s25 =	sor.u32 $0xC0, s21;
	v55 =	vld.idx.msk [tilespmem:v2+s26+$0x0 ss:$0x1], $0xffff  }
0x35f: {  	v18 =	vld.idx.msk [tilespmem:v2+s25+$0x0 ss:$0x1], $0xffff;
	v5 =	vand.u32 $0xFF80, v3;
	v6 =	vand.u32 $0x7F, v3;
	v3 =	vshra.s32 v3, $0x10  }
0x360: {  	v7 =	vand.u32 $0xFF80, v4;
	v8 =	vand.u32 $0x7F, v4;
	v4 =	vshra.s32 v4, $0x10  }
0x361: {  	v52 =	vand.u32 $0xFF80, v51;
	v10 =	vand.u32 $0x7F, v51;
	v12 =	vand.u32 $0xFF80, v9  }
0x362: {  	v14 =	vand.u32 $0x7F, v9;
	v15 =	vand.u32 $0xFF80, v53;
	v16 =	vand.u32 $0x7F, v53  }
0x363: {  	v17 =	vand.u32 $0xFF80, v11;
	v20 =	vand.u32 $0x7F, v11;
	v21 =	vand.u32 $0xFF80, v13  }
0x364: {  	v23 =	vand.u32 $0x7F, v13;
	v24 =	vand.u32 $0xFF80, v55;
	v61 =	vand.u32 $0xFF80, v18  }
0x365: {  	v62 =	vand.u32 $0x7F, v18;
	v11 =	vshra.s32 v11, $0x10;
	v13 =	vshra.s32 v13, $0x10  }
0x366: {  	v19 =	vld.idx.msk [tilespmem:v2+s23+$0x40 ss:$0x1], $0xffff;
	v18 =	vshra.s32 v18, $0x10;
	v5 =	vadd.s32 v1, v5;
	v3 =	vadd.s32 v1, v3  }
0x367: {  	v57 =	vld.idx.msk [tilespmem:v2+s23+$0x50 ss:$0x1], $0xffff;
	v7 =	vadd.s32 v1, v7;
	v4 =	vadd.s32 v1, v4;
	v12 =	vadd.s32 v1, v12  }
0x368: {  	v22 =	vld.idx.msk [tilespmem:v2+s23+$0x60 ss:$0x1], $0xffff;
	v54 =	vadd.s32 v1, v15;
	v56 =	vadd.s32 v1, v17;
	v60 =	vadd.s32 v1, v24  }
0x369: {  	s31 =	sor.u32 $0xD0, s21;
	v59 =	vld.idx.msk [tilespmem:v2+s23+$0x70 ss:$0x1], $0xffff;
	v24 =	vadd.s32 v1, v61;
	v11 =	vadd.s32 v1, v11;
	v13 =	vadd.s32 v1, v13  }
0x36a: {  	v25 =	vld.idx.msk [tilespmem:v2+s31+$0x0 ss:$0x1], $0xffff;
	s23 =	sshll.u32 s31, $0x3;
	s31 =	sor.u32 $0xE0, s21;
	s21 =	sor.u32 $0xF0, s21;
	v18 =	vadd.s32 v1, v18;
	v5 =	vand.u32 $0x1FF80, v5;
	v12 =	vand.u32 $0x1FF80, v12  }
0x36b: {  	v24 =	vand.u32 $0x1FF80, v24;
	v5 =	vor.u32 v6, v5;
	v6 =	vshra.s32 v51, $0x10;
	v51 =	vld.idx.msk [tilespmem:v2+s21+$0x0 ss:$0x1], $0xffff  }
0x36c: {  	v12 =	vor.u32 v14, v12;
	v14 =	vand.u32 $0x1FF80, v54;
	v24 =	vor.u32 v62, v24;
	v3 =	vld.idx.msk [tilespmem:v3+s10+$0x0], $0xffff  }
0x36d: {  	v58 =	vadd.s32 v1, v21;
	v14 =	vor.u32 v16, v14;
	v16 =	vand.u32 $0x1FF80, v56;
	v4 =	vld.idx.msk [tilespmem:v4+s10+$0x0], $0xffff  }
0x36e: {  	v7 =	vand.u32 $0x1FF80, v7;
	v16 =	vor.u32 v20, v16;
	v20 =	vand.u32 $0x1FF80, v58;
	v11 =	vld.idx.msk [tilespmem:v11+s10+$0x0], $0xffff  }
0x36f: {  	v7 =	vor.u32 v8, v7;
	v8 =	vadd.s32 v1, v52;
	v20 =	vor.u32 v23, v20;
	v13 =	vld.idx.msk [tilespmem:v13+s10+$0x0], $0xffff  }
0x370: {  	v8 =	vand.u32 $0x1FF80, v8;
	v18 =	vld.idx.msk [tilespmem:v18+s10+$0x0], $0xffff  }
0x371: {  	v8 =	vor.u32 v10, v8;
	v10 =	vshra.s32 v53, $0x10;
	v24 =	vld.idx.msk [tilespmem:v24+s10+$0x0], $0xffff  }
0x372: {  	v9 =	vshra.s32 v9, $0x10;
	v10 =	vadd.s32 v1, v10;
	v14 =	vld.idx.msk [tilespmem:v14+s10+$0x0], $0xffff  }
0x373: {  	v9 =	vadd.s32 v1, v9;
	v16 =	vld.idx.msk [tilespmem:v16+s10+$0x0], $0xffff  }
0x374: {  	s25 =	sshll.u32 s25, $0x3;
	v26 =	vand.u32 $0x7F, v55;
	v20 =	vld.idx.msk [tilespmem:v20+s10+$0x0], $0xffff  }
0x375: {  	s29 =	sshll.u32 s29, $0x3;
	s30 =	sand.u32 $0x3FFFFF80, s25;
	v63 =	vand.u32 $0xFF80, v19;
	v32 =	vand.u32 $0xFF80, v57;
	v6 =	vadd.s32 v1, v6;
	v5 =	vld.idx.msk [tilespmem:v5+s10+$0x0], $0xffff  }
0x376: {  	s28 =	sshll.u32 s28, $0x3;
	s29 =	sand.u32 $0x3FFFFF80, s29;
	v30 =	vand.u32 $0x7F, v19;
	v31 =	vshra.s32 v19, $0x10;
	v19 =	vadd.s32 v1, v32;
	v7 =	vld.idx.msk [tilespmem:v7+s10+$0x0], $0xffff;
	[tilespmem:s30+$0x16A40] =	vst v24  }
0x377: {  	s24 =	sshll.u32 s24, $0x3;
	s28 =	sand.u32 $0xC00, s28;
	v34 =	vand.u32 $0x7F, v57;
	v37 =	vshra.s32 v57, $0x10;
	v19 =	vand.u32 $0x1FF80, v19;
	v10 =	vld.idx.msk [tilespmem:v10+s10+$0x0], $0xffff;
	[tilespmem:s29+$0x16C00] =	vst v14  }
0x378: {  	s24 =	sand.u32 $0xC00, s24;
	v19 =	vor.u32 v34, v19;
	v23 =	vand.u32 $0x1FF80, v60;
	v36 =	vld.idx.msk [tilespmem:v9+s10+$0x0], $0xffff;
	v9 =	vadd.s32 v1, v37;
	s29 =	sshll.u32 s22, $0x7;
	[tilespmem:s28+$0x16C10] =	vst v16  }
0x379: {  	v23 =	vor.u32 v26, v23;
	v26 =	vadd.s32 v1, v63;
	v8 =	vld.idx.msk [tilespmem:v8+s10+$0x0], $0xffff;
	s22 =	sand.u32 $0x3FFFFF80, s29;
	[tilespmem:s24+$0x16C20] =	vst v20  }
0x37a: {  	v29 =	vand.u32 $0x1FF80, v26;
	v6 =	vld.idx.msk [tilespmem:v6+s10+$0x0], $0xffff;
	[tilespmem:s22+$0x16C00] =	vst v5  }
0x37b: {  	v27 =	vand.u32 $0xFF80, v25;
	v12 =	vld.idx.msk [tilespmem:v12+s10+$0x0], $0xffff;
	v14 =	vor.u32 v30, v29;
	[tilespmem:s22+$0x17C00] =	vst v3  }
0x37c: {  	v28 =	vand.u32 $0x7F, v25;
	v38 =	vand.u32 $0xFF80, v22;
	v41 =	vand.u32 $0x7F, v22;
	[tilespmem:s22+$0x16C10] =	vst v7  }
0x37d: {  	v42 =	vand.u32 $0xFF80, v59;
	v44 =	vshra.s32 v22, $0x10;
	v47 =	vand.u32 $0x7F, v59;
	v19 =	vld.idx.msk [tilespmem:v19+s10+$0x0], $0xffff;
	[tilespmem:s22+$0x17C10] =	vst v4  }
0x37e: {  	v48 =	vshra.s32 v59, $0x10;
	v15 =	vshra.s32 v55, $0x10;
	v27 =	vadd.s32 v1, v27;
	v50 =	vld.idx.msk [tilespmem:v9+s10+$0x0], $0xffff;
	[tilespmem:s22+$0x16C20] =	vst v8  }
0x37f: {  	v39 =	vadd.s32 v1, v38;
	v15 =	vadd.s32 v1, v15;
	v27 =	vand.u32 $0x1FF80, v27;
	[tilespmem:s22+$0x17C20] =	vst v6  }
0x380: {  	v56 =	vand.u32 $0xFF80, v51;
	v16 =	vadd.s32 v1, v31;
	[tilespmem:s22+$0x16C30] =	vst v12;
	v3 =	vld.idx.msk [tilespmem:v14+s10+$0x0], $0xffff;
	v14 =	vand.u32 $0x1FF80, v39  }
0x381: {  	v59 =	vadd.s32 v1, v56;
	[tilespmem:s22+$0x17C30] =	vst v36;
	v43 =	vor.u32 v41, v14;
	v14 =	vadd.s32 v1, v44  }
0x382: {  	v49 =	vld.idx.msk [tilespmem:v2+s31+$0x0 ss:$0x1], $0xffff;
	v27 =	vor.u32 v28, v27;
	v61 =	vand.u32 $0x7F, v51;
	v60 =	vand.u32 $0x1FF80, v59;
	[tilespmem:s22+$0x16C50] =	vst v19  }
0x383: {  	v62 =	vor.u32 v61, v60;
	v23 =	vld.idx.msk [tilespmem:v23+s10+$0x0], $0xffff;
	[tilespmem:s22+$0x17C50] =	vst v50  }
0x384: {  	v15 =	vld.idx.msk [tilespmem:v15+s10+$0x0], $0xffff;
	[tilespmem:s22+$0x18000] =	vst v10  }
0x385: {  	[tilespmem:s22+$0x18010] =	vst v11;
	v40 =	vld.idx.msk [tilespmem:v16+s10+$0x0], $0xffff  }
0x386: {  	s26 =	sshll.u32 s26, $0x3;
	v33 =	vshra.s32 v25, $0x10;
	v45 =	vadd.s32 v1, v42;
	v8 =	vadd.s32 v1, v48;
	[tilespmem:s22+$0x16C40] =	vst v3;
	v3 =	vld.idx.msk [tilespmem:v14+s10+$0x0], $0xffff  }
0x387: {  	v53 =	vand.u32 $0xFF80, v49;
	v35 =	vld.idx.msk [tilespmem:v27+s10+$0x0], $0xffff;
	v63 =	vshra.s32 v51, $0x10;
	s28 =	sand.u32 $0xC00, s26;
	v20 =	vadd.s32 v1, v33;
	[tilespmem:s22+$0x18040] =	vst v18  }
0x388: {  	v7 =	vadd.s32 v1, v53;
	v6 =	vadd.s32 v1, v63;
	v5 =	vld.idx.msk [tilespmem:v62+s10+$0x0], $0xffff;
	[tilespmem:s28+$0x16C30] =	vst v23;
	v16 =	vand.u32 $0x1FF80, v45  }
0x389: {  	v55 =	vand.u32 $0x7F, v49;
	v54 =	vand.u32 $0x1FF80, v7;
	[tilespmem:s22+$0x18020] =	vst v13;
	v16 =	vor.u32 v47, v16  }
0x38a: {  	v58 =	vshra.s32 v49, $0x10;
	v57 =	vor.u32 v55, v54;
	[tilespmem:s22+$0x18030] =	vst v15;
	v4 =	vld.idx.msk [tilespmem:v43+s10+$0x0], $0xffff  }
0x38b: {  	s23 =	sand.u32 $0xE00, s23;
	s21 =	sshll.u32 s21, $0x3;
	v8 =	vld.idx.msk [tilespmem:v8+s10+$0x0], $0xffff;
	[tilespmem:s22+$0x17C60] =	vst v3;
	v3 =	vadd.s32 v1, v58  }
0x38c: {  	s21 =	sand.u32 $0xE00, s21;
	v46 =	vld.idx.msk [tilespmem:v20+s10+$0x0], $0xffff;
	[tilespmem:s23+$0x16A50] =	vst v35  }
0x38d: {  	v6 =	vld.idx.msk [tilespmem:v6+s10+$0x0], $0xffff;
	[tilespmem:s21+$0x16A70] =	vst v5  }
0x38e: {  	[tilespmem:s22+$0x17C40] =	vst v40;
	v52 =	vld.idx.msk [tilespmem:v16+s10+$0x0], $0xffff  }
0x38f: {  	[tilespmem:s22+$0x16C60] =	vst v4;
	v4 =	vld.idx.msk [tilespmem:v57+s10+$0x0], $0xffff  }
0x390: {  	p1 =	por p0, p0;
	[tilespmem:s22+$0x17C70] =	vst v8;
	v3 =	vld.idx.msk [tilespmem:v3+s10+$0x0], $0xffff  }
.Ltmp12:
0x391: {  	[tilespmem:s22+$0x18050] =	vst v46;
	(pc) =	sbr.rel @p1 .LBB2_27-.Ltmp12, $4  }
0x392: {  	s23 =	sshll.u32 s31, $0x3;
	[tilespmem:s22+$0x18070] =	vst v6  }
0x393: {  	s23 =	sand.u32 $0xE00, s23;
	[tilespmem:s22+$0x16C70] =	vst v52  }
0x394: {  	[tilespmem:s23+$0x16A60] =	vst v4  }
0x395: {  	p0 =	por $0x0, $0x0;
	[tilespmem:s22+$0x18060] =	vst v3;
	s22 =	simm.s32 $0x10  }
0x396: {  	(v2sf) =	vpush v0, $0xD;
	_ =	sdelay $0xe  }
0x397: {  	s21 =	spop (v2sf)  }
0x398: {  	s21 =	sshll.u32 s21, $0xB  }
0x399: {  	s21 =	sshra.s32 s21, $0x2  }
0x39a: {  	v2 =	vmov s21  }
0x39b: {  	s22 =	sor.u32 $0x340, s19  }
0x39c: {  	p0 =	por $0x1, $0x1;
	v1 =	vmov s22;
	s22 =	simm.s32 $0x0  }
.LBB2_29:
0x39d: {  	s21 =	sshll.u32 s22, $0x4  }
0x39e: {  	s23 =	sand.u32 $0x3FFFFFF0, s21  }
0x39f: {  	v3 =	vld.idx.msk [tilespmem:v2+s23+$0x0 ss:$0x1], $0xffff  }
0x3a0: {  	v4 =	vld.idx.msk [tilespmem:v2+s23+$0x10 ss:$0x1], $0xffff  }
0x3a1: {  	v5 =	vld.idx.msk [tilespmem:v2+s23+$0x20 ss:$0x1], $0xffff  }
0x3a2: {  	s24 =	sor.u32 $0x80, s21;
	v8 =	vld.idx.msk [tilespmem:v2+s23+$0x30 ss:$0x1], $0xffff  }
0x3a3: {  	s25 =	sor.u32 $0x90, s21;
	v11 =	vld.idx.msk [tilespmem:v2+s24+$0x0 ss:$0x1], $0xffff  }
0x3a4: {  	s26 =	sor.u32 $0xA0, s21;
	v12 =	vld.idx.msk [tilespmem:v2+s25+$0x0 ss:$0x1], $0xffff  }
0x3a5: {  	s28 =	sor.u32 $0xB0, s21;
	v13 =	vld.idx.msk [tilespmem:v2+s26+$0x0 ss:$0x1], $0xffff  }
0x3a6: {  	s29 =	sor.u32 $0xC0, s21;
	v15 =	vld.idx.msk [tilespmem:v2+s28+$0x0 ss:$0x1], $0xffff  }
0x3a7: {  	v16 =	vld.idx.msk [tilespmem:v2+s29+$0x0 ss:$0x1], $0xffff  }
0x3a8: {  	v17 =	vld.idx.msk [tilespmem:v2+s23+$0x40 ss:$0x1], $0xffff;
	v6 =	vand.u32 $0xFFFF, v3  }
0x3a9: {  	v18 =	vld.idx.msk [tilespmem:v2+s23+$0x50 ss:$0x1], $0xffff;
	v3 =	vshra.s32 v3, $0x10;
	v6 =	vadd.s32 v1, v6  }
0x3aa: {  	v20 =	vld.idx.msk [tilespmem:v2+s23+$0x60 ss:$0x1], $0xffff;
	s26 =	sshll.u32 s26, $0x3;
	v7 =	vand.u32 $0xFFFF, v4;
	v3 =	vadd.s32 v1, v3  }
0x3ab: {  	v22 =	vld.idx.msk [tilespmem:v2+s23+$0x70 ss:$0x1], $0xffff;
	s23 =	sor.u32 $0xD0, s21;
	s31 =	sshll.u32 s28, $0x3;
	s30 =	sand.u32 $0xC00, s26;
	v4 =	vshra.s32 v4, $0x10;
	v7 =	vadd.s32 v1, v7  }
0x3ac: {  	v25 =	vld.idx.msk [tilespmem:v2+s23+$0x0 ss:$0x1], $0xffff;
	s26 =	sand.u32 $0xC00, s31;
	s31 =	sor.u32 $0xE0, s21;
	s21 =	sor.u32 $0xF0, s21;
	v14 =	vand.u32 $0xFFFF, v11;
	v4 =	vadd.s32 v1, v4  }
0x3ad: {  	v56 =	vld.idx.msk [tilespmem:v2+s21+$0x0 ss:$0x1], $0xffff;
	v19 =	vand.u32 $0xFFFF, v12;
	v14 =	vadd.s32 v1, v14  }
0x3ae: {  	v21 =	vand.u32 $0xFFFF, v13;
	v19 =	vadd.s32 v1, v19;
	v6 =	vld.idx.msk [tilespmem:v6+s10+$0x0], $0xffff  }
0x3af: {  	v23 =	vand.u32 $0xFFFF, v15;
	v21 =	vadd.s32 v1, v21;
	v3 =	vld.idx.msk [tilespmem:v3+s10+$0x0], $0xffff  }
0x3b0: {  	v9 =	vand.u32 $0xFFFF, v5;
	v23 =	vadd.s32 v1, v23;
	v7 =	vld.idx.msk [tilespmem:v7+s10+$0x0], $0xffff  }
0x3b1: {  	v11 =	vshra.s32 v11, $0x10;
	v9 =	vadd.s32 v1, v9;
	v4 =	vld.idx.msk [tilespmem:v4+s10+$0x0], $0xffff  }
0x3b2: {  	v12 =	vshra.s32 v12, $0x10;
	v11 =	vadd.s32 v1, v11;
	v14 =	vld.idx.msk [tilespmem:v14+s10+$0x0], $0xffff  }
0x3b3: {  	v13 =	vshra.s32 v13, $0x10;
	v12 =	vadd.s32 v1, v12;
	v19 =	vld.idx.msk [tilespmem:v19+s10+$0x0], $0xffff  }
0x3b4: {  	v15 =	vshra.s32 v15, $0x10;
	v13 =	vadd.s32 v1, v13;
	v21 =	vld.idx.msk [tilespmem:v21+s10+$0x0], $0xffff  }
0x3b5: {  	s24 =	sshll.u32 s24, $0x3;
	v5 =	vshra.s32 v5, $0x10;
	v15 =	vadd.s32 v1, v15;
	v23 =	vld.idx.msk [tilespmem:v23+s10+$0x0], $0xffff  }
0x3b6: {  	s25 =	sshll.u32 s25, $0x3;
	s24 =	sand.u32 $0x3FFFFF80, s24;
	v10 =	vand.u32 $0xFFFF, v8;
	v5 =	vadd.s32 v1, v5;
	v9 =	vld.idx.msk [tilespmem:v9+s10+$0x0], $0xffff  }
0x3b7: {  	s25 =	sor.u32 $0x290, s25;
	v8 =	vshra.s32 v8, $0x10;
	v10 =	vadd.s32 v1, v10;
	v11 =	vld.idx.msk [tilespmem:v11+s10+$0x0], $0xffff;
	[tilespmem:s24+$0x16C80] =	vst v14  }
0x3b8: {  	v26 =	vand.u32 $0xFFFF, v17;
	v8 =	vadd.s32 v1, v8;
	v12 =	vld.idx.msk [tilespmem:v12+s10+$0x0], $0xffff;
	[tilespmem:s25+$0x16A00] =	vst v19  }
0x3b9: {  	s28 =	sshll.u32 s29, $0x3;
	s29 =	sshll.u32 s22, $0x7;
	v17 =	vshra.s32 v17, $0x10;
	v39 =	vadd.s32 v1, v26;
	v13 =	vld.idx.msk [tilespmem:v13+s10+$0x0], $0xffff;
	[tilespmem:s30+$0x16CA0] =	vst v21  }
0x3ba: {  	s22 =	sand.u32 $0x3FFFFF80, s29;
	v24 =	vand.u32 $0xFFFF, v16;
	v17 =	vadd.s32 v1, v17;
	v15 =	vld.idx.msk [tilespmem:v15+s10+$0x0], $0xffff;
	[tilespmem:s26+$0x16CB0] =	vst v23  }
0x3bb: {  	v24 =	vadd.s32 v1, v24;
	v5 =	vld.idx.msk [tilespmem:v5+s10+$0x0], $0xffff;
	[tilespmem:s22+$0x16C80] =	vst v6  }
0x3bc: {  	v10 =	vld.idx.msk [tilespmem:v10+s10+$0x0], $0xffff;
	[tilespmem:s22+$0x17C80] =	vst v3  }
0x3bd: {  	v16 =	vshra.s32 v16, $0x10;
	v8 =	vld.idx.msk [tilespmem:v8+s10+$0x0], $0xffff;
	[tilespmem:s22+$0x16C90] =	vst v7  }
0x3be: {  	v42 =	vand.u32 $0xFFFF, v18;
	v18 =	vshra.s32 v18, $0x10;
	v16 =	vadd.s32 v1, v16;
	v44 =	vld.idx.msk [tilespmem:v39+s10+$0x0], $0xffff;
	[tilespmem:s22+$0x17C90] =	vst v4  }
0x3bf: {  	v40 =	vand.u32 $0xFFFF, v25;
	v18 =	vadd.s32 v1, v18;
	v47 =	vld.idx.msk [tilespmem:v17+s10+$0x0], $0xffff;
	[tilespmem:s22+$0x16CA0] =	vst v9  }
0x3c0: {  	v45 =	vand.u32 $0xFFFF, v20;
	v41 =	vadd.s32 v1, v40;
	v24 =	vld.idx.msk [tilespmem:v24+s10+$0x0], $0xffff;
	[tilespmem:s22+$0x17CA0] =	vst v5  }
0x3c1: {  	v60 =	vand.u32 $0xFFFF, v56;
	v3 =	vadd.s32 v1, v45;
	[tilespmem:s22+$0x16CB0] =	vst v10  }
0x3c2: {  	v54 =	vld.idx.msk [tilespmem:v2+s31+$0x0 ss:$0x1], $0xffff;
	v48 =	vshra.s32 v20, $0x10;
	v61 =	vadd.s32 v1, v60;
	[tilespmem:s22+$0x17CB0] =	vst v8  }
0x3c3: {  	v51 =	vand.u32 $0xFFFF, v22;
	v16 =	vld.idx.msk [tilespmem:v16+s10+$0x0], $0xffff;
	v17 =	vadd.s32 v1, v48;
	[tilespmem:s22+$0x16CC0] =	vst v44  }
0x3c4: {  	v50 =	vld.idx.msk [tilespmem:v18+s10+$0x0], $0xffff;
	v18 =	vadd.s32 v1, v51;
	s30 =	sor.u32 $0x2C0, s28;
	[tilespmem:s22+$0x17CC0] =	vst v47  }
0x3c5: {  	v52 =	vshra.s32 v22, $0x10;
	v46 =	vld.idx.msk [tilespmem:v41+s10+$0x0], $0xffff;
	v21 =	vadd.s32 v1, v42;
	[tilespmem:s30+$0x16A00] =	vst v24  }
0x3c6: {  	v43 =	vshra.s32 v25, $0x10;
	v5 =	vadd.s32 v1, v52;
	[tilespmem:s22+$0x18080] =	vst v11;
	v3 =	vld.idx.msk [tilespmem:v3+s10+$0x0], $0xffff  }
0x3c7: {  	v63 =	vld.idx.msk [tilespmem:v61+s10+$0x0], $0xffff;
	v23 =	vadd.s32 v1, v43;
	[tilespmem:s22+$0x18090] =	vst v12  }
0x3c8: {  	v55 =	vld.idx.msk [tilespmem:v17+s10+$0x0], $0xffff;
	[tilespmem:s22+$0x180A0] =	vst v13  }
0x3c9: {  	v57 =	vld.idx.msk [tilespmem:v18+s10+$0x0], $0xffff;
	v6 =	vshra.s32 v56, $0x10;
	[tilespmem:s22+$0x180B0] =	vst v15  }
0x3ca: {  	s23 =	sshll.u32 s23, $0x3;
	v59 =	vand.u32 $0xFFFF, v54;
	v62 =	vadd.s32 v1, v6;
	[tilespmem:s22+$0x180C0] =	vst v16;
	v49 =	vld.idx.msk [tilespmem:v21+s10+$0x0], $0xffff  }
0x3cb: {  	s23 =	sand.u32 $0x3FFFFF80, s23;
	v58 =	vld.idx.msk [tilespmem:v5+s10+$0x0], $0xffff;
	v5 =	vadd.s32 v1, v59;
	[tilespmem:s22+$0x16CE0] =	vst v3;
	v3 =	vshra.s32 v54, $0x10  }
0x3cc: {  	v53 =	vld.idx.msk [tilespmem:v23+s10+$0x0], $0xffff;
	[tilespmem:s23+$0x16A50] =	vst v46;
	v3 =	vadd.s32 v1, v3  }
0x3cd: {  	[tilespmem:s22+$0x17CD0] =	vst v50  }
0x3ce: {  	s21 =	sshll.u32 s21, $0x3;
	[tilespmem:s22+$0x17CE0] =	vst v55  }
0x3cf: {  	s21 =	sand.u32 $0xE80, s21;
	[tilespmem:s22+$0x16CF0] =	vst v57;
	v4 =	vld.idx.msk [tilespmem:v62+s10+$0x0], $0xffff  }
0x3d0: {  	[tilespmem:s21+$0x16A70] =	vst v63;
	v5 =	vld.idx.msk [tilespmem:v5+s10+$0x0], $0xffff  }
0x3d1: {  	p1 =	por p0, p0;
	[tilespmem:s22+$0x16CD0] =	vst v49;
	v3 =	vld.idx.msk [tilespmem:v3+s10+$0x0], $0xffff  }
.Ltmp13:
0x3d2: {  	[tilespmem:s22+$0x17CF0] =	vst v58;
	(pc) =	sbr.rel @p1 .LBB2_29-.Ltmp13, $4  }
0x3d3: {  	s23 =	sshll.u32 s31, $0x3;
	[tilespmem:s22+$0x180D0] =	vst v53  }
0x3d4: {  	s23 =	sand.u32 $0xC00, s23;
	[tilespmem:s22+$0x180F0] =	vst v4  }
0x3d5: {  	[tilespmem:s23+$0x16CE0] =	vst v5  }
0x3d6: {  	p0 =	por $0x0, $0x0;
	[tilespmem:s22+$0x180E0] =	vst v3;
	s22 =	simm.s32 $0x10  }
0x3d7: {  	(v2sf) =	vpush v0, $0xE;
	_ =	sdelay $0xe  }
0x3d8: {  	s21 =	spop (v2sf)  }
0x3d9: {  	s21 =	sshll.u32 s21, $0xB  }
0x3da: {  	s21 =	sshra.s32 s21, $0x2  }
0x3db: {  	v2 =	vmov s21  }
0x3dc: {  	s22 =	sor.u32 $0x380, s19  }
0x3dd: {  	p0 =	por $0x1, $0x1;
	v1 =	vmov s22;
	s22 =	simm.s32 $0x0  }
.LBB2_31:
0x3de: {  	s21 =	sshll.u32 s22, $0x4  }
0x3df: {  	s23 =	sand.u32 $0x3FFFFFF0, s21  }
0x3e0: {  	v3 =	vld.idx.msk [tilespmem:v2+s23+$0x0 ss:$0x1], $0xffff  }
0x3e1: {  	v4 =	vld.idx.msk [tilespmem:v2+s23+$0x10 ss:$0x1], $0xffff  }
0x3e2: {  	v51 =	vld.idx.msk [tilespmem:v2+s23+$0x20 ss:$0x1], $0xffff  }
0x3e3: {  	s29 =	sor.u32 $0x80, s21;
	v9 =	vld.idx.msk [tilespmem:v2+s23+$0x30 ss:$0x1], $0xffff  }
0x3e4: {  	s28 =	sor.u32 $0x90, s21;
	v53 =	vld.idx.msk [tilespmem:v2+s29+$0x0 ss:$0x1], $0xffff  }
0x3e5: {  	s24 =	sor.u32 $0xA0, s21;
	v11 =	vld.idx.msk [tilespmem:v2+s28+$0x0 ss:$0x1], $0xffff  }
0x3e6: {  	s26 =	sor.u32 $0xB0, s21;
	v13 =	vld.idx.msk [tilespmem:v2+s24+$0x0 ss:$0x1], $0xffff  }
0x3e7: {  	s25 =	sor.u32 $0xC0, s21;
	v55 =	vld.idx.msk [tilespmem:v2+s26+$0x0 ss:$0x1], $0xffff  }
0x3e8: {  	v18 =	vld.idx.msk [tilespmem:v2+s25+$0x0 ss:$0x1], $0xffff;
	v5 =	vand.u32 $0xFF80, v3;
	v6 =	vand.u32 $0x7F, v3;
	v3 =	vshra.s32 v3, $0x10  }
0x3e9: {  	v7 =	vand.u32 $0xFF80, v4;
	v8 =	vand.u32 $0x7F, v4;
	v4 =	vshra.s32 v4, $0x10  }
0x3ea: {  	v52 =	vand.u32 $0xFF80, v51;
	v10 =	vand.u32 $0x7F, v51;
	v12 =	vand.u32 $0xFF80, v9  }
0x3eb: {  	v14 =	vand.u32 $0x7F, v9;
	v15 =	vand.u32 $0xFF80, v53;
	v16 =	vand.u32 $0x7F, v53  }
0x3ec: {  	v17 =	vand.u32 $0xFF80, v11;
	v20 =	vand.u32 $0x7F, v11;
	v21 =	vand.u32 $0xFF80, v13  }
0x3ed: {  	v23 =	vand.u32 $0x7F, v13;
	v24 =	vand.u32 $0xFF80, v55;
	v61 =	vand.u32 $0xFF80, v18  }
0x3ee: {  	v62 =	vand.u32 $0x7F, v18;
	v11 =	vshra.s32 v11, $0x10;
	v13 =	vshra.s32 v13, $0x10  }
0x3ef: {  	v19 =	vld.idx.msk [tilespmem:v2+s23+$0x40 ss:$0x1], $0xffff;
	v18 =	vshra.s32 v18, $0x10;
	v5 =	vadd.s32 v1, v5;
	v3 =	vadd.s32 v1, v3  }
0x3f0: {  	v57 =	vld.idx.msk [tilespmem:v2+s23+$0x50 ss:$0x1], $0xffff;
	v7 =	vadd.s32 v1, v7;
	v4 =	vadd.s32 v1, v4;
	v12 =	vadd.s32 v1, v12  }
0x3f1: {  	v22 =	vld.idx.msk [tilespmem:v2+s23+$0x60 ss:$0x1], $0xffff;
	v54 =	vadd.s32 v1, v15;
	v56 =	vadd.s32 v1, v17;
	v60 =	vadd.s32 v1, v24  }
0x3f2: {  	s31 =	sor.u32 $0xD0, s21;
	v59 =	vld.idx.msk [tilespmem:v2+s23+$0x70 ss:$0x1], $0xffff;
	v24 =	vadd.s32 v1, v61;
	v11 =	vadd.s32 v1, v11;
	v13 =	vadd.s32 v1, v13  }
0x3f3: {  	v25 =	vld.idx.msk [tilespmem:v2+s31+$0x0 ss:$0x1], $0xffff;
	s23 =	sshll.u32 s31, $0x3;
	s31 =	sor.u32 $0xE0, s21;
	s21 =	sor.u32 $0xF0, s21;
	v18 =	vadd.s32 v1, v18;
	v5 =	vand.u32 $0x1FF80, v5;
	v12 =	vand.u32 $0x1FF80, v12  }
0x3f4: {  	v24 =	vand.u32 $0x1FF80, v24;
	v5 =	vor.u32 v6, v5;
	v6 =	vshra.s32 v51, $0x10;
	v51 =	vld.idx.msk [tilespmem:v2+s21+$0x0 ss:$0x1], $0xffff  }
0x3f5: {  	v12 =	vor.u32 v14, v12;
	v14 =	vand.u32 $0x1FF80, v54;
	v24 =	vor.u32 v62, v24;
	v3 =	vld.idx.msk [tilespmem:v3+s10+$0x0], $0xffff  }
0x3f6: {  	v58 =	vadd.s32 v1, v21;
	v14 =	vor.u32 v16, v14;
	v16 =	vand.u32 $0x1FF80, v56;
	v4 =	vld.idx.msk [tilespmem:v4+s10+$0x0], $0xffff  }
0x3f7: {  	v7 =	vand.u32 $0x1FF80, v7;
	v16 =	vor.u32 v20, v16;
	v20 =	vand.u32 $0x1FF80, v58;
	v11 =	vld.idx.msk [tilespmem:v11+s10+$0x0], $0xffff  }
0x3f8: {  	v7 =	vor.u32 v8, v7;
	v8 =	vadd.s32 v1, v52;
	v20 =	vor.u32 v23, v20;
	v13 =	vld.idx.msk [tilespmem:v13+s10+$0x0], $0xffff  }
0x3f9: {  	v8 =	vand.u32 $0x1FF80, v8;
	v18 =	vld.idx.msk [tilespmem:v18+s10+$0x0], $0xffff  }
0x3fa: {  	v8 =	vor.u32 v10, v8;
	v10 =	vshra.s32 v53, $0x10;
	v24 =	vld.idx.msk [tilespmem:v24+s10+$0x0], $0xffff  }
0x3fb: {  	v9 =	vshra.s32 v9, $0x10;
	v10 =	vadd.s32 v1, v10;
	v14 =	vld.idx.msk [tilespmem:v14+s10+$0x0], $0xffff  }
0x3fc: {  	v9 =	vadd.s32 v1, v9;
	v16 =	vld.idx.msk [tilespmem:v16+s10+$0x0], $0xffff  }
0x3fd: {  	s25 =	sshll.u32 s25, $0x3;
	v26 =	vand.u32 $0x7F, v55;
	v20 =	vld.idx.msk [tilespmem:v20+s10+$0x0], $0xffff  }
0x3fe: {  	s29 =	sshll.u32 s29, $0x3;
	s30 =	sor.u32 $0x340, s25;
	v63 =	vand.u32 $0xFF80, v19;
	v32 =	vand.u32 $0xFF80, v57;
	v6 =	vadd.s32 v1, v6;
	v5 =	vld.idx.msk [tilespmem:v5+s10+$0x0], $0xffff  }
0x3ff: {  	s28 =	sshll.u32 s28, $0x3;
	s29 =	sand.u32 $0x3FFFFF80, s29;
	v30 =	vand.u32 $0x7F, v19;
	v31 =	vshra.s32 v19, $0x10;
	v19 =	vadd.s32 v1, v32;
	v7 =	vld.idx.msk [tilespmem:v7+s10+$0x0], $0xffff;
	[tilespmem:s30+$0x16A00] =	vst v24  }
0x400: {  	s24 =	sshll.u32 s24, $0x3;
	s28 =	sand.u32 $0xC00, s28;
	v34 =	vand.u32 $0x7F, v57;
	v37 =	vshra.s32 v57, $0x10;
	v19 =	vand.u32 $0x1FF80, v19;
	v10 =	vld.idx.msk [tilespmem:v10+s10+$0x0], $0xffff;
	[tilespmem:s29+$0x16D00] =	vst v14  }
0x401: {  	s24 =	sor.u32 $0x320, s24;
	v19 =	vor.u32 v34, v19;
	v23 =	vand.u32 $0x1FF80, v60;
	v36 =	vld.idx.msk [tilespmem:v9+s10+$0x0], $0xffff;
	v9 =	vadd.s32 v1, v37;
	s29 =	sshll.u32 s22, $0x7;
	[tilespmem:s28+$0x16D10] =	vst v16  }
0x402: {  	v23 =	vor.u32 v26, v23;
	v26 =	vadd.s32 v1, v63;
	v8 =	vld.idx.msk [tilespmem:v8+s10+$0x0], $0xffff;
	s22 =	sand.u32 $0x3FFFFF80, s29;
	[tilespmem:s24+$0x16A00] =	vst v20  }
0x403: {  	v29 =	vand.u32 $0x1FF80, v26;
	v6 =	vld.idx.msk [tilespmem:v6+s10+$0x0], $0xffff;
	[tilespmem:s22+$0x16D00] =	vst v5  }
0x404: {  	v27 =	vand.u32 $0xFF80, v25;
	v12 =	vld.idx.msk [tilespmem:v12+s10+$0x0], $0xffff;
	v14 =	vor.u32 v30, v29;
	[tilespmem:s22+$0x17D00] =	vst v3  }
0x405: {  	v28 =	vand.u32 $0x7F, v25;
	v38 =	vand.u32 $0xFF80, v22;
	v41 =	vand.u32 $0x7F, v22;
	[tilespmem:s22+$0x16D10] =	vst v7  }
0x406: {  	v42 =	vand.u32 $0xFF80, v59;
	v44 =	vshra.s32 v22, $0x10;
	v47 =	vand.u32 $0x7F, v59;
	v19 =	vld.idx.msk [tilespmem:v19+s10+$0x0], $0xffff;
	[tilespmem:s22+$0x17D10] =	vst v4  }
0x407: {  	v48 =	vshra.s32 v59, $0x10;
	v15 =	vshra.s32 v55, $0x10;
	v27 =	vadd.s32 v1, v27;
	v50 =	vld.idx.msk [tilespmem:v9+s10+$0x0], $0xffff;
	[tilespmem:s22+$0x16D20] =	vst v8  }
0x408: {  	v39 =	vadd.s32 v1, v38;
	v15 =	vadd.s32 v1, v15;
	v27 =	vand.u32 $0x1FF80, v27;
	[tilespmem:s22+$0x17D20] =	vst v6  }
0x409: {  	v56 =	vand.u32 $0xFF80, v51;
	v16 =	vadd.s32 v1, v31;
	[tilespmem:s22+$0x16D30] =	vst v12;
	v3 =	vld.idx.msk [tilespmem:v14+s10+$0x0], $0xffff;
	v14 =	vand.u32 $0x1FF80, v39  }
0x40a: {  	v59 =	vadd.s32 v1, v56;
	[tilespmem:s22+$0x17D30] =	vst v36;
	v43 =	vor.u32 v41, v14;
	v14 =	vadd.s32 v1, v44  }
0x40b: {  	v49 =	vld.idx.msk [tilespmem:v2+s31+$0x0 ss:$0x1], $0xffff;
	v27 =	vor.u32 v28, v27;
	v61 =	vand.u32 $0x7F, v51;
	v60 =	vand.u32 $0x1FF80, v59;
	[tilespmem:s22+$0x16D50] =	vst v19  }
0x40c: {  	v62 =	vor.u32 v61, v60;
	v23 =	vld.idx.msk [tilespmem:v23+s10+$0x0], $0xffff;
	[tilespmem:s22+$0x17D50] =	vst v50  }
0x40d: {  	v15 =	vld.idx.msk [tilespmem:v15+s10+$0x0], $0xffff;
	[tilespmem:s22+$0x18100] =	vst v10  }
0x40e: {  	[tilespmem:s22+$0x18110] =	vst v11;
	v40 =	vld.idx.msk [tilespmem:v16+s10+$0x0], $0xffff  }
0x40f: {  	s26 =	sshll.u32 s26, $0x3;
	v33 =	vshra.s32 v25, $0x10;
	v45 =	vadd.s32 v1, v42;
	v8 =	vadd.s32 v1, v48;
	[tilespmem:s22+$0x16D40] =	vst v3;
	v3 =	vld.idx.msk [tilespmem:v14+s10+$0x0], $0xffff  }
0x410: {  	v53 =	vand.u32 $0xFF80, v49;
	v35 =	vld.idx.msk [tilespmem:v27+s10+$0x0], $0xffff;
	v63 =	vshra.s32 v51, $0x10;
	s28 =	sand.u32 $0xC00, s26;
	v20 =	vadd.s32 v1, v33;
	[tilespmem:s22+$0x18140] =	vst v18  }
0x411: {  	v7 =	vadd.s32 v1, v53;
	v6 =	vadd.s32 v1, v63;
	v5 =	vld.idx.msk [tilespmem:v62+s10+$0x0], $0xffff;
	[tilespmem:s28+$0x16D30] =	vst v23;
	v16 =	vand.u32 $0x1FF80, v45  }
0x412: {  	v55 =	vand.u32 $0x7F, v49;
	v54 =	vand.u32 $0x1FF80, v7;
	[tilespmem:s22+$0x18120] =	vst v13;
	v16 =	vor.u32 v47, v16  }
0x413: {  	v58 =	vshra.s32 v49, $0x10;
	v57 =	vor.u32 v55, v54;
	[tilespmem:s22+$0x18130] =	vst v15;
	v4 =	vld.idx.msk [tilespmem:v43+s10+$0x0], $0xffff  }
0x414: {  	s23 =	sand.u32 $0xC00, s23;
	s21 =	sshll.u32 s21, $0x3;
	v8 =	vld.idx.msk [tilespmem:v8+s10+$0x0], $0xffff;
	[tilespmem:s22+$0x17D60] =	vst v3;
	v3 =	vadd.s32 v1, v58  }
0x415: {  	s21 =	sand.u32 $0xF00, s21;
	v46 =	vld.idx.msk [tilespmem:v20+s10+$0x0], $0xffff;
	[tilespmem:s23+$0x16D50] =	vst v35  }
0x416: {  	v6 =	vld.idx.msk [tilespmem:v6+s10+$0x0], $0xffff;
	[tilespmem:s21+$0x16A70] =	vst v5  }
0x417: {  	[tilespmem:s22+$0x17D40] =	vst v40;
	v52 =	vld.idx.msk [tilespmem:v16+s10+$0x0], $0xffff  }
0x418: {  	[tilespmem:s22+$0x16D60] =	vst v4;
	v4 =	vld.idx.msk [tilespmem:v57+s10+$0x0], $0xffff  }
0x419: {  	p1 =	por p0, p0;
	[tilespmem:s22+$0x17D70] =	vst v8;
	v3 =	vld.idx.msk [tilespmem:v3+s10+$0x0], $0xffff  }
.Ltmp14:
0x41a: {  	[tilespmem:s22+$0x18150] =	vst v46;
	(pc) =	sbr.rel @p1 .LBB2_31-.Ltmp14, $4  }
0x41b: {  	s23 =	sshll.u32 s31, $0x3;
	[tilespmem:s22+$0x18170] =	vst v6  }
0x41c: {  	s23 =	sand.u32 $0x3FFFFF80, s23;
	[tilespmem:s22+$0x16D70] =	vst v52  }
0x41d: {  	[tilespmem:s23+$0x16A60] =	vst v4  }
0x41e: {  	p0 =	por $0x0, $0x0;
	[tilespmem:s22+$0x18160] =	vst v3;
	s22 =	simm.s32 $0x10  }
0x41f: {  	(v2sf) =	vpush v0, $0xF;
	_ =	sdelay $0xe  }
0x420: {  	s21 =	spop (v2sf)  }
0x421: {  	s21 =	sshll.u32 s21, $0xB  }
0x422: {  	s22 =	sshra.s32 s21, $0x2  }
0x423: {  	v1 =	vmov s22  }
0x424: {  	s19 =	sor.u32 $0x3C0, s19  }
0x425: {  	p0 =	por $0x1, $0x1;
	v0 =	vmov s19;
	s21 =	simm.s32 $0x0  }
.LBB2_33:
0x426: {  	s19 =	sshll.u32 s21, $0x4  }
0x427: {  	s22 =	sand.u32 $0x3FFFFFF0, s19  }
0x428: {  	v2 =	vld.idx.msk [tilespmem:v1+s22+$0x0 ss:$0x1], $0xffff  }
0x429: {  	v3 =	vld.idx.msk [tilespmem:v1+s22+$0x10 ss:$0x1], $0xffff  }
0x42a: {  	v4 =	vld.idx.msk [tilespmem:v1+s22+$0x20 ss:$0x1], $0xffff  }
0x42b: {  	s23 =	sor.u32 $0x80, s19;
	v7 =	vld.idx.msk [tilespmem:v1+s22+$0x30 ss:$0x1], $0xffff  }
0x42c: {  	s24 =	sor.u32 $0x90, s19;
	v10 =	vld.idx.msk [tilespmem:v1+s23+$0x0 ss:$0x1], $0xffff  }
0x42d: {  	s25 =	sor.u32 $0xA0, s19;
	v11 =	vld.idx.msk [tilespmem:v1+s24+$0x0 ss:$0x1], $0xffff  }
0x42e: {  	s26 =	sor.u32 $0xB0, s19;
	v12 =	vld.idx.msk [tilespmem:v1+s25+$0x0 ss:$0x1], $0xffff  }
0x42f: {  	s28 =	sor.u32 $0xC0, s19;
	v14 =	vld.idx.msk [tilespmem:v1+s26+$0x0 ss:$0x1], $0xffff  }
0x430: {  	v15 =	vld.idx.msk [tilespmem:v1+s28+$0x0 ss:$0x1], $0xffff;
	v5 =	vand.u32 $0xFFFF, v2  }
0x431: {  	v16 =	vld.idx.msk [tilespmem:v1+s22+$0x40 ss:$0x1], $0xffff;
	v2 =	vshra.s32 v2, $0x10;
	v5 =	vadd.s32 v0, v5  }
0x432: {  	v17 =	vld.idx.msk [tilespmem:v1+s22+$0x50 ss:$0x1], $0xffff;
	v6 =	vand.u32 $0xFFFF, v3;
	v2 =	vadd.s32 v0, v2  }
0x433: {  	v19 =	vld.idx.msk [tilespmem:v1+s22+$0x60 ss:$0x1], $0xffff;
	v3 =	vshra.s32 v3, $0x10;
	v6 =	vadd.s32 v0, v6  }
0x434: {  	v21 =	vld.idx.msk [tilespmem:v1+s22+$0x70 ss:$0x1], $0xffff;
	s22 =	sor.u32 $0xD0, s19;
	v13 =	vand.u32 $0xFFFF, v10;
	v3 =	vadd.s32 v0, v3  }
0x435: {  	v24 =	vld.idx.msk [tilespmem:v1+s22+$0x0 ss:$0x1], $0xffff;
	v18 =	vand.u32 $0xFFFF, v11;
	v13 =	vadd.s32 v0, v13  }
0x436: {  	v20 =	vand.u32 $0xFFFF, v12;
	v18 =	vadd.s32 v0, v18;
	v5 =	vld.idx.msk [tilespmem:v5+s10+$0x0], $0xffff  }
0x437: {  	v22 =	vand.u32 $0xFFFF, v14;
	v20 =	vadd.s32 v0, v20;
	v2 =	vld.idx.msk [tilespmem:v2+s10+$0x0], $0xffff  }
0x438: {  	v8 =	vand.u32 $0xFFFF, v4;
	v22 =	vadd.s32 v0, v22;
	v6 =	vld.idx.msk [tilespmem:v6+s10+$0x0], $0xffff  }
0x439: {  	v10 =	vshra.s32 v10, $0x10;
	v8 =	vadd.s32 v0, v8;
	v3 =	vld.idx.msk [tilespmem:v3+s10+$0x0], $0xffff  }
0x43a: {  	v11 =	vshra.s32 v11, $0x10;
	v10 =	vadd.s32 v0, v10;
	v13 =	vld.idx.msk [tilespmem:v13+s10+$0x0], $0xffff  }
0x43b: {  	v12 =	vshra.s32 v12, $0x10;
	v11 =	vadd.s32 v0, v11;
	v18 =	vld.idx.msk [tilespmem:v18+s10+$0x0], $0xffff  }
0x43c: {  	v14 =	vshra.s32 v14, $0x10;
	v12 =	vadd.s32 v0, v12;
	v20 =	vld.idx.msk [tilespmem:v20+s10+$0x0], $0xffff  }
0x43d: {  	s23 =	sshll.u32 s23, $0x3;
	v4 =	vshra.s32 v4, $0x10;
	v14 =	vadd.s32 v0, v14;
	v22 =	vld.idx.msk [tilespmem:v22+s10+$0x0], $0xffff  }
0x43e: {  	s24 =	sshll.u32 s24, $0x3;
	s23 =	sand.u32 $0x3FFFFF80, s23;
	v9 =	vand.u32 $0xFFFF, v7;
	v4 =	vadd.s32 v0, v4;
	v8 =	vld.idx.msk [tilespmem:v8+s10+$0x0], $0xffff  }
0x43f: {  	s31 =	sshll.u32 s25, $0x3;
	s30 =	sor.u32 $0x390, s24;
	v7 =	vshra.s32 v7, $0x10;
	v9 =	vadd.s32 v0, v9;
	v10 =	vld.idx.msk [tilespmem:v10+s10+$0x0], $0xffff;
	[tilespmem:s23+$0x16D80] =	vst v13  }
0x440: {  	s25 =	sshll.u32 s26, $0x3;
	s24 =	sor.u32 $0x3A0, s31;
	v25 =	vand.u32 $0xFFFF, v16;
	v7 =	vadd.s32 v0, v7;
	v11 =	vld.idx.msk [tilespmem:v11+s10+$0x0], $0xffff;
	[tilespmem:s30+$0x16A00] =	vst v18  }
0x441: {  	s29 =	sshll.u32 s21, $0x7;
	s26 =	sor.u32 $0x3B0, s25;
	v16 =	vshra.s32 v16, $0x10;
	v42 =	vadd.s32 v0, v25;
	v12 =	vld.idx.msk [tilespmem:v12+s10+$0x0], $0xffff;
	[tilespmem:s24+$0x16A00] =	vst v20  }
0x442: {  	s21 =	sand.u32 $0x3FFFFF80, s29;
	v23 =	vand.u32 $0xFFFF, v15;
	v16 =	vadd.s32 v0, v16;
	v14 =	vld.idx.msk [tilespmem:v14+s10+$0x0], $0xffff;
	[tilespmem:s26+$0x16A00] =	vst v22  }
0x443: {  	v23 =	vadd.s32 v0, v23;
	v4 =	vld.idx.msk [tilespmem:v4+s10+$0x0], $0xffff;
	[tilespmem:s21+$0x16D80] =	vst v5  }
0x444: {  	v45 =	vand.u32 $0xFFFF, v17;
	v9 =	vld.idx.msk [tilespmem:v9+s10+$0x0], $0xffff;
	[tilespmem:s21+$0x17D80] =	vst v2  }
0x445: {  	v7 =	vld.idx.msk [tilespmem:v7+s10+$0x0], $0xffff;
	v20 =	vadd.s32 v0, v45;
	[tilespmem:s21+$0x16D90] =	vst v6  }
0x446: {  	v15 =	vshra.s32 v15, $0x10;
	v47 =	vld.idx.msk [tilespmem:v42+s10+$0x0], $0xffff;
	[tilespmem:s21+$0x17D90] =	vst v3  }
0x447: {  	v48 =	vand.u32 $0xFFFF, v19;
	v15 =	vadd.s32 v0, v15;
	v50 =	vld.idx.msk [tilespmem:v16+s10+$0x0], $0xffff;
	[tilespmem:s21+$0x16DA0] =	vst v8  }
0x448: {  	s31 =	sor.u32 $0xE0, s19;
	v17 =	vshra.s32 v17, $0x10;
	v23 =	vld.idx.msk [tilespmem:v23+s10+$0x0], $0xffff;
	v2 =	vadd.s32 v0, v48;
	[tilespmem:s21+$0x17DA0] =	vst v4  }
0x449: {  	v56 =	vld.idx.msk [tilespmem:v1+s31+$0x0 ss:$0x1], $0xffff;
	v54 =	vshra.s32 v21, $0x10;
	v17 =	vadd.s32 v0, v17;
	[tilespmem:s21+$0x16DB0] =	vst v9  }
0x44a: {  	s19 =	sor.u32 $0xF0, s19;
	v4 =	vadd.s32 v0, v54;
	[tilespmem:s21+$0x17DB0] =	vst v7;
	v3 =	vld.idx.msk [tilespmem:v20+s10+$0x0], $0xffff  }
0x44b: {  	s28 =	sshll.u32 s28, $0x3;
	v58 =	vld.idx.msk [tilespmem:v1+s19+$0x0 ss:$0x1], $0xffff;
	v43 =	vand.u32 $0xFFFF, v24;
	[tilespmem:s21+$0x16DC0] =	vst v47  }
0x44c: {  	v51 =	vshra.s32 v19, $0x10;
	v44 =	vadd.s32 v0, v43;
	v15 =	vld.idx.msk [tilespmem:v15+s10+$0x0], $0xffff;
	s30 =	sor.u32 $0x3C0, s28;
	[tilespmem:s21+$0x17DC0] =	vst v50  }
0x44d: {  	v16 =	vadd.s32 v0, v51;
	[tilespmem:s30+$0x16A00] =	vst v23;
	v2 =	vld.idx.msk [tilespmem:v2+s10+$0x0], $0xffff  }
0x44e: {  	v53 =	vand.u32 $0xFFFF, v21;
	v52 =	vld.idx.msk [tilespmem:v17+s10+$0x0], $0xffff;
	[tilespmem:s21+$0x18180] =	vst v10  }
0x44f: {  	v46 =	vshra.s32 v24, $0x10;
	v17 =	vadd.s32 v0, v53;
	[tilespmem:s21+$0x16DD0] =	vst v3;
	v3 =	vld.idx.msk [tilespmem:v4+s10+$0x0], $0xffff  }
0x450: {  	v60 =	vand.u32 $0xFFFF, v56;
	v22 =	vadd.s32 v0, v46;
	[tilespmem:s21+$0x18190] =	vst v11  }
0x451: {  	v61 =	vand.u32 $0xFFFF, v58;
	v49 =	vld.idx.msk [tilespmem:v44+s10+$0x0], $0xffff;
	[tilespmem:s21+$0x181A0] =	vst v12;
	v4 =	vadd.s32 v0, v60  }
0x452: {  	v62 =	vadd.s32 v0, v61;
	v57 =	vld.idx.msk [tilespmem:v16+s10+$0x0], $0xffff;
	[tilespmem:s21+$0x16DE0] =	vst v2;
	v2 =	vshra.s32 v56, $0x10  }
0x453: {  	v5 =	vshra.s32 v58, $0x10;
	[tilespmem:s21+$0x181B0] =	vst v14;
	v2 =	vadd.s32 v0, v2  }
0x454: {  	s22 =	sshll.u32 s22, $0x3;
	v59 =	vld.idx.msk [tilespmem:v17+s10+$0x0], $0xffff;
	[tilespmem:s21+$0x17DF0] =	vst v3;
	v3 =	vadd.s32 v0, v5  }
0x455: {  	s22 =	sor.u32 $0x3D0, s22;
	[tilespmem:s21+$0x181C0] =	vst v15;
	v55 =	vld.idx.msk [tilespmem:v22+s10+$0x0], $0xffff  }
0x456: {  	[tilespmem:s22+$0x16A00] =	vst v49;
	v4 =	vld.idx.msk [tilespmem:v4+s10+$0x0], $0xffff  }
0x457: {  	v63 =	vld.idx.msk [tilespmem:v62+s10+$0x0], $0xffff;
	[tilespmem:s21+$0x17DD0] =	vst v52  }
0x458: {  	[tilespmem:s21+$0x17DE0] =	vst v57;
	v2 =	vld.idx.msk [tilespmem:v2+s10+$0x0], $0xffff  }
0x459: {  	p1 =	por p0, p0;
	s22 =	sshll.u32 s31, $0x3;
	[tilespmem:s21+$0x16DF0] =	vst v59;
	v3 =	vld.idx.msk [tilespmem:v3+s10+$0x0], $0xffff  }
.Ltmp15:
0x45a: {  	s19 =	sshll.u32 s19, $0x3;
	s22 =	sor.u32 $0x3E0, s22;
	[tilespmem:s21+$0x181D0] =	vst v55;
	(pc) =	sbr.rel @p1 .LBB2_33-.Ltmp15, $4  }
0x45b: {  	s19 =	sand.u32 $0x3FFFFF80, s19;
	[tilespmem:s22+$0x16A00] =	vst v4  }
0x45c: {  	[tilespmem:s19+$0x16A70] =	vst v63  }
0x45d: {  	[tilespmem:s21+$0x181E0] =	vst v2  }
0x45e: {  	p0 =	por $0x0, $0x0;
	[tilespmem:s21+$0x181F0] =	vst v3;
	s21 =	simm.s32 $0x10  }
0x45f: {  	s18 =	sadd.s32 $0x1, s18  }
0x460: {  	p0 =	sne.s32 s18, $0x20  }
.Ltmp16:
0x461: {  	_ = 	snop;
	(pc) =	sbr.rel @p0 .LBB2_2-.Ltmp16, $3  }
0x462: {  	_ =	sdelay $0x1  }
0x463: {  	s19 =	sadd.s32 s20, s8  }
0x464: {  	[hbm4b:s19+s3] =	stream.linear.scatter [tilespmem:s14], [sflag:$0x2], $0x2000, $0x38;
	[tilespmem:$0x18A00] =	vst v63  }
0x465: {  	s17 =	sadd.s32 $0x1, s17  }
0x466: {  	_ =	swait.ge [sflag:s15], $0x2000;
	p0 =	sne.s32 s17, s9  }
.Ltmp17:
0x467: {  	[sflag:s15] =	ssyncset.done $0x0;
	(pc) =	sbr.rel @p0 .LBB2_1-.Ltmp17, $4  }
0x468: {  	[sflag:s15] =	ssyncadd.s32 $0xFFFFE000  }
0x469: {  	_ =	swait.ge [sflag:s16], $0x2000  }
0x46a: {  	[sflag:s16] =	ssyncset.done $0x0  }
0x46b: {  	[sflag:s16] =	ssyncadd.s32 $0xFFFFE000  }
0x46c: {  	_ =	sfence.sel $0x180000  }
0x46d: {  	[bflag:$0x0] =	sbarrier.arrive $0xFFFF  }
0x46e: {  	p0 =	sne.s32 s0, $0x0;
	_ =	strace $0x90000047  }
0x46f: {  	s0 =	sadd.s32 @!p0 $0x100000, s1;
	[bflag:$0x2] =	sbarrier.arrive $0xFFFF  }
0x470: {  	[sflag:s0] =	ssyncadd.tile.s32 @!p0 $0x1;
	_ =	shalt  }
.Lfunc_end2:
_tile_overlayer_lowered:
.L_overlay_start_2:
0x471: {  	(tag) =	ssettag $0x2  }
0x472: {  	s0 =	rddreg [dreg:$0x0];
	s2 =	stileid.u32  }
0x473: {  	s1 =	rddreg [dreg:$0x1];
	p0 =	sne.s32 s2, $0x0  }
0x474: {  	s3 =	rddreg [dreg:$0x2];
	[bflag:$0x3] =	sbarrier.arrive $0xFFFF;
	s2 =	simm.s32 @!p0 $0x1C04  }
0x475: {  	[timem:s3], [sflag:s2] =	dma.local @!p0 [hbm:s0], s1  }
0x476: {  	s0 =	simm.s32 @!p0 $0x4  }
0x477: {  	_ =	swait.ge @!p0 [sflag:s0], s1  }
0x478: {  	s1 =	ssub.s32 @!p0 $0x0, s1;
	[sflag:s0] =	ssyncset.done @!p0 $0x0  }
0x479: {  	[sflag:s0] =	ssyncadd.s32 @!p0 s1  }
0x47a: {  	[bflag:$0x3] =	sbarrier.arrive $0xFFFF  }
0x47b: {  	_ =	shalt  }

</sc_bundles>
